<compile_context>
chip_gen: v7x
topology: tpu7x:2x2x1
jax: 0.10.2.dev20260603
libtpu: 0.0.44.dev20260713+nightly
codegen_flags: <defaults>
</compile_context>

<pallas_src>
import functools

import jax
import jax.numpy as jnp
from jax import lax
from jax.experimental import pallas as pl
from jax.experimental.pallas import tpu as pltpu
from jax.experimental.pallas import tpu_sc as plsc

_B = 4096
_D = 1024
_S = 64
_JPAD = 128
_NC, _NS = 2, 16
_NW = _NC * _NS
_RPW = _B // _NW
_G = 16
_NGRP = _RPW // _G
_DC = _D // 16
_NBUF = 4
_UNR = 1


def _sc_scores_body(x_hbm, valid_hbm, samp_hbm, w_hbm, out_hbm,
                    xg2, samp_v2, valid_v2, buf, tbuf, scores_v, sems, sema,
                    semst):
    wid = lax.axis_index("s") * _NC + lax.axis_index("c")
    iota = lax.iota(jnp.int32, 16)

    def reduce16(accs):
        for r in range(16):
            tbuf[pl.ds(r * 16, 16)] = accs[r]
        vec = plsc.load_gather(tbuf, [iota * 16])
        for l in range(1, 16):
            vec = vec + plsc.load_gather(tbuf, [iota * 16 + l])
        return vec

    zeros16 = tuple(jnp.zeros((16,), jnp.float32) for _ in range(16))

    def stage_start(g):
        p = g % 2
        b0 = wid * _RPW + g * _G
        pltpu.async_copy(x_hbm.at[pl.ds(b0, _G)], xg2.at[p], semst)
        pltpu.async_copy(samp_hbm.at[pl.ds(b0 * 4, 64)], samp_v2.at[p], semst)
        pltpu.async_copy(valid_hbm.at[pl.ds(b0, _G)], valid_v2.at[p], semst)

    def stage_wait(g):
        p = g % 2
        b0 = wid * _RPW + g * _G
        pltpu.make_async_copy(x_hbm.at[pl.ds(b0, _G)], xg2.at[p], semst).wait()
        pltpu.make_async_copy(samp_hbm.at[pl.ds(b0 * 4, 64)], samp_v2.at[p],
                              semst).wait()
        pltpu.make_async_copy(valid_hbm.at[pl.ds(b0, _G)], valid_v2.at[p],
                              semst).wait()

    stage_start(0)

    def group(g, _):
        p = g % 2
        xg = xg2.at[p]
        samp_v = samp_v2.at[p]
        valid_v = valid_v2.at[p]
        b0 = wid * _RPW + g * _G
        stage_wait(g)

        pltpu.async_copy(w_hbm.at[valid_v], buf.at[0], sema).wait()

        def start(cc, nb):
            pltpu.async_copy(w_hbm.at[samp_v.at[cc]], buf.at[nb], sems.at[nb])

        for nb in range(1, _NBUF):
            start(nb, nb)

        @pl.when(g + 1 < _NGRP)
        def _():
            stage_start(g + 1)

        def dstep_a(k, accs):
            k16 = k * _UNR * 16
            for u in range(_UNR):
                ku = k16 + u * 16
                accs = tuple(
                    accs[r] + buf[0, r, pl.ds(ku, 16)] * xg[r, pl.ds(ku, 16)]
                    for r in range(16))
            return accs

        s0 = reduce16(lax.fori_loop(0, _DC // _UNR, dstep_a, zeros16))
        plsc.store_scatter(scores_v, [iota * _JPAD], s0)
        start(0, 0)

        def quad(t, _):
            for nb in range(_NBUF):
                c = t * _NBUF + nb
                pltpu.make_async_copy(w_hbm.at[samp_v.at[c]], buf.at[nb],
                                      sems.at[nb]).wait()
                bl = c // 4

                def dstep_b(k, accs, nb=nb, bl=bl):
                    k16 = k * _UNR * 16
                    for u in range(_UNR):
                        ku = k16 + u * 16
                        xc = xg[bl, pl.ds(ku, 16)]
                        accs = tuple(
                            accs[r] + buf[nb, r, pl.ds(ku, 16)] * xc
                            for r in range(16))
                    return accs

                vec = reduce16(lax.fori_loop(0, _DC // _UNR, dstep_b, zeros16))
                off = bl * _JPAD + 1 + (c % 4) * 16
                scores_v[pl.ds(off, 16)] = vec

                @pl.when(c + _NBUF < 64)
                def _(c=c, nb=nb):
                    start(c + _NBUF, nb)
            return 0

        lax.fori_loop(0, 64 // _NBUF, quad, 0)
        pltpu.sync_copy(scores_v, out_hbm.at[pl.ds(b0 * _JPAD, _G * _JPAD)])
        return 0

    lax.fori_loop(0, _NGRP, group, 0)


_sc_scores = functools.partial(
    pl.kernel,
    out_type=jax.ShapeDtypeStruct((_B * _JPAD,), jnp.float32),
    mesh=plsc.VectorSubcoreMesh(core_axis_name="c", subcore_axis_name="s",
                                num_cores=_NC, num_subcores=_NS),
    scratch_types=[
        pltpu.VMEM((2, _G, _D), jnp.float32),
        pltpu.VMEM((2, 64, 16), jnp.int32),
        pltpu.VMEM((2, 16), jnp.int32),
        pltpu.VMEM((_NBUF, 16, _D), jnp.float32),
        pltpu.VMEM((256,), jnp.float32),
        pltpu.VMEM((_G * _JPAD,), jnp.float32),
        pltpu.SemaphoreType.DMA((_NBUF,)),
        pltpu.SemaphoreType.DMA,
        pltpu.SemaphoreType.DMA,
    ],
    compiler_params=pltpu.CompilerParams(needs_layout_passes=False),
)(_sc_scores_body)


def _loss_body(s_ref, o_ref):
    s = s_ref[...]
    lane = lax.broadcasted_iota(jnp.int32, (_B, _JPAD), 1)
    mask = lane < (1 + _S)
    sm = jnp.where(mask, s, -1e30)
    m = jnp.max(sm, axis=1, keepdims=True)
    e = jnp.where(mask, jnp.exp(sm - m), 0.0)
    p = e / jnp.sum(e, axis=1, keepdims=True)
    e2 = jnp.where(mask, jnp.exp(p), 0.0)
    lse = jnp.log(jnp.sum(e2, axis=1, keepdims=True))
    p0 = jnp.sum(jnp.where(lane == 0, p, 0.0), axis=1, keepdims=True)
    o_ref[...] = (jnp.sum(lse - p0) / _B).reshape(1, 1)


def kernel(x, valid_indices, samples_indices, W):
    valid = valid_indices.astype(jnp.int32)
    samp = samples_indices.astype(jnp.int32).reshape(_B * 4, 16)
    scores = _sc_scores(x, valid, samp, W).reshape(_B, _JPAD)
    loss = pl.pallas_call(
        _loss_body,
        out_shape=jax.ShapeDtypeStruct((1, 1), jnp.float32),
    )(scores)
    return loss[0, 0]

# --- scband reference (transcript-rebuilt; emitter-appended) ---
"""Pipeline reference for scband-sampled-softmax-mapping-module-63067299774939 (READ-ONLY COPY).

The authoritative reference and input builder live on the scoring server;
editing this copy changes nothing except your own understanding.
"""

import jax, jax.numpy as jnp
import numpy as np

B = 4096
D = 1024
VOCAB = 100000
SAMPLES = 64


def setup_inputs(seed: int = 0) -> dict:
    key = jax.random.key(seed)
    k1, k2, k3, k4 = jax.random.split(key, 4)
    x = jax.random.normal(k1, (B, D), dtype=jnp.float32)
    valid_indices = jax.random.randint(k2, (B,), 0, VOCAB, dtype=jnp.int64 if jax.config.jax_enable_x64 else jnp.int32)
    # samples_indices replaces np.random.randint inside forward (deterministic)
    samples_indices = jax.random.randint(k3, (B, SAMPLES), 0, VOCAB, dtype=valid_indices.dtype)
    # learned parameter: output embedding table (nn.Embedding(dict_size, input_size))
    W = jax.random.normal(k4, (VOCAB, D), dtype=jnp.float32)
    return {"x": x, "valid_indices": valid_indices, "samples_indices": samples_indices, "W": W}


def reference(x, valid_indices, samples_indices, W):
    # indices = cat([valid_indices.unsqueeze(1), samples_indices], dim=1) -> [B, 1+S]
    indices = jnp.concatenate([valid_indices[:, None], samples_indices], axis=1)
    # emb_vals = self.out(indices) -> gather rows [B, 1+S, D]
    emb_vals = jnp.take(W, indices, axis=0)
    # xx expanded to [B, 1+S, D]; scores = sum(emb*xx, dim=2) -> [B, 1+S]
    scores = jnp.sum(emb_vals * x[:, None, :], axis=2)
    # probs = softmax(scores)
    probs = jax.nn.softmax(scores, axis=1)
    # loss = CrossEntropyLoss(probs, zeros) — note: double softmax, faithful to original
    logp = jax.nn.log_softmax(probs, axis=1)
    loss = -jnp.mean(logp[:, 0])
    return loss


if False:  # reference __main__ guard neutralized (emitter)
    inp = setup_inputs()
    out = reference(**inp)
    print(out.shape if hasattr(out, 'shape') else out)

if __name__ == "__main__":
    import jax
    _d = setup_inputs()
    print(jax.jit(kernel)(*tuple(_d.values())))

</pallas_src>

<mosaic_0001>
#map = affine_map<(d0, d1) -> (0, 0)>
#map1 = affine_map<(d0, d1) -> (0)>
module attributes {stable_mosaic.version = 14 : i64} {
  func.func @_sc_scores_body(%arg0: i32, %arg1: i32, %arg2: memref<4096x1024xf32, #tpu.memory_space<hbm>>, %arg3: memref<4096xi32, #tpu.memory_space<hbm>>, %arg4: memref<16384x16xi32, #tpu.memory_space<hbm>>, %arg5: memref<100000x1024xf32, #tpu.memory_space<hbm>>, %arg6: memref<524288xf32, #tpu.memory_space<hbm>>, %arg7: memref<2x16x1024xf32, #tpu.memory_space<vmem>>, %arg8: memref<2x64x16xi32, #tpu.memory_space<vmem>>, %arg9: memref<2x16xi32, #tpu.memory_space<vmem>>, %arg10: memref<4x16x1024xf32, #tpu.memory_space<vmem>>, %arg11: memref<256xf32, #tpu.memory_space<vmem>>, %arg12: memref<2048xf32, #tpu.memory_space<vmem>>, %arg13: memref<4x!tpu.dma_semaphore, #tpu.memory_space<semaphore_mem>>, %arg14: memref<!tpu.dma_semaphore, #tpu.memory_space<semaphore_mem>>, %arg15: memref<!tpu.dma_semaphore, #tpu.memory_space<semaphore_mem>>) attributes {dimension_semantics = [#tpu.dimension_semantics<core_parallel>, #tpu.dimension_semantics<subcore_parallel>], iteration_bounds = array<i64: 2, 16>, scalar_prefetch = 0 : i64, scratch_operands = 9 : i64, tpu.core_type = #tpu.core_type<sc_vector_subcore>, window_params = [{transform_indices = #map}, {transform_indices = #map1}, {transform_indices = #map}, {transform_indices = #map}, {transform_indices = #map1}]} {
    %mul3A = arith.constant 2 : i32
    %mul3A_0 = arith.muli %arg1, %mul3A : i32
    %add3A = arith.addi %mul3A_0, %arg0 : i32
    %iota3A = tpu.iota {dimensions = array<i32: 0>} : vector<16xi32>
    %broadcast_in_dim3A = arith.constant 0.000000e+00 : f32
    %broadcast_in_dim3A_1 = vector.broadcast %broadcast_in_dim3A : f32 to vector<16xf32>
    %broadcast_in_dim3A_2 = arith.constant 0.000000e+00 : f32
    %broadcast_in_dim3A_3 = vector.broadcast %broadcast_in_dim3A_2 : f32 to vector<16xf32>
    %broadcast_in_dim3A_4 = arith.constant 0.000000e+00 : f32
    %broadcast_in_dim3A_5 = vector.broadcast %broadcast_in_dim3A_4 : f32 to vector<16xf32>
    %broadcast_in_dim3A_6 = arith.constant 0.000000e+00 : f32
    %broadcast_in_dim3A_7 = vector.broadcast %broadcast_in_dim3A_6 : f32 to vector<16xf32>
    %broadcast_in_dim3A_8 = arith.constant 0.000000e+00 : f32
    %broadcast_in_dim3A_9 = vector.broadcast %broadcast_in_dim3A_8 : f32 to vector<16xf32>
    %broadcast_in_dim3A_10 = arith.constant 0.000000e+00 : f32
    %broadcast_in_dim3A_11 = vector.broadcast %broadcast_in_dim3A_10 : f32 to vector<16xf32>
    %broadcast_in_dim3A_12 = arith.constant 0.000000e+00 : f32
    %broadcast_in_dim3A_13 = vector.broadcast %broadcast_in_dim3A_12 : f32 to vector<16xf32>
    %broadcast_in_dim3A_14 = arith.constant 0.000000e+00 : f32
    %broadcast_in_dim3A_15 = vector.broadcast %broadcast_in_dim3A_14 : f32 to vector<16xf32>
    %broadcast_in_dim3A_16 = arith.constant 0.000000e+00 : f32
    %broadcast_in_dim3A_17 = vector.broadcast %broadcast_in_dim3A_16 : f32 to vector<16xf32>
    %broadcast_in_dim3A_18 = arith.constant 0.000000e+00 : f32
    %broadcast_in_dim3A_19 = vector.broadcast %broadcast_in_dim3A_18 : f32 to vector<16xf32>
    %broadcast_in_dim3A_20 = arith.constant 0.000000e+00 : f32
    %broadcast_in_dim3A_21 = vector.broadcast %broadcast_in_dim3A_20 : f32 to vector<16xf32>
    %broadcast_in_dim3A_22 = arith.constant 0.000000e+00 : f32
    %broadcast_in_dim3A_23 = vector.broadcast %broadcast_in_dim3A_22 : f32 to vector<16xf32>
    %broadcast_in_dim3A_24 = arith.constant 0.000000e+00 : f32
    %broadcast_in_dim3A_25 = vector.broadcast %broadcast_in_dim3A_24 : f32 to vector<16xf32>
    %broadcast_in_dim3A_26 = arith.constant 0.000000e+00 : f32
    %broadcast_in_dim3A_27 = vector.broadcast %broadcast_in_dim3A_26 : f32 to vector<16xf32>
    %broadcast_in_dim3A_28 = arith.constant 0.000000e+00 : f32
    %broadcast_in_dim3A_29 = vector.broadcast %broadcast_in_dim3A_28 : f32 to vector<16xf32>
    %broadcast_in_dim3A_30 = arith.constant 0.000000e+00 : f32
    %broadcast_in_dim3A_31 = vector.broadcast %broadcast_in_dim3A_30 : f32 to vector<16xf32>
    %mul3A_32 = arith.constant 128 : i32
    %mul3A_33 = arith.muli %add3A, %mul3A_32 : i32
    %add3A_34 = arith.constant 0 : i32
    %add3A_35 = arith.addi %mul3A_33, %add3A_34 : i32
    %dma_start3A = arith.constant 0 : i32
    %dma_start3A_36 = arith.constant 0 : i32
    %dma_start3A_37 = arith.constant 0 : i32
    %dma_start3A_38 = tpu.memref_slice %arg7[%dma_start3A, %dma_start3A_36, %dma_start3A_37] : memref<2x16x1024xf32, #tpu.memory_space<vmem>> -> memref<1x16x1024xf32, #tpu.memory_space<vmem>>
    %dma_start3A_39 = tpu.memref_squeeze %dma_start3A_38 : memref<1x16x1024xf32, #tpu.memory_space<vmem>> -> memref<16x1024xf32, #tpu.memory_space<vmem>>
    %dma_start3A_40 = arith.constant 0 : i32
    %dma_start3A_41 = tpu.memref_slice %arg2[%add3A_35, %dma_start3A_40] : memref<4096x1024xf32, #tpu.memory_space<hbm>> -> memref<16x1024xf32, #tpu.memory_space<hbm>>
    %dma_start3A_42 = arith.constant 0 : i32
    %dma_start3A_43 = arith.constant 0 : i32
    %dma_start3A_44 = tpu.memref_slice %arg7[%dma_start3A, %dma_start3A_42, %dma_start3A_43] : memref<2x16x1024xf32, #tpu.memory_space<vmem>> -> memref<1x16x1024xf32, #tpu.memory_space<vmem>>
    %dma_start3A_45 = tpu.memref_squeeze %dma_start3A_44 : memref<1x16x1024xf32, #tpu.memory_space<vmem>> -> memref<16x1024xf32, #tpu.memory_space<vmem>>
    %dma_start3A_46 = arith.constant 0 : i32
    %dma_start3A_47 = tpu.memref_slice %arg2[%add3A_35, %dma_start3A_46] : memref<4096x1024xf32, #tpu.memory_space<hbm>> -> memref<16x1024xf32, #tpu.memory_space<hbm>>
    tpu.enqueue_dma source(%dma_start3A_47 : memref<16x1024xf32, #tpu.memory_space<hbm>>) target(%dma_start3A_45 : memref<16x1024xf32, #tpu.memory_space<vmem>>) target_semaphore(%arg15 : memref<!tpu.dma_semaphore, #tpu.memory_space<semaphore_mem>>)
    %mul3A_48 = arith.constant 4 : i32
    %mul3A_49 = arith.muli %add3A_35, %mul3A_48 : i32
    %dma_start3A_50 = arith.constant 0 : i32
    %dma_start3A_51 = arith.constant 0 : i32
    %dma_start3A_52 = arith.constant 0 : i32
    %dma_start3A_53 = tpu.memref_slice %arg8[%dma_start3A_50, %dma_start3A_51, %dma_start3A_52] : memref<2x64x16xi32, #tpu.memory_space<vmem>> -> memref<1x64x16xi32, #tpu.memory_space<vmem>>
    %dma_start3A_54 = tpu.memref_squeeze %dma_start3A_53 : memref<1x64x16xi32, #tpu.memory_space<vmem>> -> memref<64x16xi32, #tpu.memory_space<vmem>>
    %dma_start3A_55 = arith.constant 0 : i32
    %dma_start3A_56 = tpu.memref_slice %arg4[%mul3A_49, %dma_start3A_55] : memref<16384x16xi32, #tpu.memory_space<hbm>> -> memref<64x16xi32, #tpu.memory_space<hbm>>
    %dma_start3A_57 = arith.constant 0 : i32
    %dma_start3A_58 = arith.constant 0 : i32
    %dma_start3A_59 = tpu.memref_slice %arg8[%dma_start3A_50, %dma_start3A_57, %dma_start3A_58] : memref<2x64x16xi32, #tpu.memory_space<vmem>> -> memref<1x64x16xi32, #tpu.memory_space<vmem>>
    %dma_start3A_60 = tpu.memref_squeeze %dma_start3A_59 : memref<1x64x16xi32, #tpu.memory_space<vmem>> -> memref<64x16xi32, #tpu.memory_space<vmem>>
    %dma_start3A_61 = arith.constant 0 : i32
    %dma_start3A_62 = tpu.memref_slice %arg4[%mul3A_49, %dma_start3A_61] : memref<16384x16xi32, #tpu.memory_space<hbm>> -> memref<64x16xi32, #tpu.memory_space<hbm>>
    tpu.enqueue_dma source(%dma_start3A_62 : memref<64x16xi32, #tpu.memory_space<hbm>>) target(%dma_start3A_60 : memref<64x16xi32, #tpu.memory_space<vmem>>) target_semaphore(%arg15 : memref<!tpu.dma_semaphore, #tpu.memory_space<semaphore_mem>>)
    %dma_start3A_63 = arith.constant 0 : i32
    %dma_start3A_64 = arith.constant 0 : i32
    %dma_start3A_65 = tpu.memref_slice %arg9[%dma_start3A_63, %dma_start3A_64] : memref<2x16xi32, #tpu.memory_space<vmem>> -> memref<1x16xi32, #tpu.memory_space<vmem>>
    %dma_start3A_66 = tpu.memref_squeeze %dma_start3A_65 : memref<1x16xi32, #tpu.memory_space<vmem>> -> memref<16xi32, #tpu.memory_space<vmem>>
    %dma_start3A_67 = tpu.memref_slice %arg3[%add3A_35] : memref<4096xi32, #tpu.memory_space<hbm>> -> memref<16xi32, #tpu.memory_space<hbm>>
    %dma_start3A_68 = arith.constant 0 : i32
    %dma_start3A_69 = tpu.memref_slice %arg9[%dma_start3A_63, %dma_start3A_68] : memref<2x16xi32, #tpu.memory_space<vmem>> -> memref<1x16xi32, #tpu.memory_space<vmem>>
    %dma_start3A_70 = tpu.memref_squeeze %dma_start3A_69 : memref<1x16xi32, #tpu.memory_space<vmem>> -> memref<16xi32, #tpu.memory_space<vmem>>
    %dma_start3A_71 = tpu.memref_slice %arg3[%add3A_35] : memref<4096xi32, #tpu.memory_space<hbm>> -> memref<16xi32, #tpu.memory_space<hbm>>
    tpu.enqueue_dma source(%dma_start3A_71 : memref<16xi32, #tpu.memory_space<hbm>>) target(%dma_start3A_70 : memref<16xi32, #tpu.memory_space<vmem>>) target_semaphore(%arg15 : memref<!tpu.dma_semaphore, #tpu.memory_space<semaphore_mem>>)
    %scan3A = arith.constant 0 : i32
    %scan3A_72 = arith.constant 0 : i32
    %scan3A_73 = arith.constant 8 : i32
    %scan3A_74 = arith.addi %scan3A_72, %scan3A_73 : i32
    %scan3A_75 = arith.constant 1 : i32
    %scan3A_76 = scf.for %scan3A_78 = %scan3A_72 to %scan3A_74 step %scan3A_75 iter_args(%scan3A_79 = %scan3A) -> (i32)  : i32 {
      %jit3A = arith.constant 2 : i32
      %eq3A = arith.constant 0 : i32
      %eq3A_80 = arith.cmpi eq, %jit3A, %eq3A : i32
      %jit3A_81 = arith.constant 1 : i32
      %select_n3A = arith.select %eq3A_80, %jit3A_81, %jit3A : i32
      %rem3A = arith.remsi %scan3A_78, %select_n3A : i32
      %ne3A = arith.constant 0 : i32
      %ne3A_82 = arith.cmpi ne, %rem3A, %ne3A : i32
      %lt3A = arith.constant 0 : i32
      %lt3A_83 = arith.cmpi slt, %rem3A, %lt3A : i32
      %lt3A_84 = arith.constant 0 : i32
      %lt3A_85 = arith.cmpi slt, %select_n3A, %lt3A_84 : i32
      %ne3A_86 = arith.xori %lt3A_83, %lt3A_85 : i1
      %and3A = arith.andi %ne3A_86, %ne3A_82 : i1
      %add3A_87 = arith.addi %rem3A, %select_n3A : i32
      %select_n3A_88 = arith.select %and3A, %add3A_87, %rem3A : i32
      %mul3A_89 = arith.constant 128 : i32
      %mul3A_90 = arith.muli %add3A, %mul3A_89 : i32
      %mul3A_91 = arith.constant 16 : i32
      %mul3A_92 = arith.muli %scan3A_78, %mul3A_91 : i32
      %add3A_93 = arith.addi %mul3A_90, %mul3A_92 : i32
      %jit3A_94 = arith.constant 2 : i32
      %eq3A_95 = arith.constant 0 : i32
      %eq3A_96 = arith.cmpi eq, %jit3A_94, %eq3A_95 : i32
      %jit3A_97 = arith.constant 1 : i32
      %select_n3A_98 = arith.select %eq3A_96, %jit3A_97, %jit3A_94 : i32
      %rem3A_99 = arith.remsi %scan3A_78, %select_n3A_98 : i32
      %ne3A_100 = arith.constant 0 : i32
      %ne3A_101 = arith.cmpi ne, %rem3A_99, %ne3A_100 : i32
      %lt3A_102 = arith.constant 0 : i32
      %lt3A_103 = arith.cmpi slt, %rem3A_99, %lt3A_102 : i32
      %lt3A_104 = arith.constant 0 : i32
      %lt3A_105 = arith.cmpi slt, %select_n3A_98, %lt3A_104 : i32
      %ne3A_106 = arith.xori %lt3A_103, %lt3A_105 : i1
      %and3A_107 = arith.andi %ne3A_106, %ne3A_101 : i1
      %add3A_108 = arith.addi %rem3A_99, %select_n3A_98 : i32
      %select_n3A_109 = arith.select %and3A_107, %add3A_108, %rem3A_99 : i32
      %mul3A_110 = arith.constant 128 : i32
      %mul3A_111 = arith.muli %add3A, %mul3A_110 : i32
      %mul3A_112 = arith.constant 16 : i32
      %mul3A_113 = arith.muli %scan3A_78, %mul3A_112 : i32
      %add3A_114 = arith.addi %mul3A_111, %mul3A_113 : i32
      %dma_wait3A = arith.constant 0 : i32
      %dma_wait3A_115 = arith.constant 0 : i32
      %dma_wait3A_116 = tpu.memref_slice %arg7[%select_n3A_109, %dma_wait3A, %dma_wait3A_115] : memref<2x16x1024xf32, #tpu.memory_space<vmem>> -> memref<1x16x1024xf32, #tpu.memory_space<vmem>>
      %dma_wait3A_117 = tpu.memref_squeeze %dma_wait3A_116 : memref<1x16x1024xf32, #tpu.memory_space<vmem>> -> memref<16x1024xf32, #tpu.memory_space<vmem>>
      %dma_wait3A_118 = arith.constant 0 : i32
      %dma_wait3A_119 = tpu.memref_slice %arg2[%add3A_114, %dma_wait3A_118] : memref<4096x1024xf32, #tpu.memory_space<hbm>> -> memref<16x1024xf32, #tpu.memory_space<hbm>>
      %dma_wait3A_120 = arith.constant 0 : i32
      %dma_wait3A_121 = arith.constant 0 : i32
      %dma_wait3A_122 = tpu.memref_slice %arg7[%select_n3A_109, %dma_wait3A_120, %dma_wait3A_121] : memref<2x16x1024xf32, #tpu.memory_space<vmem>> -> memref<1x16x1024xf32, #tpu.memory_space<vmem>>
      %dma_wait3A_123 = tpu.memref_squeeze %dma_wait3A_122 : memref<1x16x1024xf32, #tpu.memory_space<vmem>> -> memref<16x1024xf32, #tpu.memory_space<vmem>>
      %dma_wait3A_124 = arith.constant 0 : i32
      %dma_wait3A_125 = tpu.memref_slice %arg2[%add3A_114, %dma_wait3A_124] : memref<4096x1024xf32, #tpu.memory_space<hbm>> -> memref<16x1024xf32, #tpu.memory_space<hbm>>
      tpu.wait_dma2 semaphore(%arg15 : memref<!tpu.dma_semaphore, #tpu.memory_space<semaphore_mem>>) src(%dma_wait3A_125 : memref<16x1024xf32, #tpu.memory_space<hbm>>) dst(%dma_wait3A_123 : memref<16x1024xf32, #tpu.memory_space<vmem>>)
      %mul3A_126 = arith.constant 4 : i32
      %mul3A_127 = arith.muli %add3A_114, %mul3A_126 : i32
      %dma_wait3A_128 = arith.constant 0 : i32
      %dma_wait3A_129 = arith.constant 0 : i32
      %dma_wait3A_130 = tpu.memref_slice %arg8[%select_n3A_109, %dma_wait3A_128, %dma_wait3A_129] : memref<2x64x16xi32, #tpu.memory_space<vmem>> -> memref<1x64x16xi32, #tpu.memory_space<vmem>>
      %dma_wait3A_131 = tpu.memref_squeeze %dma_wait3A_130 : memref<1x64x16xi32, #tpu.memory_space<vmem>> -> memref<64x16xi32, #tpu.memory_space<vmem>>
      %dma_wait3A_132 = arith.constant 0 : i32
      %dma_wait3A_133 = tpu.memref_slice %arg4[%mul3A_127, %dma_wait3A_132] : memref<16384x16xi32, #tpu.memory_space<hbm>> -> memref<64x16xi32, #tpu.memory_space<hbm>>
      %dma_wait3A_134 = arith.constant 0 : i32
      %dma_wait3A_135 = arith.constant 0 : i32
      %dma_wait3A_136 = tpu.memref_slice %arg8[%select_n3A_109, %dma_wait3A_134, %dma_wait3A_135] : memref<2x64x16xi32, #tpu.memory_space<vmem>> -> memref<1x64x16xi32, #tpu.memory_space<vmem>>
      %dma_wait3A_137 = tpu.memref_squeeze %dma_wait3A_136 : memref<1x64x16xi32, #tpu.memory_space<vmem>> -> memref<64x16xi32, #tpu.memory_space<vmem>>
      %dma_wait3A_138 = arith.constant 0 : i32
      %dma_wait3A_139 = tpu.memref_slice %arg4[%mul3A_127, %dma_wait3A_138] : memref<16384x16xi32, #tpu.memory_space<hbm>> -> memref<64x16xi32, #tpu.memory_space<hbm>>
      tpu.wait_dma2 semaphore(%arg15 : memref<!tpu.dma_semaphore, #tpu.memory_space<semaphore_mem>>) src(%dma_wait3A_139 : memref<64x16xi32, #tpu.memory_space<hbm>>) dst(%dma_wait3A_137 : memref<64x16xi32, #tpu.memory_space<vmem>>)
      %dma_wait3A_140 = arith.constant 0 : i32
      %dma_wait3A_141 = tpu.memref_slice %arg9[%select_n3A_109, %dma_wait3A_140] : memref<2x16xi32, #tpu.memory_space<vmem>> -> memref<1x16xi32, #tpu.memory_space<vmem>>
      %dma_wait3A_142 = tpu.memref_squeeze %dma_wait3A_141 : memref<1x16xi32, #tpu.memory_space<vmem>> -> memref<16xi32, #tpu.memory_space<vmem>>
      %dma_wait3A_143 = tpu.memref_slice %arg3[%add3A_114] : memref<4096xi32, #tpu.memory_space<hbm>> -> memref<16xi32, #tpu.memory_space<hbm>>
      %dma_wait3A_144 = arith.constant 0 : i32
      %dma_wait3A_145 = tpu.memref_slice %arg9[%select_n3A_109, %dma_wait3A_144] : memref<2x16xi32, #tpu.memory_space<vmem>> -> memref<1x16xi32, #tpu.memory_space<vmem>>
      %dma_wait3A_146 = tpu.memref_squeeze %dma_wait3A_145 : memref<1x16xi32, #tpu.memory_space<vmem>> -> memref<16xi32, #tpu.memory_space<vmem>>
      %dma_wait3A_147 = tpu.memref_slice %arg3[%add3A_114] : memref<4096xi32, #tpu.memory_space<hbm>> -> memref<16xi32, #tpu.memory_space<hbm>>
      tpu.wait_dma2 semaphore(%arg15 : memref<!tpu.dma_semaphore, #tpu.memory_space<semaphore_mem>>) src(%dma_wait3A_147 : memref<16xi32, #tpu.memory_space<hbm>>) dst(%dma_wait3A_146 : memref<16xi32, #tpu.memory_space<vmem>>)
      %dma_start3A_148 = arith.constant 0 : i32
      %dma_start3A_149 = arith.constant 0 : i32
      %dma_start3A_150 = arith.constant 0 : i32
      %dma_start3A_151 = tpu.memref_slice %arg10[%dma_start3A_148, %dma_start3A_149, %dma_start3A_150] : memref<4x16x1024xf32, #tpu.memory_space<vmem>> -> memref<1x16x1024xf32, #tpu.memory_space<vmem>>
      %dma_start3A_152 = tpu.memref_squeeze %dma_start3A_151 : memref<1x16x1024xf32, #tpu.memory_space<vmem>> -> memref<16x1024xf32, #tpu.memory_space<vmem>>
      %dma_start3A_153 = arith.constant 0 : i32
      %dma_start3A_154 = tpu.memref_slice %arg9[%select_n3A_88, %dma_start3A_153] : memref<2x16xi32, #tpu.memory_space<vmem>> -> memref<1x16xi32, #tpu.memory_space<vmem>>
      %dma_start3A_155 = tpu.memref_squeeze %dma_start3A_154 : memref<1x16xi32, #tpu.memory_space<vmem>> -> memref<16xi32, #tpu.memory_space<vmem>>
      %dma_start3A_156 = arith.constant 0 : i32
      %dma_start3A_157 = arith.constant 0 : i32
      %dma_start3A_158 = tpu.memref_slice %arg5[%dma_start3A_156, %dma_start3A_157] : memref<100000x1024xf32, #tpu.memory_space<hbm>> -> memref<100000x1024xf32, #tpu.memory_space<hbm>>
      tpu.enqueue_indirect_dma source(%dma_start3A_158 : memref<100000x1024xf32, #tpu.memory_space<hbm>>) target(%dma_start3A_152 : memref<16x1024xf32, #tpu.memory_space<vmem>>) offsets(%dma_start3A_155 : memref<16xi32, #tpu.memory_space<vmem>>) semaphore(%arg14 : memref<!tpu.dma_semaphore, #tpu.memory_space<semaphore_mem>>)
      %dma_wait3A_159 = arith.constant 0 : i32
      %dma_wait3A_160 = arith.constant 0 : i32
      %dma_wait3A_161 = arith.constant 0 : i32
      %dma_wait3A_162 = tpu.memref_slice %arg10[%dma_wait3A_159, %dma_wait3A_160, %dma_wait3A_161] : memref<4x16x1024xf32, #tpu.memory_space<vmem>> -> memref<1x16x1024xf32, #tpu.memory_space<vmem>>
      %dma_wait3A_163 = tpu.memref_squeeze %dma_wait3A_162 : memref<1x16x1024xf32, #tpu.memory_space<vmem>> -> memref<16x1024xf32, #tpu.memory_space<vmem>>
      %dma_wait3A_164 = arith.constant 0 : i32
      %dma_wait3A_165 = tpu.memref_slice %arg9[%select_n3A_88, %dma_wait3A_164] : memref<2x16xi32, #tpu.memory_space<vmem>> -> memref<1x16xi32, #tpu.memory_space<vmem>>
      %dma_wait3A_166 = tpu.memref_squeeze %dma_wait3A_165 : memref<1x16xi32, #tpu.memory_space<vmem>> -> memref<16xi32, #tpu.memory_space<vmem>>
      %dma_wait3A_167 = arith.constant 0 : i32
      %dma_wait3A_168 = arith.constant 0 : i32
      %dma_wait3A_169 = tpu.memref_slice %arg5[%dma_wait3A_167, %dma_wait3A_168] : memref<100000x1024xf32, #tpu.memory_space<hbm>> -> memref<100000x1024xf32, #tpu.memory_space<hbm>>
      tpu.wait_indirect_dma semaphore(%arg14 : memref<!tpu.dma_semaphore, #tpu.memory_space<semaphore_mem>>) src(%dma_wait3A_169 : memref<100000x1024xf32, #tpu.memory_space<hbm>>) dst(%dma_wait3A_163 : memref<16x1024xf32, #tpu.memory_space<vmem>>)
      %dma_start3A_170 = arith.constant 1 : i32
      %dma_start3A_171 = arith.constant 1 : i32
      %dma_start3A_172 = arith.constant 1 : i32
      %dma_start3A_173 = arith.constant 0 : i32
      %dma_start3A_174 = arith.constant 0 : i32
      %dma_start3A_175 = tpu.memref_slice %arg10[%dma_start3A_171, %dma_start3A_173, %dma_start3A_174] : memref<4x16x1024xf32, #tpu.memory_space<vmem>> -> memref<1x16x1024xf32, #tpu.memory_space<vmem>>
      %dma_start3A_176 = tpu.memref_squeeze %dma_start3A_175 : memref<1x16x1024xf32, #tpu.memory_space<vmem>> -> memref<16x1024xf32, #tpu.memory_space<vmem>>
      %dma_start3A_177 = arith.constant 0 : i32
      %dma_start3A_178 = arith.constant 0 : i32
      %dma_start3A_179 = tpu.memref_slice %arg8[%select_n3A_88, %dma_start3A_177, %dma_start3A_178] : memref<2x64x16xi32, #tpu.memory_space<vmem>> -> memref<1x64x16xi32, #tpu.memory_space<vmem>>
      %dma_start3A_180 = tpu.memref_squeeze %dma_start3A_179 : memref<1x64x16xi32, #tpu.memory_space<vmem>> -> memref<64x16xi32, #tpu.memory_space<vmem>>
      %dma_start3A_181 = arith.constant 0 : i32
      %dma_start3A_182 = tpu.memref_slice %dma_start3A_180[%dma_start3A_170, %dma_start3A_181] : memref<64x16xi32, #tpu.memory_space<vmem>> -> memref<1x16xi32, #tpu.memory_space<vmem>>
      %dma_start3A_183 = tpu.memref_squeeze %dma_start3A_182 : memref<1x16xi32, #tpu.memory_space<vmem>> -> memref<16xi32, #tpu.memory_space<vmem>>
      %dma_start3A_184 = arith.constant 0 : i32
      %dma_start3A_185 = arith.constant 0 : i32
      %dma_start3A_186 = tpu.memref_slice %arg5[%dma_start3A_184, %dma_start3A_185] : memref<100000x1024xf32, #tpu.memory_space<hbm>> -> memref<100000x1024xf32, #tpu.memory_space<hbm>>
      %dma_start3A_187 = tpu.memref_slice %arg13[%dma_start3A_172] : memref<4x!tpu.dma_semaphore, #tpu.memory_space<semaphore_mem>> -> memref<1x!tpu.dma_semaphore, #tpu.memory_space<semaphore_mem>>
      %dma_start3A_188 = tpu.memref_squeeze %dma_start3A_187 : memref<1x!tpu.dma_semaphore, #tpu.memory_space<semaphore_mem>> -> memref<!tpu.dma_semaphore, #tpu.memory_space<semaphore_mem>>
      tpu.enqueue_indirect_dma source(%dma_start3A_186 : memref<100000x1024xf32, #tpu.memory_space<hbm>>) target(%dma_start3A_176 : memref<16x1024xf32, #tpu.memory_space<vmem>>) offsets(%dma_start3A_183 : memref<16xi32, #tpu.memory_space<vmem>>) semaphore(%dma_start3A_188 : memref<!tpu.dma_semaphore, #tpu.memory_space<semaphore_mem>>)
      %dma_start3A_189 = arith.constant 2 : i32
      %dma_start3A_190 = arith.constant 2 : i32
      %dma_start3A_191 = arith.constant 2 : i32
      %dma_start3A_192 = arith.constant 0 : i32
      %dma_start3A_193 = arith.constant 0 : i32
      %dma_start3A_194 = tpu.memref_slice %arg10[%dma_start3A_190, %dma_start3A_192, %dma_start3A_193] : memref<4x16x1024xf32, #tpu.memory_space<vmem>> -> memref<1x16x1024xf32, #tpu.memory_space<vmem>>
      %dma_start3A_195 = tpu.memref_squeeze %dma_start3A_194 : memref<1x16x1024xf32, #tpu.memory_space<vmem>> -> memref<16x1024xf32, #tpu.memory_space<vmem>>
      %dma_start3A_196 = arith.constant 0 : i32
      %dma_start3A_197 = arith.constant 0 : i32
      %dma_start3A_198 = tpu.memref_slice %arg8[%select_n3A_88, %dma_start3A_196, %dma_start3A_197] : memref<2x64x16xi32, #tpu.memory_space<vmem>> -> memref<1x64x16xi32, #tpu.memory_space<vmem>>
      %dma_start3A_199 = tpu.memref_squeeze %dma_start3A_198 : memref<1x64x16xi32, #tpu.memory_space<vmem>> -> memref<64x16xi32, #tpu.memory_space<vmem>>
      %dma_start3A_200 = arith.constant 0 : i32
      %dma_start3A_201 = tpu.memref_slice %dma_start3A_199[%dma_start3A_189, %dma_start3A_200] : memref<64x16xi32, #tpu.memory_space<vmem>> -> memref<1x16xi32, #tpu.memory_space<vmem>>
      %dma_start3A_202 = tpu.memref_squeeze %dma_start3A_201 : memref<1x16xi32, #tpu.memory_space<vmem>> -> memref<16xi32, #tpu.memory_space<vmem>>
      %dma_start3A_203 = arith.constant 0 : i32
      %dma_start3A_204 = arith.constant 0 : i32
      %dma_start3A_205 = tpu.memref_slice %arg5[%dma_start3A_203, %dma_start3A_204] : memref<100000x1024xf32, #tpu.memory_space<hbm>> -> memref<100000x1024xf32, #tpu.memory_space<hbm>>
      %dma_start3A_206 = tpu.memref_slice %arg13[%dma_start3A_191] : memref<4x!tpu.dma_semaphore, #tpu.memory_space<semaphore_mem>> -> memref<1x!tpu.dma_semaphore, #tpu.memory_space<semaphore_mem>>
      %dma_start3A_207 = tpu.memref_squeeze %dma_start3A_206 : memref<1x!tpu.dma_semaphore, #tpu.memory_space<semaphore_mem>> -> memref<!tpu.dma_semaphore, #tpu.memory_space<semaphore_mem>>
      tpu.enqueue_indirect_dma source(%dma_start3A_205 : memref<100000x1024xf32, #tpu.memory_space<hbm>>) target(%dma_start3A_195 : memref<16x1024xf32, #tpu.memory_space<vmem>>) offsets(%dma_start3A_202 : memref<16xi32, #tpu.memory_space<vmem>>) semaphore(%dma_start3A_207 : memref<!tpu.dma_semaphore, #tpu.memory_space<semaphore_mem>>)
      %dma_start3A_208 = arith.constant 3 : i32
      %dma_start3A_209 = arith.constant 3 : i32
      %dma_start3A_210 = arith.constant 3 : i32
      %dma_start3A_211 = arith.constant 0 : i32
      %dma_start3A_212 = arith.constant 0 : i32
      %dma_start3A_213 = tpu.memref_slice %arg10[%dma_start3A_209, %dma_start3A_211, %dma_start3A_212] : memref<4x16x1024xf32, #tpu.memory_space<vmem>> -> memref<1x16x1024xf32, #tpu.memory_space<vmem>>
      %dma_start3A_214 = tpu.memref_squeeze %dma_start3A_213 : memref<1x16x1024xf32, #tpu.memory_space<vmem>> -> memref<16x1024xf32, #tpu.memory_space<vmem>>
      %dma_start3A_215 = arith.constant 0 : i32
      %dma_start3A_216 = arith.constant 0 : i32
      %dma_start3A_217 = tpu.memref_slice %arg8[%select_n3A_88, %dma_start3A_215, %dma_start3A_216] : memref<2x64x16xi32, #tpu.memory_space<vmem>> -> memref<1x64x16xi32, #tpu.memory_space<vmem>>
      %dma_start3A_218 = tpu.memref_squeeze %dma_start3A_217 : memref<1x64x16xi32, #tpu.memory_space<vmem>> -> memref<64x16xi32, #tpu.memory_space<vmem>>
      %dma_start3A_219 = arith.constant 0 : i32
      %dma_start3A_220 = tpu.memref_slice %dma_start3A_218[%dma_start3A_208, %dma_start3A_219] : memref<64x16xi32, #tpu.memory_space<vmem>> -> memref<1x16xi32, #tpu.memory_space<vmem>>
      %dma_start3A_221 = tpu.memref_squeeze %dma_start3A_220 : memref<1x16xi32, #tpu.memory_space<vmem>> -> memref<16xi32, #tpu.memory_space<vmem>>
      %dma_start3A_222 = arith.constant 0 : i32
      %dma_start3A_223 = arith.constant 0 : i32
      %dma_start3A_224 = tpu.memref_slice %arg5[%dma_start3A_222, %dma_start3A_223] : memref<100000x1024xf32, #tpu.memory_space<hbm>> -> memref<100000x1024xf32, #tpu.memory_space<hbm>>
      %dma_start3A_225 = tpu.memref_slice %arg13[%dma_start3A_210] : memref<4x!tpu.dma_semaphore, #tpu.memory_space<semaphore_mem>> -> memref<1x!tpu.dma_semaphore, #tpu.memory_space<semaphore_mem>>
      %dma_start3A_226 = tpu.memref_squeeze %dma_start3A_225 : memref<1x!tpu.dma_semaphore, #tpu.memory_space<semaphore_mem>> -> memref<!tpu.dma_semaphore, #tpu.memory_space<semaphore_mem>>
      tpu.enqueue_indirect_dma source(%dma_start3A_224 : memref<100000x1024xf32, #tpu.memory_space<hbm>>) target(%dma_start3A_214 : memref<16x1024xf32, #tpu.memory_space<vmem>>) offsets(%dma_start3A_221 : memref<16xi32, #tpu.memory_space<vmem>>) semaphore(%dma_start3A_226 : memref<!tpu.dma_semaphore, #tpu.memory_space<semaphore_mem>>)
      %add3A_227 = arith.constant 1 : i32
      %add3A_228 = arith.addi %scan3A_78, %add3A_227 : i32
      %lt3A_229 = arith.constant 8 : i32
      %lt3A_230 = arith.cmpi slt, %add3A_228, %lt3A_229 : i32
      %convert_element_type3A = arith.extui %lt3A_230 : i1 to i32
      %cond3A = arith.constant 0 : i32
      %cond3A_231 = arith.cmpi ne, %convert_element_type3A, %cond3A : i32
      scf.if %cond3A_231 {
        %add3A_424 = arith.constant 1 : i32
        %add3A_425 = arith.addi %scan3A_78, %add3A_424 : i32
        %jit3A_426 = arith.constant 2 : i32
        %eq3A_427 = arith.constant 0 : i32
        %eq3A_428 = arith.cmpi eq, %jit3A_426, %eq3A_427 : i32
        %jit3A_429 = arith.constant 1 : i32
        %select_n3A_430 = arith.select %eq3A_428, %jit3A_429, %jit3A_426 : i32
        %rem3A_431 = arith.remsi %add3A_425, %select_n3A_430 : i32
        %ne3A_432 = arith.constant 0 : i32
        %ne3A_433 = arith.cmpi ne, %rem3A_431, %ne3A_432 : i32
        %lt3A_434 = arith.constant 0 : i32
        %lt3A_435 = arith.cmpi slt, %rem3A_431, %lt3A_434 : i32
        %lt3A_436 = arith.constant 0 : i32
        %lt3A_437 = arith.cmpi slt, %select_n3A_430, %lt3A_436 : i32
        %ne3A_438 = arith.xori %lt3A_435, %lt3A_437 : i1
        %and3A_439 = arith.andi %ne3A_438, %ne3A_433 : i1
        %add3A_440 = arith.addi %rem3A_431, %select_n3A_430 : i32
        %select_n3A_441 = arith.select %and3A_439, %add3A_440, %rem3A_431 : i32
        %mul3A_442 = arith.constant 128 : i32
        %mul3A_443 = arith.muli %add3A, %mul3A_442 : i32
        %mul3A_444 = arith.constant 16 : i32
        %mul3A_445 = arith.muli %add3A_425, %mul3A_444 : i32
        %add3A_446 = arith.addi %mul3A_443, %mul3A_445 : i32
        %dma_start3A_447 = arith.constant 0 : i32
        %dma_start3A_448 = arith.constant 0 : i32
        %dma_start3A_449 = tpu.memref_slice %arg7[%select_n3A_441, %dma_start3A_447, %dma_start3A_448] : memref<2x16x1024xf32, #tpu.memory_space<vmem>> -> memref<1x16x1024xf32, #tpu.memory_space<vmem>>
        %dma_start3A_450 = tpu.memref_squeeze %dma_start3A_449 : memref<1x16x1024xf32, #tpu.memory_space<vmem>> -> memref<16x1024xf32, #tpu.memory_space<vmem>>
        %dma_start3A_451 = arith.constant 0 : i32
        %dma_start3A_452 = tpu.memref_slice %arg2[%add3A_446, %dma_start3A_451] : memref<4096x1024xf32, #tpu.memory_space<hbm>> -> memref<16x1024xf32, #tpu.memory_space<hbm>>
        %dma_start3A_453 = arith.constant 0 : i32
        %dma_start3A_454 = arith.constant 0 : i32
        %dma_start3A_455 = tpu.memref_slice %arg7[%select_n3A_441, %dma_start3A_453, %dma_start3A_454] : memref<2x16x1024xf32, #tpu.memory_space<vmem>> -> memref<1x16x1024xf32, #tpu.memory_space<vmem>>
        %dma_start3A_456 = tpu.memref_squeeze %dma_start3A_455 : memref<1x16x1024xf32, #tpu.memory_space<vmem>> -> memref<16x1024xf32, #tpu.memory_space<vmem>>
        %dma_start3A_457 = arith.constant 0 : i32
        %dma_start3A_458 = tpu.memref_slice %arg2[%add3A_446, %dma_start3A_457] : memref<4096x1024xf32, #tpu.memory_space<hbm>> -> memref<16x1024xf32, #tpu.memory_space<hbm>>
        tpu.enqueue_dma source(%dma_start3A_458 : memref<16x1024xf32, #tpu.memory_space<hbm>>) target(%dma_start3A_456 : memref<16x1024xf32, #tpu.memory_space<vmem>>) target_semaphore(%arg15 : memref<!tpu.dma_semaphore, #tpu.memory_space<semaphore_mem>>)
        %mul3A_459 = arith.constant 4 : i32
        %mul3A_460 = arith.muli %add3A_446, %mul3A_459 : i32
        %dma_start3A_461 = arith.constant 0 : i32
        %dma_start3A_462 = arith.constant 0 : i32
        %dma_start3A_463 = tpu.memref_slice %arg8[%select_n3A_441, %dma_start3A_461, %dma_start3A_462] : memref<2x64x16xi32, #tpu.memory_space<vmem>> -> memref<1x64x16xi32, #tpu.memory_space<vmem>>
        %dma_start3A_464 = tpu.memref_squeeze %dma_start3A_463 : memref<1x64x16xi32, #tpu.memory_space<vmem>> -> memref<64x16xi32, #tpu.memory_space<vmem>>
        %dma_start3A_465 = arith.constant 0 : i32
        %dma_start3A_466 = tpu.memref_slice %arg4[%mul3A_460, %dma_start3A_465] : memref<16384x16xi32, #tpu.memory_space<hbm>> -> memref<64x16xi32, #tpu.memory_space<hbm>>
        %dma_start3A_467 = arith.constant 0 : i32
        %dma_start3A_468 = arith.constant 0 : i32
        %dma_start3A_469 = tpu.memref_slice %arg8[%select_n3A_441, %dma_start3A_467, %dma_start3A_468] : memref<2x64x16xi32, #tpu.memory_space<vmem>> -> memref<1x64x16xi32, #tpu.memory_space<vmem>>
        %dma_start3A_470 = tpu.memref_squeeze %dma_start3A_469 : memref<1x64x16xi32, #tpu.memory_space<vmem>> -> memref<64x16xi32, #tpu.memory_space<vmem>>
        %dma_start3A_471 = arith.constant 0 : i32
        %dma_start3A_472 = tpu.memref_slice %arg4[%mul3A_460, %dma_start3A_471] : memref<16384x16xi32, #tpu.memory_space<hbm>> -> memref<64x16xi32, #tpu.memory_space<hbm>>
        tpu.enqueue_dma source(%dma_start3A_472 : memref<64x16xi32, #tpu.memory_space<hbm>>) target(%dma_start3A_470 : memref<64x16xi32, #tpu.memory_space<vmem>>) target_semaphore(%arg15 : memref<!tpu.dma_semaphore, #tpu.memory_space<semaphore_mem>>)
        %dma_start3A_473 = arith.constant 0 : i32
        %dma_start3A_474 = tpu.memref_slice %arg9[%select_n3A_441, %dma_start3A_473] : memref<2x16xi32, #tpu.memory_space<vmem>> -> memref<1x16xi32, #tpu.memory_space<vmem>>
        %dma_start3A_475 = tpu.memref_squeeze %dma_start3A_474 : memref<1x16xi32, #tpu.memory_space<vmem>> -> memref<16xi32, #tpu.memory_space<vmem>>
        %dma_start3A_476 = tpu.memref_slice %arg3[%add3A_446] : memref<4096xi32, #tpu.memory_space<hbm>> -> memref<16xi32, #tpu.memory_space<hbm>>
        %dma_start3A_477 = arith.constant 0 : i32
        %dma_start3A_478 = tpu.memref_slice %arg9[%select_n3A_441, %dma_start3A_477] : memref<2x16xi32, #tpu.memory_space<vmem>> -> memref<1x16xi32, #tpu.memory_space<vmem>>
        %dma_start3A_479 = tpu.memref_squeeze %dma_start3A_478 : memref<1x16xi32, #tpu.memory_space<vmem>> -> memref<16xi32, #tpu.memory_space<vmem>>
        %dma_start3A_480 = tpu.memref_slice %arg3[%add3A_446] : memref<4096xi32, #tpu.memory_space<hbm>> -> memref<16xi32, #tpu.memory_space<hbm>>
        tpu.enqueue_dma source(%dma_start3A_480 : memref<16xi32, #tpu.memory_space<hbm>>) target(%dma_start3A_479 : memref<16xi32, #tpu.memory_space<vmem>>) target_semaphore(%arg15 : memref<!tpu.dma_semaphore, #tpu.memory_space<semaphore_mem>>)
      } else {
      }
      %scan3A_232 = arith.constant 0 : i32
      %scan3A_233 = arith.constant 64 : i32
      %scan3A_234 = arith.addi %scan3A_232, %scan3A_233 : i32
      %scan3A_235 = arith.constant 1 : i32
      %scan3A_236:16 = scf.for %scan3A_424 = %scan3A_232 to %scan3A_234 step %scan3A_235 iter_args(%scan3A_425 = %broadcast_in_dim3A_1, %scan3A_426 = %broadcast_in_dim3A_3, %scan3A_427 = %broadcast_in_dim3A_5, %scan3A_428 = %broadcast_in_dim3A_7, %scan3A_429 = %broadcast_in_dim3A_9, %scan3A_430 = %broadcast_in_dim3A_11, %scan3A_431 = %broadcast_in_dim3A_13, %scan3A_432 = %broadcast_in_dim3A_15, %scan3A_433 = %broadcast_in_dim3A_17, %scan3A_434 = %broadcast_in_dim3A_19, %scan3A_435 = %broadcast_in_dim3A_21, %scan3A_436 = %broadcast_in_dim3A_23, %scan3A_437 = %broadcast_in_dim3A_25, %scan3A_438 = %broadcast_in_dim3A_27, %scan3A_439 = %broadcast_in_dim3A_29, %scan3A_440 = %broadcast_in_dim3A_31) -> (vector<16xf32>, vector<16xf32>, vector<16xf32>, vector<16xf32>, vector<16xf32>, vector<16xf32>, vector<16xf32>, vector<16xf32>, vector<16xf32>, vector<16xf32>, vector<16xf32>, vector<16xf32>, vector<16xf32>, vector<16xf32>, vector<16xf32>, vector<16xf32>)  : i32 {
        %mul3A_441 = arith.constant 1 : i32
        %mul3A_442 = arith.muli %scan3A_424, %mul3A_441 : i32
        %mul3A_443 = arith.constant 16 : i32
        %mul3A_444 = arith.muli %mul3A_442, %mul3A_443 : i32
        %add3A_445 = arith.constant 0 : i32
        %add3A_446 = arith.addi %mul3A_444, %add3A_445 : i32
        %get3A = arith.constant 0 : i32
        %get3A_447 = arith.constant 0 : i32
        %get3A_448 = arith.index_cast %get3A : i32 to index
        %get3A_449 = arith.index_cast %get3A_447 : i32 to index
        %get3A_450 = arith.index_cast %add3A_446 : i32 to index
        %get3A_451 = tpu.vector_load %arg10[%get3A_448, %get3A_449, %get3A_450] {strides = array<i32>} : memref<4x16x1024xf32, #tpu.memory_space<vmem>>, vector<16xf32>,
        %get3A_452 = arith.constant 0 : i32
        %get3A_453 = arith.constant 0 : i32
        %get3A_454 = arith.constant 0 : i32
        %get3A_455 = tpu.memref_slice %arg7[%select_n3A_88, %get3A_453, %get3A_454] : memref<2x16x1024xf32, #tpu.memory_space<vmem>> -> memref<1x16x1024xf32, #tpu.memory_space<vmem>>
        %get3A_456 = tpu.memref_squeeze %get3A_455 : memref<1x16x1024xf32, #tpu.memory_space<vmem>> -> memref<16x1024xf32, #tpu.memory_space<vmem>>
        %get3A_457 = arith.index_cast %get3A_452 : i32 to index
        %get3A_458 = arith.index_cast %add3A_446 : i32 to index
        %get3A_459 = tpu.vector_load %get3A_456[%get3A_457, %get3A_458] {strides = array<i32>} : memref<16x1024xf32, #tpu.memory_space<vmem>>, vector<16xf32>,
        %mul3A_460 = arith.mulf %get3A_451, %get3A_459 : vector<16xf32>
        %add3A_461 = arith.addf %scan3A_425, %mul3A_460 : vector<16xf32>
        %get3A_462 = arith.constant 0 : i32
        %get3A_463 = arith.constant 1 : i32
        %get3A_464 = arith.index_cast %get3A_462 : i32 to index
        %get3A_465 = arith.index_cast %get3A_463 : i32 to index
        %get3A_466 = arith.index_cast %add3A_446 : i32 to index
        %get3A_467 = tpu.vector_load %arg10[%get3A_464, %get3A_465, %get3A_466] {strides = array<i32>} : memref<4x16x1024xf32, #tpu.memory_space<vmem>>, vector<16xf32>,
        %get3A_468 = arith.constant 1 : i32
        %get3A_469 = arith.constant 0 : i32
        %get3A_470 = arith.constant 0 : i32
        %get3A_471 = tpu.memref_slice %arg7[%select_n3A_88, %get3A_469, %get3A_470] : memref<2x16x1024xf32, #tpu.memory_space<vmem>> -> memref<1x16x1024xf32, #tpu.memory_space<vmem>>
        %get3A_472 = tpu.memref_squeeze %get3A_471 : memref<1x16x1024xf32, #tpu.memory_space<vmem>> -> memref<16x1024xf32, #tpu.memory_space<vmem>>
        %get3A_473 = arith.index_cast %get3A_468 : i32 to index
        %get3A_474 = arith.index_cast %add3A_446 : i32 to index
        %get3A_475 = tpu.vector_load %get3A_472[%get3A_473, %get3A_474] {strides = array<i32>} : memref<16x1024xf32, #tpu.memory_space<vmem>>, vector<16xf32>,
        %mul3A_476 = arith.mulf %get3A_467, %get3A_475 : vector<16xf32>
        %add3A_477 = arith.addf %scan3A_426, %mul3A_476 : vector<16xf32>
        %get3A_478 = arith.constant 0 : i32
        %get3A_479 = arith.constant 2 : i32
        %get3A_480 = arith.index_cast %get3A_478 : i32 to index
        %get3A_481 = arith.index_cast %get3A_479 : i32 to index
        %get3A_482 = arith.index_cast %add3A_446 : i32 to index
        %get3A_483 = tpu.vector_load %arg10[%get3A_480, %get3A_481, %get3A_482] {strides = array<i32>} : memref<4x16x1024xf32, #tpu.memory_space<vmem>>, vector<16xf32>,
        %get3A_484 = arith.constant 2 : i32
        %get3A_485 = arith.constant 0 : i32
        %get3A_486 = arith.constant 0 : i32
        %get3A_487 = tpu.memref_slice %arg7[%select_n3A_88, %get3A_485, %get3A_486] : memref<2x16x1024xf32, #tpu.memory_space<vmem>> -> memref<1x16x1024xf32, #tpu.memory_space<vmem>>
        %get3A_488 = tpu.memref_squeeze %get3A_487 : memref<1x16x1024xf32, #tpu.memory_space<vmem>> -> memref<16x1024xf32, #tpu.memory_space<vmem>>
        %get3A_489 = arith.index_cast %get3A_484 : i32 to index
        %get3A_490 = arith.index_cast %add3A_446 : i32 to index
        %get3A_491 = tpu.vector_load %get3A_488[%get3A_489, %get3A_490] {strides = array<i32>} : memref<16x1024xf32, #tpu.memory_space<vmem>>, vector<16xf32>,
        %mul3A_492 = arith.mulf %get3A_483, %get3A_491 : vector<16xf32>
        %add3A_493 = arith.addf %scan3A_427, %mul3A_492 : vector<16xf32>
        %get3A_494 = arith.constant 0 : i32
        %get3A_495 = arith.constant 3 : i32
        %get3A_496 = arith.index_cast %get3A_494 : i32 to index
        %get3A_497 = arith.index_cast %get3A_495 : i32 to index
        %get3A_498 = arith.index_cast %add3A_446 : i32 to index
        %get3A_499 = tpu.vector_load %arg10[%get3A_496, %get3A_497, %get3A_498] {strides = array<i32>} : memref<4x16x1024xf32, #tpu.memory_space<vmem>>, vector<16xf32>,
        %get3A_500 = arith.constant 3 : i32
        %get3A_501 = arith.constant 0 : i32
        %get3A_502 = arith.constant 0 : i32
        %get3A_503 = tpu.memref_slice %arg7[%select_n3A_88, %get3A_501, %get3A_502] : memref<2x16x1024xf32, #tpu.memory_space<vmem>> -> memref<1x16x1024xf32, #tpu.memory_space<vmem>>
        %get3A_504 = tpu.memref_squeeze %get3A_503 : memref<1x16x1024xf32, #tpu.memory_space<vmem>> -> memref<16x1024xf32, #tpu.memory_space<vmem>>
        %get3A_505 = arith.index_cast %get3A_500 : i32 to index
        %get3A_506 = arith.index_cast %add3A_446 : i32 to index
        %get3A_507 = tpu.vector_load %get3A_504[%get3A_505, %get3A_506] {strides = array<i32>} : memref<16x1024xf32, #tpu.memory_space<vmem>>, vector<16xf32>,
        %mul3A_508 = arith.mulf %get3A_499, %get3A_507 : vector<16xf32>
        %add3A_509 = arith.addf %scan3A_428, %mul3A_508 : vector<16xf32>
        %get3A_510 = arith.constant 0 : i32
        %get3A_511 = arith.constant 4 : i32
        %get3A_512 = arith.index_cast %get3A_510 : i32 to index
        %get3A_513 = arith.index_cast %get3A_511 : i32 to index
        %get3A_514 = arith.index_cast %add3A_446 : i32 to index
        %get3A_515 = tpu.vector_load %arg10[%get3A_512, %get3A_513, %get3A_514] {strides = array<i32>} : memref<4x16x1024xf32, #tpu.memory_space<vmem>>, vector<16xf32>,
        %get3A_516 = arith.constant 4 : i32
        %get3A_517 = arith.constant 0 : i32
        %get3A_518 = arith.constant 0 : i32
        %get3A_519 = tpu.memref_slice %arg7[%select_n3A_88, %get3A_517, %get3A_518] : memref<2x16x1024xf32, #tpu.memory_space<vmem>> -> memref<1x16x1024xf32, #tpu.memory_space<vmem>>
        %get3A_520 = tpu.memref_squeeze %get3A_519 : memref<1x16x1024xf32, #tpu.memory_space<vmem>> -> memref<16x1024xf32, #tpu.memory_space<vmem>>
        %get3A_521 = arith.index_cast %get3A_516 : i32 to index
        %get3A_522 = arith.index_cast %add3A_446 : i32 to index
        %get3A_523 = tpu.vector_load %get3A_520[%get3A_521, %get3A_522] {strides = array<i32>} : memref<16x1024xf32, #tpu.memory_space<vmem>>, vector<16xf32>,
        %mul3A_524 = arith.mulf %get3A_515, %get3A_523 : vector<16xf32>
        %add3A_525 = arith.addf %scan3A_429, %mul3A_524 : vector<16xf32>
        %get3A_526 = arith.constant 0 : i32
        %get3A_527 = arith.constant 5 : i32
        %get3A_528 = arith.index_cast %get3A_526 : i32 to index
        %get3A_529 = arith.index_cast %get3A_527 : i32 to index
        %get3A_530 = arith.index_cast %add3A_446 : i32 to index
        %get3A_531 = tpu.vector_load %arg10[%get3A_528, %get3A_529, %get3A_530] {strides = array<i32>} : memref<4x16x1024xf32, #tpu.memory_space<vmem>>, vector<16xf32>,
        %get3A_532 = arith.constant 5 : i32
        %get3A_533 = arith.constant 0 : i32
        %get3A_534 = arith.constant 0 : i32
        %get3A_535 = tpu.memref_slice %arg7[%select_n3A_88, %get3A_533, %get3A_534] : memref<2x16x1024xf32, #tpu.memory_space<vmem>> -> memref<1x16x1024xf32, #tpu.memory_space<vmem>>
        %get3A_536 = tpu.memref_squeeze %get3A_535 : memref<1x16x1024xf32, #tpu.memory_space<vmem>> -> memref<16x1024xf32, #tpu.memory_space<vmem>>
        %get3A_537 = arith.index_cast %get3A_532 : i32 to index
        %get3A_538 = arith.index_cast %add3A_446 : i32 to index
        %get3A_539 = tpu.vector_load %get3A_536[%get3A_537, %get3A_538] {strides = array<i32>} : memref<16x1024xf32, #tpu.memory_space<vmem>>, vector<16xf32>,
        %mul3A_540 = arith.mulf %get3A_531, %get3A_539 : vector<16xf32>
        %add3A_541 = arith.addf %scan3A_430, %mul3A_540 : vector<16xf32>
        %get3A_542 = arith.constant 0 : i32
        %get3A_543 = arith.constant 6 : i32
        %get3A_544 = arith.index_cast %get3A_542 : i32 to index
        %get3A_545 = arith.index_cast %get3A_543 : i32 to index
        %get3A_546 = arith.index_cast %add3A_446 : i32 to index
        %get3A_547 = tpu.vector_load %arg10[%get3A_544, %get3A_545, %get3A_546] {strides = array<i32>} : memref<4x16x1024xf32, #tpu.memory_space<vmem>>, vector<16xf32>,
        %get3A_548 = arith.constant 6 : i32
        %get3A_549 = arith.constant 0 : i32
        %get3A_550 = arith.constant 0 : i32
        %get3A_551 = tpu.memref_slice %arg7[%select_n3A_88, %get3A_549, %get3A_550] : memref<2x16x1024xf32, #tpu.memory_space<vmem>> -> memref<1x16x1024xf32, #tpu.memory_space<vmem>>
        %get3A_552 = tpu.memref_squeeze %get3A_551 : memref<1x16x1024xf32, #tpu.memory_space<vmem>> -> memref<16x1024xf32, #tpu.memory_space<vmem>>
        %get3A_553 = arith.index_cast %get3A_548 : i32 to index
        %get3A_554 = arith.index_cast %add3A_446 : i32 to index
        %get3A_555 = tpu.vector_load %get3A_552[%get3A_553, %get3A_554] {strides = array<i32>} : memref<16x1024xf32, #tpu.memory_space<vmem>>, vector<16xf32>,
        %mul3A_556 = arith.mulf %get3A_547, %get3A_555 : vector<16xf32>
        %add3A_557 = arith.addf %scan3A_431, %mul3A_556 : vector<16xf32>
        %get3A_558 = arith.constant 0 : i32
        %get3A_559 = arith.constant 7 : i32
        %get3A_560 = arith.index_cast %get3A_558 : i32 to index
        %get3A_561 = arith.index_cast %get3A_559 : i32 to index
        %get3A_562 = arith.index_cast %add3A_446 : i32 to index
        %get3A_563 = tpu.vector_load %arg10[%get3A_560, %get3A_561, %get3A_562] {strides = array<i32>} : memref<4x16x1024xf32, #tpu.memory_space<vmem>>, vector<16xf32>,
        %get3A_564 = arith.constant 7 : i32
        %get3A_565 = arith.constant 0 : i32
        %get3A_566 = arith.constant 0 : i32
        %get3A_567 = tpu.memref_slice %arg7[%select_n3A_88, %get3A_565, %get3A_566] : memref<2x16x1024xf32, #tpu.memory_space<vmem>> -> memref<1x16x1024xf32, #tpu.memory_space<vmem>>
        %get3A_568 = tpu.memref_squeeze %get3A_567 : memref<1x16x1024xf32, #tpu.memory_space<vmem>> -> memref<16x1024xf32, #tpu.memory_space<vmem>>
        %get3A_569 = arith.index_cast %get3A_564 : i32 to index
        %get3A_570 = arith.index_cast %add3A_446 : i32 to index
        %get3A_571 = tpu.vector_load %get3A_568[%get3A_569, %get3A_570] {strides = array<i32>} : memref<16x1024xf32, #tpu.memory_space<vmem>>, vector<16xf32>,
        %mul3A_572 = arith.mulf %get3A_563, %get3A_571 : vector<16xf32>
        %add3A_573 = arith.addf %scan3A_432, %mul3A_572 : vector<16xf32>
        %get3A_574 = arith.constant 0 : i32
        %get3A_575 = arith.constant 8 : i32
        %get3A_576 = arith.index_cast %get3A_574 : i32 to index
        %get3A_577 = arith.index_cast %get3A_575 : i32 to index
        %get3A_578 = arith.index_cast %add3A_446 : i32 to index
        %get3A_579 = tpu.vector_load %arg10[%get3A_576, %get3A_577, %get3A_578] {strides = array<i32>} : memref<4x16x1024xf32, #tpu.memory_space<vmem>>, vector<16xf32>,
        %get3A_580 = arith.constant 8 : i32
        %get3A_581 = arith.constant 0 : i32
        %get3A_582 = arith.constant 0 : i32
        %get3A_583 = tpu.memref_slice %arg7[%select_n3A_88, %get3A_581, %get3A_582] : memref<2x16x1024xf32, #tpu.memory_space<vmem>> -> memref<1x16x1024xf32, #tpu.memory_space<vmem>>
        %get3A_584 = tpu.memref_squeeze %get3A_583 : memref<1x16x1024xf32, #tpu.memory_space<vmem>> -> memref<16x1024xf32, #tpu.memory_space<vmem>>
        %get3A_585 = arith.index_cast %get3A_580 : i32 to index
        %get3A_586 = arith.index_cast %add3A_446 : i32 to index
        %get3A_587 = tpu.vector_load %get3A_584[%get3A_585, %get3A_586] {strides = array<i32>} : memref<16x1024xf32, #tpu.memory_space<vmem>>, vector<16xf32>,
        %mul3A_588 = arith.mulf %get3A_579, %get3A_587 : vector<16xf32>
        %add3A_589 = arith.addf %scan3A_433, %mul3A_588 : vector<16xf32>
        %get3A_590 = arith.constant 0 : i32
        %get3A_591 = arith.constant 9 : i32
        %get3A_592 = arith.index_cast %get3A_590 : i32 to index
        %get3A_593 = arith.index_cast %get3A_591 : i32 to index
        %get3A_594 = arith.index_cast %add3A_446 : i32 to index
        %get3A_595 = tpu.vector_load %arg10[%get3A_592, %get3A_593, %get3A_594] {strides = array<i32>} : memref<4x16x1024xf32, #tpu.memory_space<vmem>>, vector<16xf32>,
        %get3A_596 = arith.constant 9 : i32
        %get3A_597 = arith.constant 0 : i32
        %get3A_598 = arith.constant 0 : i32
        %get3A_599 = tpu.memref_slice %arg7[%select_n3A_88, %get3A_597, %get3A_598] : memref<2x16x1024xf32, #tpu.memory_space<vmem>> -> memref<1x16x1024xf32, #tpu.memory_space<vmem>>
        %get3A_600 = tpu.memref_squeeze %get3A_599 : memref<1x16x1024xf32, #tpu.memory_space<vmem>> -> memref<16x1024xf32, #tpu.memory_space<vmem>>
        %get3A_601 = arith.index_cast %get3A_596 : i32 to index
        %get3A_602 = arith.index_cast %add3A_446 : i32 to index
        %get3A_603 = tpu.vector_load %get3A_600[%get3A_601, %get3A_602] {strides = array<i32>} : memref<16x1024xf32, #tpu.memory_space<vmem>>, vector<16xf32>,
        %mul3A_604 = arith.mulf %get3A_595, %get3A_603 : vector<16xf32>
        %add3A_605 = arith.addf %scan3A_434, %mul3A_604 : vector<16xf32>
        %get3A_606 = arith.constant 0 : i32
        %get3A_607 = arith.constant 10 : i32
        %get3A_608 = arith.index_cast %get3A_606 : i32 to index
        %get3A_609 = arith.index_cast %get3A_607 : i32 to index
        %get3A_610 = arith.index_cast %add3A_446 : i32 to index
        %get3A_611 = tpu.vector_load %arg10[%get3A_608, %get3A_609, %get3A_610] {strides = array<i32>} : memref<4x16x1024xf32, #tpu.memory_space<vmem>>, vector<16xf32>,
        %get3A_612 = arith.constant 10 : i32
        %get3A_613 = arith.constant 0 : i32
        %get3A_614 = arith.constant 0 : i32
        %get3A_615 = tpu.memref_slice %arg7[%select_n3A_88, %get3A_613, %get3A_614] : memref<2x16x1024xf32, #tpu.memory_space<vmem>> -> memref<1x16x1024xf32, #tpu.memory_space<vmem>>
        %get3A_616 = tpu.memref_squeeze %get3A_615 : memref<1x16x1024xf32, #tpu.memory_space<vmem>> -> memref<16x1024xf32, #tpu.memory_space<vmem>>
        %get3A_617 = arith.index_cast %get3A_612 : i32 to index
        %get3A_618 = arith.index_cast %add3A_446 : i32 to index
        %get3A_619 = tpu.vector_load %get3A_616[%get3A_617, %get3A_618] {strides = array<i32>} : memref<16x1024xf32, #tpu.memory_space<vmem>>, vector<16xf32>,
        %mul3A_620 = arith.mulf %get3A_611, %get3A_619 : vector<16xf32>
        %add3A_621 = arith.addf %scan3A_435, %mul3A_620 : vector<16xf32>
        %get3A_622 = arith.constant 0 : i32
        %get3A_623 = arith.constant 11 : i32
        %get3A_624 = arith.index_cast %get3A_622 : i32 to index
        %get3A_625 = arith.index_cast %get3A_623 : i32 to index
        %get3A_626 = arith.index_cast %add3A_446 : i32 to index
        %get3A_627 = tpu.vector_load %arg10[%get3A_624, %get3A_625, %get3A_626] {strides = array<i32>} : memref<4x16x1024xf32, #tpu.memory_space<vmem>>, vector<16xf32>,
        %get3A_628 = arith.constant 11 : i32
        %get3A_629 = arith.constant 0 : i32
        %get3A_630 = arith.constant 0 : i32
        %get3A_631 = tpu.memref_slice %arg7[%select_n3A_88, %get3A_629, %get3A_630] : memref<2x16x1024xf32, #tpu.memory_space<vmem>> -> memref<1x16x1024xf32, #tpu.memory_space<vmem>>
        %get3A_632 = tpu.memref_squeeze %get3A_631 : memref<1x16x1024xf32, #tpu.memory_space<vmem>> -> memref<16x1024xf32, #tpu.memory_space<vmem>>
        %get3A_633 = arith.index_cast %get3A_628 : i32 to index
        %get3A_634 = arith.index_cast %add3A_446 : i32 to index
        %get3A_635 = tpu.vector_load %get3A_632[%get3A_633, %get3A_634] {strides = array<i32>} : memref<16x1024xf32, #tpu.memory_space<vmem>>, vector<16xf32>,
        %mul3A_636 = arith.mulf %get3A_627, %get3A_635 : vector<16xf32>
        %add3A_637 = arith.addf %scan3A_436, %mul3A_636 : vector<16xf32>
        %get3A_638 = arith.constant 0 : i32
        %get3A_639 = arith.constant 12 : i32
        %get3A_640 = arith.index_cast %get3A_638 : i32 to index
        %get3A_641 = arith.index_cast %get3A_639 : i32 to index
        %get3A_642 = arith.index_cast %add3A_446 : i32 to index
        %get3A_643 = tpu.vector_load %arg10[%get3A_640, %get3A_641, %get3A_642] {strides = array<i32>} : memref<4x16x1024xf32, #tpu.memory_space<vmem>>, vector<16xf32>,
        %get3A_644 = arith.constant 12 : i32
        %get3A_645 = arith.constant 0 : i32
        %get3A_646 = arith.constant 0 : i32
        %get3A_647 = tpu.memref_slice %arg7[%select_n3A_88, %get3A_645, %get3A_646] : memref<2x16x1024xf32, #tpu.memory_space<vmem>> -> memref<1x16x1024xf32, #tpu.memory_space<vmem>>
        %get3A_648 = tpu.memref_squeeze %get3A_647 : memref<1x16x1024xf32, #tpu.memory_space<vmem>> -> memref<16x1024xf32, #tpu.memory_space<vmem>>
        %get3A_649 = arith.index_cast %get3A_644 : i32 to index
        %get3A_650 = arith.index_cast %add3A_446 : i32 to index
        %get3A_651 = tpu.vector_load %get3A_648[%get3A_649, %get3A_650] {strides = array<i32>} : memref<16x1024xf32, #tpu.memory_space<vmem>>, vector<16xf32>,
        %mul3A_652 = arith.mulf %get3A_643, %get3A_651 : vector<16xf32>
        %add3A_653 = arith.addf %scan3A_437, %mul3A_652 : vector<16xf32>
        %get3A_654 = arith.constant 0 : i32
        %get3A_655 = arith.constant 13 : i32
        %get3A_656 = arith.index_cast %get3A_654 : i32 to index
        %get3A_657 = arith.index_cast %get3A_655 : i32 to index
        %get3A_658 = arith.index_cast %add3A_446 : i32 to index
        %get3A_659 = tpu.vector_load %arg10[%get3A_656, %get3A_657, %get3A_658] {strides = array<i32>} : memref<4x16x1024xf32, #tpu.memory_space<vmem>>, vector<16xf32>,
        %get3A_660 = arith.constant 13 : i32
        %get3A_661 = arith.constant 0 : i32
        %get3A_662 = arith.constant 0 : i32
        %get3A_663 = tpu.memref_slice %arg7[%select_n3A_88, %get3A_661, %get3A_662] : memref<2x16x1024xf32, #tpu.memory_space<vmem>> -> memref<1x16x1024xf32, #tpu.memory_space<vmem>>
        %get3A_664 = tpu.memref_squeeze %get3A_663 : memref<1x16x1024xf32, #tpu.memory_space<vmem>> -> memref<16x1024xf32, #tpu.memory_space<vmem>>
        %get3A_665 = arith.index_cast %get3A_660 : i32 to index
        %get3A_666 = arith.index_cast %add3A_446 : i32 to index
        %get3A_667 = tpu.vector_load %get3A_664[%get3A_665, %get3A_666] {strides = array<i32>} : memref<16x1024xf32, #tpu.memory_space<vmem>>, vector<16xf32>,
        %mul3A_668 = arith.mulf %get3A_659, %get3A_667 : vector<16xf32>
        %add3A_669 = arith.addf %scan3A_438, %mul3A_668 : vector<16xf32>
        %get3A_670 = arith.constant 0 : i32
        %get3A_671 = arith.constant 14 : i32
        %get3A_672 = arith.index_cast %get3A_670 : i32 to index
        %get3A_673 = arith.index_cast %get3A_671 : i32 to index
        %get3A_674 = arith.index_cast %add3A_446 : i32 to index
        %get3A_675 = tpu.vector_load %arg10[%get3A_672, %get3A_673, %get3A_674] {strides = array<i32>} : memref<4x16x1024xf32, #tpu.memory_space<vmem>>, vector<16xf32>,
        %get3A_676 = arith.constant 14 : i32
        %get3A_677 = arith.constant 0 : i32
        %get3A_678 = arith.constant 0 : i32
        %get3A_679 = tpu.memref_slice %arg7[%select_n3A_88, %get3A_677, %get3A_678] : memref<2x16x1024xf32, #tpu.memory_space<vmem>> -> memref<1x16x1024xf32, #tpu.memory_space<vmem>>
        %get3A_680 = tpu.memref_squeeze %get3A_679 : memref<1x16x1024xf32, #tpu.memory_space<vmem>> -> memref<16x1024xf32, #tpu.memory_space<vmem>>
        %get3A_681 = arith.index_cast %get3A_676 : i32 to index
        %get3A_682 = arith.index_cast %add3A_446 : i32 to index
        %get3A_683 = tpu.vector_load %get3A_680[%get3A_681, %get3A_682] {strides = array<i32>} : memref<16x1024xf32, #tpu.memory_space<vmem>>, vector<16xf32>,
        %mul3A_684 = arith.mulf %get3A_675, %get3A_683 : vector<16xf32>
        %add3A_685 = arith.addf %scan3A_439, %mul3A_684 : vector<16xf32>
        %get3A_686 = arith.constant 0 : i32
        %get3A_687 = arith.constant 15 : i32
        %get3A_688 = arith.index_cast %get3A_686 : i32 to index
        %get3A_689 = arith.index_cast %get3A_687 : i32 to index
        %get3A_690 = arith.index_cast %add3A_446 : i32 to index
        %get3A_691 = tpu.vector_load %arg10[%get3A_688, %get3A_689, %get3A_690] {strides = array<i32>} : memref<4x16x1024xf32, #tpu.memory_space<vmem>>, vector<16xf32>,
        %get3A_692 = arith.constant 15 : i32
        %get3A_693 = arith.constant 0 : i32
        %get3A_694 = arith.constant 0 : i32
        %get3A_695 = tpu.memref_slice %arg7[%select_n3A_88, %get3A_693, %get3A_694] : memref<2x16x1024xf32, #tpu.memory_space<vmem>> -> memref<1x16x1024xf32, #tpu.memory_space<vmem>>
        %get3A_696 = tpu.memref_squeeze %get3A_695 : memref<1x16x1024xf32, #tpu.memory_space<vmem>> -> memref<16x1024xf32, #tpu.memory_space<vmem>>
        %get3A_697 = arith.index_cast %get3A_692 : i32 to index
        %get3A_698 = arith.index_cast %add3A_446 : i32 to index
        %get3A_699 = tpu.vector_load %get3A_696[%get3A_697, %get3A_698] {strides = array<i32>} : memref<16x1024xf32, #tpu.memory_space<vmem>>, vector<16xf32>,
        %mul3A_700 = arith.mulf %get3A_691, %get3A_699 : vector<16xf32>
        %add3A_701 = arith.addf %scan3A_440, %mul3A_700 : vector<16xf32>
        scf.yield %add3A_461, %add3A_477, %add3A_493, %add3A_509, %add3A_525, %add3A_541, %add3A_557, %add3A_573, %add3A_589, %add3A_605, %add3A_621, %add3A_637, %add3A_653, %add3A_669, %add3A_685, %add3A_701 : vector<16xf32>, vector<16xf32>, vector<16xf32>, vector<16xf32>, vector<16xf32>, vector<16xf32>, vector<16xf32>, vector<16xf32>, vector<16xf32>, vector<16xf32>, vector<16xf32>, vector<16xf32>, vector<16xf32>, vector<16xf32>, vector<16xf32>, vector<16xf32>
      }
      %scan3A_237 = arith.constant 64 : i32
      %swap3A = arith.constant 0 : index
      %swap3A_238 = tpu.vector_load %arg11[%swap3A] {strides = array<i32>} : memref<256xf32, #tpu.memory_space<vmem>>, vector<16xf32>,
      tpu.vector_store %arg11[%swap3A], %scan3A_236#0 {strides = array<i32>} : memref<256xf32, #tpu.memory_space<vmem>>, vector<16xf32>,
      %swap3A_239 = arith.constant 16 : index
      %swap3A_240 = tpu.vector_load %arg11[%swap3A_239] {strides = array<i32>} : memref<256xf32, #tpu.memory_space<vmem>>, vector<16xf32>,
      tpu.vector_store %arg11[%swap3A_239], %scan3A_236#1 {strides = array<i32>} : memref<256xf32, #tpu.memory_space<vmem>>, vector<16xf32>,
      %swap3A_241 = arith.constant 32 : index
      %swap3A_242 = tpu.vector_load %arg11[%swap3A_241] {strides = array<i32>} : memref<256xf32, #tpu.memory_space<vmem>>, vector<16xf32>,
      tpu.vector_store %arg11[%swap3A_241], %scan3A_236#2 {strides = array<i32>} : memref<256xf32, #tpu.memory_space<vmem>>, vector<16xf32>,
      %swap3A_243 = arith.constant 48 : index
      %swap3A_244 = tpu.vector_load %arg11[%swap3A_243] {strides = array<i32>} : memref<256xf32, #tpu.memory_space<vmem>>, vector<16xf32>,
      tpu.vector_store %arg11[%swap3A_243], %scan3A_236#3 {strides = array<i32>} : memref<256xf32, #tpu.memory_space<vmem>>, vector<16xf32>,
      %swap3A_245 = arith.constant 64 : index
      %swap3A_246 = tpu.vector_load %arg11[%swap3A_245] {strides = array<i32>} : memref<256xf32, #tpu.memory_space<vmem>>, vector<16xf32>,
      tpu.vector_store %arg11[%swap3A_245], %scan3A_236#4 {strides = array<i32>} : memref<256xf32, #tpu.memory_space<vmem>>, vector<16xf32>,
      %swap3A_247 = arith.constant 80 : index
      %swap3A_248 = tpu.vector_load %arg11[%swap3A_247] {strides = array<i32>} : memref<256xf32, #tpu.memory_space<vmem>>, vector<16xf32>,
      tpu.vector_store %arg11[%swap3A_247], %scan3A_236#5 {strides = array<i32>} : memref<256xf32, #tpu.memory_space<vmem>>, vector<16xf32>,
      %swap3A_249 = arith.constant 96 : index
      %swap3A_250 = tpu.vector_load %arg11[%swap3A_249] {strides = array<i32>} : memref<256xf32, #tpu.memory_space<vmem>>, vector<16xf32>,
      tpu.vector_store %arg11[%swap3A_249], %scan3A_236#6 {strides = array<i32>} : memref<256xf32, #tpu.memory_space<vmem>>, vector<16xf32>,
      %swap3A_251 = arith.constant 112 : index
      %swap3A_252 = tpu.vector_load %arg11[%swap3A_251] {strides = array<i32>} : memref<256xf32, #tpu.memory_space<vmem>>, vector<16xf32>,
      tpu.vector_store %arg11[%swap3A_251], %scan3A_236#7 {strides = array<i32>} : memref<256xf32, #tpu.memory_space<vmem>>, vector<16xf32>,
      %swap3A_253 = arith.constant 128 : index
      %swap3A_254 = tpu.vector_load %arg11[%swap3A_253] {strides = array<i32>} : memref<256xf32, #tpu.memory_space<vmem>>, vector<16xf32>,
      tpu.vector_store %arg11[%swap3A_253], %scan3A_236#8 {strides = array<i32>} : memref<256xf32, #tpu.memory_space<vmem>>, vector<16xf32>,
      %swap3A_255 = arith.constant 144 : index
      %swap3A_256 = tpu.vector_load %arg11[%swap3A_255] {strides = array<i32>} : memref<256xf32, #tpu.memory_space<vmem>>, vector<16xf32>,
      tpu.vector_store %arg11[%swap3A_255], %scan3A_236#9 {strides = array<i32>} : memref<256xf32, #tpu.memory_space<vmem>>, vector<16xf32>,
      %swap3A_257 = arith.constant 160 : index
      %swap3A_258 = tpu.vector_load %arg11[%swap3A_257] {strides = array<i32>} : memref<256xf32, #tpu.memory_space<vmem>>, vector<16xf32>,
      tpu.vector_store %arg11[%swap3A_257], %scan3A_236#10 {strides = array<i32>} : memref<256xf32, #tpu.memory_space<vmem>>, vector<16xf32>,
      %swap3A_259 = arith.constant 176 : index
      %swap3A_260 = tpu.vector_load %arg11[%swap3A_259] {strides = array<i32>} : memref<256xf32, #tpu.memory_space<vmem>>, vector<16xf32>,
      tpu.vector_store %arg11[%swap3A_259], %scan3A_236#11 {strides = array<i32>} : memref<256xf32, #tpu.memory_space<vmem>>, vector<16xf32>,
      %swap3A_261 = arith.constant 192 : index
      %swap3A_262 = tpu.vector_load %arg11[%swap3A_261] {strides = array<i32>} : memref<256xf32, #tpu.memory_space<vmem>>, vector<16xf32>,
      tpu.vector_store %arg11[%swap3A_261], %scan3A_236#12 {strides = array<i32>} : memref<256xf32, #tpu.memory_space<vmem>>, vector<16xf32>,
      %swap3A_263 = arith.constant 208 : index
      %swap3A_264 = tpu.vector_load %arg11[%swap3A_263] {strides = array<i32>} : memref<256xf32, #tpu.memory_space<vmem>>, vector<16xf32>,
      tpu.vector_store %arg11[%swap3A_263], %scan3A_236#13 {strides = array<i32>} : memref<256xf32, #tpu.memory_space<vmem>>, vector<16xf32>,
      %swap3A_265 = arith.constant 224 : index
      %swap3A_266 = tpu.vector_load %arg11[%swap3A_265] {strides = array<i32>} : memref<256xf32, #tpu.memory_space<vmem>>, vector<16xf32>,
      tpu.vector_store %arg11[%swap3A_265], %scan3A_236#14 {strides = array<i32>} : memref<256xf32, #tpu.memory_space<vmem>>, vector<16xf32>,
      %swap3A_267 = arith.constant 240 : index
      %swap3A_268 = tpu.vector_load %arg11[%swap3A_267] {strides = array<i32>} : memref<256xf32, #tpu.memory_space<vmem>>, vector<16xf32>,
      tpu.vector_store %arg11[%swap3A_267], %scan3A_236#15 {strides = array<i32>} : memref<256xf32, #tpu.memory_space<vmem>>, vector<16xf32>,
      %mul3A_269 = arith.constant 16 : i32
      %mul3A_270 = vector.broadcast %mul3A_269 : i32 to vector<16xi32>
      %mul3A_271 = arith.muli %iota3A, %mul3A_270 : vector<16xi32>
      %gather3A = tpu.vector_load_idx %arg11[%mul3A_271] : memref<256xf32, #tpu.memory_space<vmem>>[vector<16xi32>], vector<16xf32>,
      %mul3A_272 = arith.constant 16 : i32
      %mul3A_273 = vector.broadcast %mul3A_272 : i32 to vector<16xi32>
      %mul3A_274 = arith.muli %iota3A, %mul3A_273 : vector<16xi32>
      %add3A_275 = arith.constant 1 : i32
      %add3A_276 = vector.broadcast %add3A_275 : i32 to vector<16xi32>
      %add3A_277 = arith.addi %mul3A_274, %add3A_276 : vector<16xi32>
      %gather3A_278 = tpu.vector_load_idx %arg11[%add3A_277] : memref<256xf32, #tpu.memory_space<vmem>>[vector<16xi32>], vector<16xf32>,
      %add3A_279 = arith.addf %gather3A, %gather3A_278 : vector<16xf32>
      %mul3A_280 = arith.constant 16 : i32
      %mul3A_281 = vector.broadcast %mul3A_280 : i32 to vector<16xi32>
      %mul3A_282 = arith.muli %iota3A, %mul3A_281 : vector<16xi32>
      %add3A_283 = arith.constant 2 : i32
      %add3A_284 = vector.broadcast %add3A_283 : i32 to vector<16xi32>
      %add3A_285 = arith.addi %mul3A_282, %add3A_284 : vector<16xi32>
      %gather3A_286 = tpu.vector_load_idx %arg11[%add3A_285] : memref<256xf32, #tpu.memory_space<vmem>>[vector<16xi32>], vector<16xf32>,
      %add3A_287 = arith.addf %add3A_279, %gather3A_286 : vector<16xf32>
      %mul3A_288 = arith.constant 16 : i32
      %mul3A_289 = vector.broadcast %mul3A_288 : i32 to vector<16xi32>
      %mul3A_290 = arith.muli %iota3A, %mul3A_289 : vector<16xi32>
      %add3A_291 = arith.constant 3 : i32
      %add3A_292 = vector.broadcast %add3A_291 : i32 to vector<16xi32>
      %add3A_293 = arith.addi %mul3A_290, %add3A_292 : vector<16xi32>
      %gather3A_294 = tpu.vector_load_idx %arg11[%add3A_293] : memref<256xf32, #tpu.memory_space<vmem>>[vector<16xi32>], vector<16xf32>,
      %add3A_295 = arith.addf %add3A_287, %gather3A_294 : vector<16xf32>
      %mul3A_296 = arith.constant 16 : i32
      %mul3A_297 = vector.broadcast %mul3A_296 : i32 to vector<16xi32>
      %mul3A_298 = arith.muli %iota3A, %mul3A_297 : vector<16xi32>
      %add3A_299 = arith.constant 4 : i32
      %add3A_300 = vector.broadcast %add3A_299 : i32 to vector<16xi32>
      %add3A_301 = arith.addi %mul3A_298, %add3A_300 : vector<16xi32>
      %gather3A_302 = tpu.vector_load_idx %arg11[%add3A_301] : memref<256xf32, #tpu.memory_space<vmem>>[vector<16xi32>], vector<16xf32>,
      %add3A_303 = arith.addf %add3A_295, %gather3A_302 : vector<16xf32>
      %mul3A_304 = arith.constant 16 : i32
      %mul3A_305 = vector.broadcast %mul3A_304 : i32 to vector<16xi32>
      %mul3A_306 = arith.muli %iota3A, %mul3A_305 : vector<16xi32>
      %add3A_307 = arith.constant 5 : i32
      %add3A_308 = vector.broadcast %add3A_307 : i32 to vector<16xi32>
      %add3A_309 = arith.addi %mul3A_306, %add3A_308 : vector<16xi32>
      %gather3A_310 = tpu.vector_load_idx %arg11[%add3A_309] : memref<256xf32, #tpu.memory_space<vmem>>[vector<16xi32>], vector<16xf32>,
      %add3A_311 = arith.addf %add3A_303, %gather3A_310 : vector<16xf32>
      %mul3A_312 = arith.constant 16 : i32
      %mul3A_313 = vector.broadcast %mul3A_312 : i32 to vector<16xi32>
      %mul3A_314 = arith.muli %iota3A, %mul3A_313 : vector<16xi32>
      %add3A_315 = arith.constant 6 : i32
      %add3A_316 = vector.broadcast %add3A_315 : i32 to vector<16xi32>
      %add3A_317 = arith.addi %mul3A_314, %add3A_316 : vector<16xi32>
      %gather3A_318 = tpu.vector_load_idx %arg11[%add3A_317] : memref<256xf32, #tpu.memory_space<vmem>>[vector<16xi32>], vector<16xf32>,
      %add3A_319 = arith.addf %add3A_311, %gather3A_318 : vector<16xf32>
      %mul3A_320 = arith.constant 16 : i32
      %mul3A_321 = vector.broadcast %mul3A_320 : i32 to vector<16xi32>
      %mul3A_322 = arith.muli %iota3A, %mul3A_321 : vector<16xi32>
      %add3A_323 = arith.constant 7 : i32
      %add3A_324 = vector.broadcast %add3A_323 : i32 to vector<16xi32>
      %add3A_325 = arith.addi %mul3A_322, %add3A_324 : vector<16xi32>
      %gather3A_326 = tpu.vector_load_idx %arg11[%add3A_325] : memref<256xf32, #tpu.memory_space<vmem>>[vector<16xi32>], vector<16xf32>,
      %add3A_327 = arith.addf %add3A_319, %gather3A_326 : vector<16xf32>
      %mul3A_328 = arith.constant 16 : i32
      %mul3A_329 = vector.broadcast %mul3A_328 : i32 to vector<16xi32>
      %mul3A_330 = arith.muli %iota3A, %mul3A_329 : vector<16xi32>
      %add3A_331 = arith.constant 8 : i32
      %add3A_332 = vector.broadcast %add3A_331 : i32 to vector<16xi32>
      %add3A_333 = arith.addi %mul3A_330, %add3A_332 : vector<16xi32>
      %gather3A_334 = tpu.vector_load_idx %arg11[%add3A_333] : memref<256xf32, #tpu.memory_space<vmem>>[vector<16xi32>], vector<16xf32>,
      %add3A_335 = arith.addf %add3A_327, %gather3A_334 : vector<16xf32>
      %mul3A_336 = arith.constant 16 : i32
      %mul3A_337 = vector.broadcast %mul3A_336 : i32 to vector<16xi32>
      %mul3A_338 = arith.muli %iota3A, %mul3A_337 : vector<16xi32>
      %add3A_339 = arith.constant 9 : i32
      %add3A_340 = vector.broadcast %add3A_339 : i32 to vector<16xi32>
      %add3A_341 = arith.addi %mul3A_338, %add3A_340 : vector<16xi32>
      %gather3A_342 = tpu.vector_load_idx %arg11[%add3A_341] : memref<256xf32, #tpu.memory_space<vmem>>[vector<16xi32>], vector<16xf32>,
      %add3A_343 = arith.addf %add3A_335, %gather3A_342 : vector<16xf32>
      %mul3A_344 = arith.constant 16 : i32
      %mul3A_345 = vector.broadcast %mul3A_344 : i32 to vector<16xi32>
      %mul3A_346 = arith.muli %iota3A, %mul3A_345 : vector<16xi32>
      %add3A_347 = arith.constant 10 : i32
      %add3A_348 = vector.broadcast %add3A_347 : i32 to vector<16xi32>
      %add3A_349 = arith.addi %mul3A_346, %add3A_348 : vector<16xi32>
      %gather3A_350 = tpu.vector_load_idx %arg11[%add3A_349] : memref<256xf32, #tpu.memory_space<vmem>>[vector<16xi32>], vector<16xf32>,
      %add3A_351 = arith.addf %add3A_343, %gather3A_350 : vector<16xf32>
      %mul3A_352 = arith.constant 16 : i32
      %mul3A_353 = vector.broadcast %mul3A_352 : i32 to vector<16xi32>
      %mul3A_354 = arith.muli %iota3A, %mul3A_353 : vector<16xi32>
      %add3A_355 = arith.constant 11 : i32
      %add3A_356 = vector.broadcast %add3A_355 : i32 to vector<16xi32>
      %add3A_357 = arith.addi %mul3A_354, %add3A_356 : vector<16xi32>
      %gather3A_358 = tpu.vector_load_idx %arg11[%add3A_357] : memref<256xf32, #tpu.memory_space<vmem>>[vector<16xi32>], vector<16xf32>,
      %add3A_359 = arith.addf %add3A_351, %gather3A_358 : vector<16xf32>
      %mul3A_360 = arith.constant 16 : i32
      %mul3A_361 = vector.broadcast %mul3A_360 : i32 to vector<16xi32>
      %mul3A_362 = arith.muli %iota3A, %mul3A_361 : vector<16xi32>
      %add3A_363 = arith.constant 12 : i32
      %add3A_364 = vector.broadcast %add3A_363 : i32 to vector<16xi32>
      %add3A_365 = arith.addi %mul3A_362, %add3A_364 : vector<16xi32>
      %gather3A_366 = tpu.vector_load_idx %arg11[%add3A_365] : memref<256xf32, #tpu.memory_space<vmem>>[vector<16xi32>], vector<16xf32>,
      %add3A_367 = arith.addf %add3A_359, %gather3A_366 : vector<16xf32>
      %mul3A_368 = arith.constant 16 : i32
      %mul3A_369 = vector.broadcast %mul3A_368 : i32 to vector<16xi32>
      %mul3A_370 = arith.muli %iota3A, %mul3A_369 : vector<16xi32>
      %add3A_371 = arith.constant 13 : i32
      %add3A_372 = vector.broadcast %add3A_371 : i32 to vector<16xi32>
      %add3A_373 = arith.addi %mul3A_370, %add3A_372 : vector<16xi32>
      %gather3A_374 = tpu.vector_load_idx %arg11[%add3A_373] : memref<256xf32, #tpu.memory_space<vmem>>[vector<16xi32>], vector<16xf32>,
      %add3A_375 = arith.addf %add3A_367, %gather3A_374 : vector<16xf32>
      %mul3A_376 = arith.constant 16 : i32
      %mul3A_377 = vector.broadcast %mul3A_376 : i32 to vector<16xi32>
      %mul3A_378 = arith.muli %iota3A, %mul3A_377 : vector<16xi32>
      %add3A_379 = arith.constant 14 : i32
      %add3A_380 = vector.broadcast %add3A_379 : i32 to vector<16xi32>
      %add3A_381 = arith.addi %mul3A_378, %add3A_380 : vector<16xi32>
      %gather3A_382 = tpu.vector_load_idx %arg11[%add3A_381] : memref<256xf32, #tpu.memory_space<vmem>>[vector<16xi32>], vector<16xf32>,
      %add3A_383 = arith.addf %add3A_375, %gather3A_382 : vector<16xf32>
      %mul3A_384 = arith.constant 16 : i32
      %mul3A_385 = vector.broadcast %mul3A_384 : i32 to vector<16xi32>
      %mul3A_386 = arith.muli %iota3A, %mul3A_385 : vector<16xi32>
      %add3A_387 = arith.constant 15 : i32
      %add3A_388 = vector.broadcast %add3A_387 : i32 to vector<16xi32>
      %add3A_389 = arith.addi %mul3A_386, %add3A_388 : vector<16xi32>
      %gather3A_390 = tpu.vector_load_idx %arg11[%add3A_389] : memref<256xf32, #tpu.memory_space<vmem>>[vector<16xi32>], vector<16xf32>,
      %add3A_391 = arith.addf %add3A_383, %gather3A_390 : vector<16xf32>
      %mul3A_392 = arith.constant 128 : i32
      %mul3A_393 = vector.broadcast %mul3A_392 : i32 to vector<16xi32>
      %mul3A_394 = arith.muli %iota3A, %mul3A_393 : vector<16xi32>
      tpu.vector_store_idx %arg12[%mul3A_394], %add3A_391 : memref<2048xf32, #tpu.memory_space<vmem>>[vector<16xi32>], vector<16xf32>,
      %dma_start3A_395 = arith.constant 0 : i32
      %dma_start3A_396 = arith.constant 0 : i32
      %dma_start3A_397 = arith.constant 0 : i32
      %dma_start3A_398 = arith.constant 0 : i32
      %dma_start3A_399 = arith.constant 0 : i32
      %dma_start3A_400 = tpu.memref_slice %arg10[%dma_start3A_396, %dma_start3A_398, %dma_start3A_399] : memref<4x16x1024xf32, #tpu.memory_space<vmem>> -> memref<1x16x1024xf32, #tpu.memory_space<vmem>>
      %dma_start3A_401 = tpu.memref_squeeze %dma_start3A_400 : memref<1x16x1024xf32, #tpu.memory_space<vmem>> -> memref<16x1024xf32, #tpu.memory_space<vmem>>
      %dma_start3A_402 = arith.constant 0 : i32
      %dma_start3A_403 = arith.constant 0 : i32
      %dma_start3A_404 = tpu.memref_slice %arg8[%select_n3A_88, %dma_start3A_402, %dma_start3A_403] : memref<2x64x16xi32, #tpu.memory_space<vmem>> -> memref<1x64x16xi32, #tpu.memory_space<vmem>>
      %dma_start3A_405 = tpu.memref_squeeze %dma_start3A_404 : memref<1x64x16xi32, #tpu.memory_space<vmem>> -> memref<64x16xi32, #tpu.memory_space<vmem>>
      %dma_start3A_406 = arith.constant 0 : i32
      %dma_start3A_407 = tpu.memref_slice %dma_start3A_405[%dma_start3A_395, %dma_start3A_406] : memref<64x16xi32, #tpu.memory_space<vmem>> -> memref<1x16xi32, #tpu.memory_space<vmem>>
      %dma_start3A_408 = tpu.memref_squeeze %dma_start3A_407 : memref<1x16xi32, #tpu.memory_space<vmem>> -> memref<16xi32, #tpu.memory_space<vmem>>
      %dma_start3A_409 = arith.constant 0 : i32
      %dma_start3A_410 = arith.constant 0 : i32
      %dma_start3A_411 = tpu.memref_slice %arg5[%dma_start3A_409, %dma_start3A_410] : memref<100000x1024xf32, #tpu.memory_space<hbm>> -> memref<100000x1024xf32, #tpu.memory_space<hbm>>
      %dma_start3A_412 = tpu.memref_slice %arg13[%dma_start3A_397] : memref<4x!tpu.dma_semaphore, #tpu.memory_space<semaphore_mem>> -> memref<1x!tpu.dma_semaphore, #tpu.memory_space<semaphore_mem>>
      %dma_start3A_413 = tpu.memref_squeeze %dma_start3A_412 : memref<1x!tpu.dma_semaphore, #tpu.memory_space<semaphore_mem>> -> memref<!tpu.dma_semaphore, #tpu.memory_space<semaphore_mem>>
      tpu.enqueue_indirect_dma source(%dma_start3A_411 : memref<100000x1024xf32, #tpu.memory_space<hbm>>) target(%dma_start3A_401 : memref<16x1024xf32, #tpu.memory_space<vmem>>) offsets(%dma_start3A_408 : memref<16xi32, #tpu.memory_space<vmem>>) semaphore(%dma_start3A_413 : memref<!tpu.dma_semaphore, #tpu.memory_space<semaphore_mem>>)
      %scan3A_414 = arith.constant 0 : i32
      %scan3A_415 = arith.constant 0 : i32
      %scan3A_416 = arith.constant 16 : i32
      %scan3A_417 = arith.addi %scan3A_415, %scan3A_416 : i32
      %scan3A_418 = arith.constant 1 : i32
      %scan3A_419 = scf.for %scan3A_424 = %scan3A_415 to %scan3A_417 step %scan3A_418 iter_args(%scan3A_425 = %scan3A_414) -> (i32)  : i32 {
        %mul3A_426 = arith.constant 4 : i32
        %mul3A_427 = arith.muli %scan3A_424, %mul3A_426 : i32
        %add3A_428 = arith.constant 0 : i32
        %add3A_429 = arith.addi %mul3A_427, %add3A_428 : i32
        %dma_wait3A_430 = arith.constant 0 : i32
        %dma_wait3A_431 = arith.constant 0 : i32
        %dma_wait3A_432 = arith.constant 0 : i32
        %dma_wait3A_433 = arith.constant 0 : i32
        %dma_wait3A_434 = tpu.memref_slice %arg10[%dma_wait3A_430, %dma_wait3A_432, %dma_wait3A_433] : memref<4x16x1024xf32, #tpu.memory_space<vmem>> -> memref<1x16x1024xf32, #tpu.memory_space<vmem>>
        %dma_wait3A_435 = tpu.memref_squeeze %dma_wait3A_434 : memref<1x16x1024xf32, #tpu.memory_space<vmem>> -> memref<16x1024xf32, #tpu.memory_space<vmem>>
        %dma_wait3A_436 = arith.constant 0 : i32
        %dma_wait3A_437 = arith.constant 0 : i32
        %dma_wait3A_438 = tpu.memref_slice %arg8[%select_n3A_88, %dma_wait3A_436, %dma_wait3A_437] : memref<2x64x16xi32, #tpu.memory_space<vmem>> -> memref<1x64x16xi32, #tpu.memory_space<vmem>>
        %dma_wait3A_439 = tpu.memref_squeeze %dma_wait3A_438 : memref<1x64x16xi32, #tpu.memory_space<vmem>> -> memref<64x16xi32, #tpu.memory_space<vmem>>
        %dma_wait3A_440 = arith.constant 0 : i32
        %dma_wait3A_441 = tpu.memref_slice %dma_wait3A_439[%add3A_429, %dma_wait3A_440] : memref<64x16xi32, #tpu.memory_space<vmem>> -> memref<1x16xi32, #tpu.memory_space<vmem>>
        %dma_wait3A_442 = tpu.memref_squeeze %dma_wait3A_441 : memref<1x16xi32, #tpu.memory_space<vmem>> -> memref<16xi32, #tpu.memory_space<vmem>>
        %dma_wait3A_443 = arith.constant 0 : i32
        %dma_wait3A_444 = arith.constant 0 : i32
        %dma_wait3A_445 = tpu.memref_slice %arg5[%dma_wait3A_443, %dma_wait3A_444] : memref<100000x1024xf32, #tpu.memory_space<hbm>> -> memref<100000x1024xf32, #tpu.memory_space<hbm>>
        %dma_wait3A_446 = tpu.memref_slice %arg13[%dma_wait3A_431] : memref<4x!tpu.dma_semaphore, #tpu.memory_space<semaphore_mem>> -> memref<1x!tpu.dma_semaphore, #tpu.memory_space<semaphore_mem>>
        %dma_wait3A_447 = tpu.memref_squeeze %dma_wait3A_446 : memref<1x!tpu.dma_semaphore, #tpu.memory_space<semaphore_mem>> -> memref<!tpu.dma_semaphore, #tpu.memory_space<semaphore_mem>>
        tpu.wait_indirect_dma semaphore(%dma_wait3A_447 : memref<!tpu.dma_semaphore, #tpu.memory_space<semaphore_mem>>) src(%dma_wait3A_445 : memref<100000x1024xf32, #tpu.memory_space<hbm>>) dst(%dma_wait3A_435 : memref<16x1024xf32, #tpu.memory_space<vmem>>)
        %jit3A_448 = arith.constant 4 : i32
        %div3A = arith.divsi %add3A_429, %jit3A_448 : i32
        %sign3A = arith.constant 0 : i32
        %sign3A_449 = arith.cmpi sgt, %add3A_429, %sign3A : i32
        %sign3A_450 = arith.extui %sign3A_449 : i1 to i32
        %sign3A_451 = arith.constant 0 : i32
        %sign3A_452 = arith.cmpi slt, %add3A_429, %sign3A_451 : i32
        %sign3A_453 = arith.extui %sign3A_452 : i1 to i32
        %sign3A_454 = arith.subi %sign3A_450, %sign3A_453 : i32
        %sign3A_455 = arith.constant 0 : i32
        %sign3A_456 = arith.cmpi sgt, %jit3A_448, %sign3A_455 : i32
        %sign3A_457 = arith.extui %sign3A_456 : i1 to i32
        %sign3A_458 = arith.constant 0 : i32
        %sign3A_459 = arith.cmpi slt, %jit3A_448, %sign3A_458 : i32
        %sign3A_460 = arith.extui %sign3A_459 : i1 to i32
        %sign3A_461 = arith.subi %sign3A_457, %sign3A_460 : i32
        %ne3A_462 = arith.cmpi ne, %sign3A_454, %sign3A_461 : i32
        %rem3A_463 = arith.remsi %add3A_429, %jit3A_448 : i32
        %ne3A_464 = arith.constant 0 : i32
        %ne3A_465 = arith.cmpi ne, %rem3A_463, %ne3A_464 : i32
        %and3A_466 = arith.andi %ne3A_462, %ne3A_465 : i1
        %sub3A = arith.constant 1 : i32
        %sub3A_467 = arith.subi %div3A, %sub3A : i32
        %select_n3A_468 = arith.select %and3A_466, %sub3A_467, %div3A : i32
        %scan3A_469 = arith.constant 0 : i32
        %scan3A_470 = arith.constant 64 : i32
        %scan3A_471 = arith.addi %scan3A_469, %scan3A_470 : i32
        %scan3A_472 = arith.constant 1 : i32
        %scan3A_473:16 = scf.for %scan3A_1384 = %scan3A_469 to %scan3A_471 step %scan3A_472 iter_args(%scan3A_1385 = %broadcast_in_dim3A_1, %scan3A_1386 = %broadcast_in_dim3A_3, %scan3A_1387 = %broadcast_in_dim3A_5, %scan3A_1388 = %broadcast_in_dim3A_7, %scan3A_1389 = %broadcast_in_dim3A_9, %scan3A_1390 = %broadcast_in_dim3A_11, %scan3A_1391 = %broadcast_in_dim3A_13, %scan3A_1392 = %broadcast_in_dim3A_15, %scan3A_1393 = %broadcast_in_dim3A_17, %scan3A_1394 = %broadcast_in_dim3A_19, %scan3A_1395 = %broadcast_in_dim3A_21, %scan3A_1396 = %broadcast_in_dim3A_23, %scan3A_1397 = %broadcast_in_dim3A_25, %scan3A_1398 = %broadcast_in_dim3A_27, %scan3A_1399 = %broadcast_in_dim3A_29, %scan3A_1400 = %broadcast_in_dim3A_31) -> (vector<16xf32>, vector<16xf32>, vector<16xf32>, vector<16xf32>, vector<16xf32>, vector<16xf32>, vector<16xf32>, vector<16xf32>, vector<16xf32>, vector<16xf32>, vector<16xf32>, vector<16xf32>, vector<16xf32>, vector<16xf32>, vector<16xf32>, vector<16xf32>)  : i32 {
          %mul3A_1401 = arith.constant 1 : i32
          %mul3A_1402 = arith.muli %scan3A_1384, %mul3A_1401 : i32
          %mul3A_1403 = arith.constant 16 : i32
          %mul3A_1404 = arith.muli %mul3A_1402, %mul3A_1403 : i32
          %add3A_1405 = arith.constant 0 : i32
          %add3A_1406 = arith.addi %mul3A_1404, %add3A_1405 : i32
          %get3A = arith.constant 0 : i32
          %get3A_1407 = arith.constant 0 : i32
          %get3A_1408 = tpu.memref_slice %arg7[%select_n3A_88, %get3A, %get3A_1407] : memref<2x16x1024xf32, #tpu.memory_space<vmem>> -> memref<1x16x1024xf32, #tpu.memory_space<vmem>>
          %get3A_1409 = tpu.memref_squeeze %get3A_1408 : memref<1x16x1024xf32, #tpu.memory_space<vmem>> -> memref<16x1024xf32, #tpu.memory_space<vmem>>
          %get3A_1410 = arith.index_cast %select_n3A_468 : i32 to index
          %get3A_1411 = arith.index_cast %add3A_1406 : i32 to index
          %get3A_1412 = tpu.vector_load %get3A_1409[%get3A_1410, %get3A_1411] {strides = array<i32>} : memref<16x1024xf32, #tpu.memory_space<vmem>>, vector<16xf32>,
          %get3A_1413 = arith.constant 0 : i32
          %get3A_1414 = arith.constant 0 : i32
          %get3A_1415 = arith.index_cast %get3A_1413 : i32 to index
          %get3A_1416 = arith.index_cast %get3A_1414 : i32 to index
          %get3A_1417 = arith.index_cast %add3A_1406 : i32 to index
          %get3A_1418 = tpu.vector_load %arg10[%get3A_1415, %get3A_1416, %get3A_1417] {strides = array<i32>} : memref<4x16x1024xf32, #tpu.memory_space<vmem>>, vector<16xf32>,
          %mul3A_1419 = arith.mulf %get3A_1418, %get3A_1412 : vector<16xf32>
          %add3A_1420 = arith.addf %scan3A_1385, %mul3A_1419 : vector<16xf32>
          %get3A_1421 = arith.constant 0 : i32
          %get3A_1422 = arith.constant 1 : i32
          %get3A_1423 = arith.index_cast %get3A_1421 : i32 to index
          %get3A_1424 = arith.index_cast %get3A_1422 : i32 to index
          %get3A_1425 = arith.index_cast %add3A_1406 : i32 to index
          %get3A_1426 = tpu.vector_load %arg10[%get3A_1423, %get3A_1424, %get3A_1425] {strides = array<i32>} : memref<4x16x1024xf32, #tpu.memory_space<vmem>>, vector<16xf32>,
          %mul3A_1427 = arith.mulf %get3A_1426, %get3A_1412 : vector<16xf32>
          %add3A_1428 = arith.addf %scan3A_1386, %mul3A_1427 : vector<16xf32>
          %get3A_1429 = arith.constant 0 : i32
          %get3A_1430 = arith.constant 2 : i32
          %get3A_1431 = arith.index_cast %get3A_1429 : i32 to index
          %get3A_1432 = arith.index_cast %get3A_1430 : i32 to index
          %get3A_1433 = arith.index_cast %add3A_1406 : i32 to index
          %get3A_1434 = tpu.vector_load %arg10[%get3A_1431, %get3A_1432, %get3A_1433] {strides = array<i32>} : memref<4x16x1024xf32, #tpu.memory_space<vmem>>, vector<16xf32>,
          %mul3A_1435 = arith.mulf %get3A_1434, %get3A_1412 : vector<16xf32>
          %add3A_1436 = arith.addf %scan3A_1387, %mul3A_1435 : vector<16xf32>
          %get3A_1437 = arith.constant 0 : i32
          %get3A_1438 = arith.constant 3 : i32
          %get3A_1439 = arith.index_cast %get3A_1437 : i32 to index
          %get3A_1440 = arith.index_cast %get3A_1438 : i32 to index
          %get3A_1441 = arith.index_cast %add3A_1406 : i32 to index
          %get3A_1442 = tpu.vector_load %arg10[%get3A_1439, %get3A_1440, %get3A_1441] {strides = array<i32>} : memref<4x16x1024xf32, #tpu.memory_space<vmem>>, vector<16xf32>,
          %mul3A_1443 = arith.mulf %get3A_1442, %get3A_1412 : vector<16xf32>
          %add3A_1444 = arith.addf %scan3A_1388, %mul3A_1443 : vector<16xf32>
          %get3A_1445 = arith.constant 0 : i32
          %get3A_1446 = arith.constant 4 : i32
          %get3A_1447 = arith.index_cast %get3A_1445 : i32 to index
          %get3A_1448 = arith.index_cast %get3A_1446 : i32 to index
          %get3A_1449 = arith.index_cast %add3A_1406 : i32 to index
          %get3A_1450 = tpu.vector_load %arg10[%get3A_1447, %get3A_1448, %get3A_1449] {strides = array<i32>} : memref<4x16x1024xf32, #tpu.memory_space<vmem>>, vector<16xf32>,
          %mul3A_1451 = arith.mulf %get3A_1450, %get3A_1412 : vector<16xf32>
          %add3A_1452 = arith.addf %scan3A_1389, %mul3A_1451 : vector<16xf32>
          %get3A_1453 = arith.constant 0 : i32
          %get3A_1454 = arith.constant 5 : i32
          %get3A_1455 = arith.index_cast %get3A_1453 : i32 to index
          %get3A_1456 = arith.index_cast %get3A_1454 : i32 to index
          %get3A_1457 = arith.index_cast %add3A_1406 : i32 to index
          %get3A_1458 = tpu.vector_load %arg10[%get3A_1455, %get3A_1456, %get3A_1457] {strides = array<i32>} : memref<4x16x1024xf32, #tpu.memory_space<vmem>>, vector<16xf32>,
          %mul3A_1459 = arith.mulf %get3A_1458, %get3A_1412 : vector<16xf32>
          %add3A_1460 = arith.addf %scan3A_1390, %mul3A_1459 : vector<16xf32>
          %get3A_1461 = arith.constant 0 : i32
          %get3A_1462 = arith.constant 6 : i32
          %get3A_1463 = arith.index_cast %get3A_1461 : i32 to index
          %get3A_1464 = arith.index_cast %get3A_1462 : i32 to index
          %get3A_1465 = arith.index_cast %add3A_1406 : i32 to index
          %get3A_1466 = tpu.vector_load %arg10[%get3A_1463, %get3A_1464, %get3A_1465] {strides = array<i32>} : memref<4x16x1024xf32, #tpu.memory_space<vmem>>, vector<16xf32>,
          %mul3A_1467 = arith.mulf %get3A_1466, %get3A_1412 : vector<16xf32>
          %add3A_1468 = arith.addf %scan3A_1391, %mul3A_1467 : vector<16xf32>
          %get3A_1469 = arith.constant 0 : i32
          %get3A_1470 = arith.constant 7 : i32
          %get3A_1471 = arith.index_cast %get3A_1469 : i32 to index
          %get3A_1472 = arith.index_cast %get3A_1470 : i32 to index
          %get3A_1473 = arith.index_cast %add3A_1406 : i32 to index
          %get3A_1474 = tpu.vector_load %arg10[%get3A_1471, %get3A_1472, %get3A_1473] {strides = array<i32>} : memref<4x16x1024xf32, #tpu.memory_space<vmem>>, vector<16xf32>,
          %mul3A_1475 = arith.mulf %get3A_1474, %get3A_1412 : vector<16xf32>
          %add3A_1476 = arith.addf %scan3A_1392, %mul3A_1475 : vector<16xf32>
          %get3A_1477 = arith.constant 0 : i32
          %get3A_1478 = arith.constant 8 : i32
          %get3A_1479 = arith.index_cast %get3A_1477 : i32 to index
          %get3A_1480 = arith.index_cast %get3A_1478 : i32 to index
          %get3A_1481 = arith.index_cast %add3A_1406 : i32 to index
          %get3A_1482 = tpu.vector_load %arg10[%get3A_1479, %get3A_1480, %get3A_1481] {strides = array<i32>} : memref<4x16x1024xf32, #tpu.memory_space<vmem>>, vector<16xf32>,
          %mul3A_1483 = arith.mulf %get3A_1482, %get3A_1412 : vector<16xf32>
          %add3A_1484 = arith.addf %scan3A_1393, %mul3A_1483 : vector<16xf32>
          %get3A_1485 = arith.constant 0 : i32
          %get3A_1486 = arith.constant 9 : i32
          %get3A_1487 = arith.index_cast %get3A_1485 : i32 to index
          %get3A_1488 = arith.index_cast %get3A_1486 : i32 to index
          %get3A_1489 = arith.index_cast %add3A_1406 : i32 to index
          %get3A_1490 = tpu.vector_load %arg10[%get3A_1487, %get3A_1488, %get3A_1489] {strides = array<i32>} : memref<4x16x1024xf32, #tpu.memory_space<vmem>>, vector<16xf32>,
          %mul3A_1491 = arith.mulf %get3A_1490, %get3A_1412 : vector<16xf32>
          %add3A_1492 = arith.addf %scan3A_1394, %mul3A_1491 : vector<16xf32>
          %get3A_1493 = arith.constant 0 : i32
          %get3A_1494 = arith.constant 10 : i32
          %get3A_1495 = arith.index_cast %get3A_1493 : i32 to index
          %get3A_1496 = arith.index_cast %get3A_1494 : i32 to index
          %get3A_1497 = arith.index_cast %add3A_1406 : i32 to index
          %get3A_1498 = tpu.vector_load %arg10[%get3A_1495, %get3A_1496, %get3A_1497] {strides = array<i32>} : memref<4x16x1024xf32, #tpu.memory_space<vmem>>, vector<16xf32>,
          %mul3A_1499 = arith.mulf %get3A_1498, %get3A_1412 : vector<16xf32>
          %add3A_1500 = arith.addf %scan3A_1395, %mul3A_1499 : vector<16xf32>
          %get3A_1501 = arith.constant 0 : i32
          %get3A_1502 = arith.constant 11 : i32
          %get3A_1503 = arith.index_cast %get3A_1501 : i32 to index
          %get3A_1504 = arith.index_cast %get3A_1502 : i32 to index
          %get3A_1505 = arith.index_cast %add3A_1406 : i32 to index
          %get3A_1506 = tpu.vector_load %arg10[%get3A_1503, %get3A_1504, %get3A_1505] {strides = array<i32>} : memref<4x16x1024xf32, #tpu.memory_space<vmem>>, vector<16xf32>,
          %mul3A_1507 = arith.mulf %get3A_1506, %get3A_1412 : vector<16xf32>
          %add3A_1508 = arith.addf %scan3A_1396, %mul3A_1507 : vector<16xf32>
          %get3A_1509 = arith.constant 0 : i32
          %get3A_1510 = arith.constant 12 : i32
          %get3A_1511 = arith.index_cast %get3A_1509 : i32 to index
          %get3A_1512 = arith.index_cast %get3A_1510 : i32 to index
          %get3A_1513 = arith.index_cast %add3A_1406 : i32 to index
          %get3A_1514 = tpu.vector_load %arg10[%get3A_1511, %get3A_1512, %get3A_1513] {strides = array<i32>} : memref<4x16x1024xf32, #tpu.memory_space<vmem>>, vector<16xf32>,
          %mul3A_1515 = arith.mulf %get3A_1514, %get3A_1412 : vector<16xf32>
          %add3A_1516 = arith.addf %scan3A_1397, %mul3A_1515 : vector<16xf32>
          %get3A_1517 = arith.constant 0 : i32
          %get3A_1518 = arith.constant 13 : i32
          %get3A_1519 = arith.index_cast %get3A_1517 : i32 to index
          %get3A_1520 = arith.index_cast %get3A_1518 : i32 to index
          %get3A_1521 = arith.index_cast %add3A_1406 : i32 to index
          %get3A_1522 = tpu.vector_load %arg10[%get3A_1519, %get3A_1520, %get3A_1521] {strides = array<i32>} : memref<4x16x1024xf32, #tpu.memory_space<vmem>>, vector<16xf32>,
          %mul3A_1523 = arith.mulf %get3A_1522, %get3A_1412 : vector<16xf32>
          %add3A_1524 = arith.addf %scan3A_1398, %mul3A_1523 : vector<16xf32>
          %get3A_1525 = arith.constant 0 : i32
          %get3A_1526 = arith.constant 14 : i32
          %get3A_1527 = arith.index_cast %get3A_1525 : i32 to index
          %get3A_1528 = arith.index_cast %get3A_1526 : i32 to index
          %get3A_1529 = arith.index_cast %add3A_1406 : i32 to index
          %get3A_1530 = tpu.vector_load %arg10[%get3A_1527, %get3A_1528, %get3A_1529] {strides = array<i32>} : memref<4x16x1024xf32, #tpu.memory_space<vmem>>, vector<16xf32>,
          %mul3A_1531 = arith.mulf %get3A_1530, %get3A_1412 : vector<16xf32>
          %add3A_1532 = arith.addf %scan3A_1399, %mul3A_1531 : vector<16xf32>
          %get3A_1533 = arith.constant 0 : i32
          %get3A_1534 = arith.constant 15 : i32
          %get3A_1535 = arith.index_cast %get3A_1533 : i32 to index
          %get3A_1536 = arith.index_cast %get3A_1534 : i32 to index
          %get3A_1537 = arith.index_cast %add3A_1406 : i32 to index
          %get3A_1538 = tpu.vector_load %arg10[%get3A_1535, %get3A_1536, %get3A_1537] {strides = array<i32>} : memref<4x16x1024xf32, #tpu.memory_space<vmem>>, vector<16xf32>,
          %mul3A_1539 = arith.mulf %get3A_1538, %get3A_1412 : vector<16xf32>
          %add3A_1540 = arith.addf %scan3A_1400, %mul3A_1539 : vector<16xf32>
          scf.yield %add3A_1420, %add3A_1428, %add3A_1436, %add3A_1444, %add3A_1452, %add3A_1460, %add3A_1468, %add3A_1476, %add3A_1484, %add3A_1492, %add3A_1500, %add3A_1508, %add3A_1516, %add3A_1524, %add3A_1532, %add3A_1540 : vector<16xf32>, vector<16xf32>, vector<16xf32>, vector<16xf32>, vector<16xf32>, vector<16xf32>, vector<16xf32>, vector<16xf32>, vector<16xf32>, vector<16xf32>, vector<16xf32>, vector<16xf32>, vector<16xf32>, vector<16xf32>, vector<16xf32>, vector<16xf32>
        }
        %scan3A_474 = arith.constant 64 : i32
        %swap3A_475 = arith.constant 0 : index
        %swap3A_476 = tpu.vector_load %arg11[%swap3A_475] {strides = array<i32>} : memref<256xf32, #tpu.memory_space<vmem>>, vector<16xf32>,
        tpu.vector_store %arg11[%swap3A_475], %scan3A_473#0 {strides = array<i32>} : memref<256xf32, #tpu.memory_space<vmem>>, vector<16xf32>,
        %swap3A_477 = arith.constant 16 : index
        %swap3A_478 = tpu.vector_load %arg11[%swap3A_477] {strides = array<i32>} : memref<256xf32, #tpu.memory_space<vmem>>, vector<16xf32>,
        tpu.vector_store %arg11[%swap3A_477], %scan3A_473#1 {strides = array<i32>} : memref<256xf32, #tpu.memory_space<vmem>>, vector<16xf32>,
        %swap3A_479 = arith.constant 32 : index
        %swap3A_480 = tpu.vector_load %arg11[%swap3A_479] {strides = array<i32>} : memref<256xf32, #tpu.memory_space<vmem>>, vector<16xf32>,
        tpu.vector_store %arg11[%swap3A_479], %scan3A_473#2 {strides = array<i32>} : memref<256xf32, #tpu.memory_space<vmem>>, vector<16xf32>,
        %swap3A_481 = arith.constant 48 : index
        %swap3A_482 = tpu.vector_load %arg11[%swap3A_481] {strides = array<i32>} : memref<256xf32, #tpu.memory_space<vmem>>, vector<16xf32>,
        tpu.vector_store %arg11[%swap3A_481], %scan3A_473#3 {strides = array<i32>} : memref<256xf32, #tpu.memory_space<vmem>>, vector<16xf32>,
        %swap3A_483 = arith.constant 64 : index
        %swap3A_484 = tpu.vector_load %arg11[%swap3A_483] {strides = array<i32>} : memref<256xf32, #tpu.memory_space<vmem>>, vector<16xf32>,
        tpu.vector_store %arg11[%swap3A_483], %scan3A_473#4 {strides = array<i32>} : memref<256xf32, #tpu.memory_space<vmem>>, vector<16xf32>,
        %swap3A_485 = arith.constant 80 : index
        %swap3A_486 = tpu.vector_load %arg11[%swap3A_485] {strides = array<i32>} : memref<256xf32, #tpu.memory_space<vmem>>, vector<16xf32>,
        tpu.vector_store %arg11[%swap3A_485], %scan3A_473#5 {strides = array<i32>} : memref<256xf32, #tpu.memory_space<vmem>>, vector<16xf32>,
        %swap3A_487 = arith.constant 96 : index
        %swap3A_488 = tpu.vector_load %arg11[%swap3A_487] {strides = array<i32>} : memref<256xf32, #tpu.memory_space<vmem>>, vector<16xf32>,
        tpu.vector_store %arg11[%swap3A_487], %scan3A_473#6 {strides = array<i32>} : memref<256xf32, #tpu.memory_space<vmem>>, vector<16xf32>,
        %swap3A_489 = arith.constant 112 : index
        %swap3A_490 = tpu.vector_load %arg11[%swap3A_489] {strides = array<i32>} : memref<256xf32, #tpu.memory_space<vmem>>, vector<16xf32>,
        tpu.vector_store %arg11[%swap3A_489], %scan3A_473#7 {strides = array<i32>} : memref<256xf32, #tpu.memory_space<vmem>>, vector<16xf32>,
        %swap3A_491 = arith.constant 128 : index
        %swap3A_492 = tpu.vector_load %arg11[%swap3A_491] {strides = array<i32>} : memref<256xf32, #tpu.memory_space<vmem>>, vector<16xf32>,
        tpu.vector_store %arg11[%swap3A_491], %scan3A_473#8 {strides = array<i32>} : memref<256xf32, #tpu.memory_space<vmem>>, vector<16xf32>,
        %swap3A_493 = arith.constant 144 : index
        %swap3A_494 = tpu.vector_load %arg11[%swap3A_493] {strides = array<i32>} : memref<256xf32, #tpu.memory_space<vmem>>, vector<16xf32>,
        tpu.vector_store %arg11[%swap3A_493], %scan3A_473#9 {strides = array<i32>} : memref<256xf32, #tpu.memory_space<vmem>>, vector<16xf32>,
        %swap3A_495 = arith.constant 160 : index
        %swap3A_496 = tpu.vector_load %arg11[%swap3A_495] {strides = array<i32>} : memref<256xf32, #tpu.memory_space<vmem>>, vector<16xf32>,
        tpu.vector_store %arg11[%swap3A_495], %scan3A_473#10 {strides = array<i32>} : memref<256xf32, #tpu.memory_space<vmem>>, vector<16xf32>,
        %swap3A_497 = arith.constant 176 : index
        %swap3A_498 = tpu.vector_load %arg11[%swap3A_497] {strides = array<i32>} : memref<256xf32, #tpu.memory_space<vmem>>, vector<16xf32>,
        tpu.vector_store %arg11[%swap3A_497], %scan3A_473#11 {strides = array<i32>} : memref<256xf32, #tpu.memory_space<vmem>>, vector<16xf32>,
        %swap3A_499 = arith.constant 192 : index
        %swap3A_500 = tpu.vector_load %arg11[%swap3A_499] {strides = array<i32>} : memref<256xf32, #tpu.memory_space<vmem>>, vector<16xf32>,
        tpu.vector_store %arg11[%swap3A_499], %scan3A_473#12 {strides = array<i32>} : memref<256xf32, #tpu.memory_space<vmem>>, vector<16xf32>,
        %swap3A_501 = arith.constant 208 : index
        %swap3A_502 = tpu.vector_load %arg11[%swap3A_501] {strides = array<i32>} : memref<256xf32, #tpu.memory_space<vmem>>, vector<16xf32>,
        tpu.vector_store %arg11[%swap3A_501], %scan3A_473#13 {strides = array<i32>} : memref<256xf32, #tpu.memory_space<vmem>>, vector<16xf32>,
        %swap3A_503 = arith.constant 224 : index
        %swap3A_504 = tpu.vector_load %arg11[%swap3A_503] {strides = array<i32>} : memref<256xf32, #tpu.memory_space<vmem>>, vector<16xf32>,
        tpu.vector_store %arg11[%swap3A_503], %scan3A_473#14 {strides = array<i32>} : memref<256xf32, #tpu.memory_space<vmem>>, vector<16xf32>,
        %swap3A_505 = arith.constant 240 : index
        %swap3A_506 = tpu.vector_load %arg11[%swap3A_505] {strides = array<i32>} : memref<256xf32, #tpu.memory_space<vmem>>, vector<16xf32>,
        tpu.vector_store %arg11[%swap3A_505], %scan3A_473#15 {strides = array<i32>} : memref<256xf32, #tpu.memory_space<vmem>>, vector<16xf32>,
        %mul3A_507 = arith.constant 16 : i32
        %mul3A_508 = vector.broadcast %mul3A_507 : i32 to vector<16xi32>
        %mul3A_509 = arith.muli %iota3A, %mul3A_508 : vector<16xi32>
        %gather3A_510 = tpu.vector_load_idx %arg11[%mul3A_509] : memref<256xf32, #tpu.memory_space<vmem>>[vector<16xi32>], vector<16xf32>,
        %mul3A_511 = arith.constant 16 : i32
        %mul3A_512 = vector.broadcast %mul3A_511 : i32 to vector<16xi32>
        %mul3A_513 = arith.muli %iota3A, %mul3A_512 : vector<16xi32>
        %add3A_514 = arith.constant 1 : i32
        %add3A_515 = vector.broadcast %add3A_514 : i32 to vector<16xi32>
        %add3A_516 = arith.addi %mul3A_513, %add3A_515 : vector<16xi32>
        %gather3A_517 = tpu.vector_load_idx %arg11[%add3A_516] : memref<256xf32, #tpu.memory_space<vmem>>[vector<16xi32>], vector<16xf32>,
        %add3A_518 = arith.addf %gather3A_510, %gather3A_517 : vector<16xf32>
        %mul3A_519 = arith.constant 16 : i32
        %mul3A_520 = vector.broadcast %mul3A_519 : i32 to vector<16xi32>
        %mul3A_521 = arith.muli %iota3A, %mul3A_520 : vector<16xi32>
        %add3A_522 = arith.constant 2 : i32
        %add3A_523 = vector.broadcast %add3A_522 : i32 to vector<16xi32>
        %add3A_524 = arith.addi %mul3A_521, %add3A_523 : vector<16xi32>
        %gather3A_525 = tpu.vector_load_idx %arg11[%add3A_524] : memref<256xf32, #tpu.memory_space<vmem>>[vector<16xi32>], vector<16xf32>,
        %add3A_526 = arith.addf %add3A_518, %gather3A_525 : vector<16xf32>
        %mul3A_527 = arith.constant 16 : i32
        %mul3A_528 = vector.broadcast %mul3A_527 : i32 to vector<16xi32>
        %mul3A_529 = arith.muli %iota3A, %mul3A_528 : vector<16xi32>
        %add3A_530 = arith.constant 3 : i32
        %add3A_531 = vector.broadcast %add3A_530 : i32 to vector<16xi32>
        %add3A_532 = arith.addi %mul3A_529, %add3A_531 : vector<16xi32>
        %gather3A_533 = tpu.vector_load_idx %arg11[%add3A_532] : memref<256xf32, #tpu.memory_space<vmem>>[vector<16xi32>], vector<16xf32>,
        %add3A_534 = arith.addf %add3A_526, %gather3A_533 : vector<16xf32>
        %mul3A_535 = arith.constant 16 : i32
        %mul3A_536 = vector.broadcast %mul3A_535 : i32 to vector<16xi32>
        %mul3A_537 = arith.muli %iota3A, %mul3A_536 : vector<16xi32>
        %add3A_538 = arith.constant 4 : i32
        %add3A_539 = vector.broadcast %add3A_538 : i32 to vector<16xi32>
        %add3A_540 = arith.addi %mul3A_537, %add3A_539 : vector<16xi32>
        %gather3A_541 = tpu.vector_load_idx %arg11[%add3A_540] : memref<256xf32, #tpu.memory_space<vmem>>[vector<16xi32>], vector<16xf32>,
        %add3A_542 = arith.addf %add3A_534, %gather3A_541 : vector<16xf32>
        %mul3A_543 = arith.constant 16 : i32
        %mul3A_544 = vector.broadcast %mul3A_543 : i32 to vector<16xi32>
        %mul3A_545 = arith.muli %iota3A, %mul3A_544 : vector<16xi32>
        %add3A_546 = arith.constant 5 : i32
        %add3A_547 = vector.broadcast %add3A_546 : i32 to vector<16xi32>
        %add3A_548 = arith.addi %mul3A_545, %add3A_547 : vector<16xi32>
        %gather3A_549 = tpu.vector_load_idx %arg11[%add3A_548] : memref<256xf32, #tpu.memory_space<vmem>>[vector<16xi32>], vector<16xf32>,
        %add3A_550 = arith.addf %add3A_542, %gather3A_549 : vector<16xf32>
        %mul3A_551 = arith.constant 16 : i32
        %mul3A_552 = vector.broadcast %mul3A_551 : i32 to vector<16xi32>
        %mul3A_553 = arith.muli %iota3A, %mul3A_552 : vector<16xi32>
        %add3A_554 = arith.constant 6 : i32
        %add3A_555 = vector.broadcast %add3A_554 : i32 to vector<16xi32>
        %add3A_556 = arith.addi %mul3A_553, %add3A_555 : vector<16xi32>
        %gather3A_557 = tpu.vector_load_idx %arg11[%add3A_556] : memref<256xf32, #tpu.memory_space<vmem>>[vector<16xi32>], vector<16xf32>,
        %add3A_558 = arith.addf %add3A_550, %gather3A_557 : vector<16xf32>
        %mul3A_559 = arith.constant 16 : i32
        %mul3A_560 = vector.broadcast %mul3A_559 : i32 to vector<16xi32>
        %mul3A_561 = arith.muli %iota3A, %mul3A_560 : vector<16xi32>
        %add3A_562 = arith.constant 7 : i32
        %add3A_563 = vector.broadcast %add3A_562 : i32 to vector<16xi32>
        %add3A_564 = arith.addi %mul3A_561, %add3A_563 : vector<16xi32>
        %gather3A_565 = tpu.vector_load_idx %arg11[%add3A_564] : memref<256xf32, #tpu.memory_space<vmem>>[vector<16xi32>], vector<16xf32>,
        %add3A_566 = arith.addf %add3A_558, %gather3A_565 : vector<16xf32>
        %mul3A_567 = arith.constant 16 : i32
        %mul3A_568 = vector.broadcast %mul3A_567 : i32 to vector<16xi32>
        %mul3A_569 = arith.muli %iota3A, %mul3A_568 : vector<16xi32>
        %add3A_570 = arith.constant 8 : i32
        %add3A_571 = vector.broadcast %add3A_570 : i32 to vector<16xi32>
        %add3A_572 = arith.addi %mul3A_569, %add3A_571 : vector<16xi32>
        %gather3A_573 = tpu.vector_load_idx %arg11[%add3A_572] : memref<256xf32, #tpu.memory_space<vmem>>[vector<16xi32>], vector<16xf32>,
        %add3A_574 = arith.addf %add3A_566, %gather3A_573 : vector<16xf32>
        %mul3A_575 = arith.constant 16 : i32
        %mul3A_576 = vector.broadcast %mul3A_575 : i32 to vector<16xi32>
        %mul3A_577 = arith.muli %iota3A, %mul3A_576 : vector<16xi32>
        %add3A_578 = arith.constant 9 : i32
        %add3A_579 = vector.broadcast %add3A_578 : i32 to vector<16xi32>
        %add3A_580 = arith.addi %mul3A_577, %add3A_579 : vector<16xi32>
        %gather3A_581 = tpu.vector_load_idx %arg11[%add3A_580] : memref<256xf32, #tpu.memory_space<vmem>>[vector<16xi32>], vector<16xf32>,
        %add3A_582 = arith.addf %add3A_574, %gather3A_581 : vector<16xf32>
        %mul3A_583 = arith.constant 16 : i32
        %mul3A_584 = vector.broadcast %mul3A_583 : i32 to vector<16xi32>
        %mul3A_585 = arith.muli %iota3A, %mul3A_584 : vector<16xi32>
        %add3A_586 = arith.constant 10 : i32
        %add3A_587 = vector.broadcast %add3A_586 : i32 to vector<16xi32>
        %add3A_588 = arith.addi %mul3A_585, %add3A_587 : vector<16xi32>
        %gather3A_589 = tpu.vector_load_idx %arg11[%add3A_588] : memref<256xf32, #tpu.memory_space<vmem>>[vector<16xi32>], vector<16xf32>,
        %add3A_590 = arith.addf %add3A_582, %gather3A_589 : vector<16xf32>
        %mul3A_591 = arith.constant 16 : i32
        %mul3A_592 = vector.broadcast %mul3A_591 : i32 to vector<16xi32>
        %mul3A_593 = arith.muli %iota3A, %mul3A_592 : vector<16xi32>
        %add3A_594 = arith.constant 11 : i32
        %add3A_595 = vector.broadcast %add3A_594 : i32 to vector<16xi32>
        %add3A_596 = arith.addi %mul3A_593, %add3A_595 : vector<16xi32>
        %gather3A_597 = tpu.vector_load_idx %arg11[%add3A_596] : memref<256xf32, #tpu.memory_space<vmem>>[vector<16xi32>], vector<16xf32>,
        %add3A_598 = arith.addf %add3A_590, %gather3A_597 : vector<16xf32>
        %mul3A_599 = arith.constant 16 : i32
        %mul3A_600 = vector.broadcast %mul3A_599 : i32 to vector<16xi32>
        %mul3A_601 = arith.muli %iota3A, %mul3A_600 : vector<16xi32>
        %add3A_602 = arith.constant 12 : i32
        %add3A_603 = vector.broadcast %add3A_602 : i32 to vector<16xi32>
        %add3A_604 = arith.addi %mul3A_601, %add3A_603 : vector<16xi32>
        %gather3A_605 = tpu.vector_load_idx %arg11[%add3A_604] : memref<256xf32, #tpu.memory_space<vmem>>[vector<16xi32>], vector<16xf32>,
        %add3A_606 = arith.addf %add3A_598, %gather3A_605 : vector<16xf32>
        %mul3A_607 = arith.constant 16 : i32
        %mul3A_608 = vector.broadcast %mul3A_607 : i32 to vector<16xi32>
        %mul3A_609 = arith.muli %iota3A, %mul3A_608 : vector<16xi32>
        %add3A_610 = arith.constant 13 : i32
        %add3A_611 = vector.broadcast %add3A_610 : i32 to vector<16xi32>
        %add3A_612 = arith.addi %mul3A_609, %add3A_611 : vector<16xi32>
        %gather3A_613 = tpu.vector_load_idx %arg11[%add3A_612] : memref<256xf32, #tpu.memory_space<vmem>>[vector<16xi32>], vector<16xf32>,
        %add3A_614 = arith.addf %add3A_606, %gather3A_613 : vector<16xf32>
        %mul3A_615 = arith.constant 16 : i32
        %mul3A_616 = vector.broadcast %mul3A_615 : i32 to vector<16xi32>
        %mul3A_617 = arith.muli %iota3A, %mul3A_616 : vector<16xi32>
        %add3A_618 = arith.constant 14 : i32
        %add3A_619 = vector.broadcast %add3A_618 : i32 to vector<16xi32>
        %add3A_620 = arith.addi %mul3A_617, %add3A_619 : vector<16xi32>
        %gather3A_621 = tpu.vector_load_idx %arg11[%add3A_620] : memref<256xf32, #tpu.memory_space<vmem>>[vector<16xi32>], vector<16xf32>,
        %add3A_622 = arith.addf %add3A_614, %gather3A_621 : vector<16xf32>
        %mul3A_623 = arith.constant 16 : i32
        %mul3A_624 = vector.broadcast %mul3A_623 : i32 to vector<16xi32>
        %mul3A_625 = arith.muli %iota3A, %mul3A_624 : vector<16xi32>
        %add3A_626 = arith.constant 15 : i32
        %add3A_627 = vector.broadcast %add3A_626 : i32 to vector<16xi32>
        %add3A_628 = arith.addi %mul3A_625, %add3A_627 : vector<16xi32>
        %gather3A_629 = tpu.vector_load_idx %arg11[%add3A_628] : memref<256xf32, #tpu.memory_space<vmem>>[vector<16xi32>], vector<16xf32>,
        %add3A_630 = arith.addf %add3A_622, %gather3A_629 : vector<16xf32>
        %mul3A_631 = arith.constant 128 : i32
        %mul3A_632 = arith.muli %select_n3A_468, %mul3A_631 : i32
        %add3A_633 = arith.constant 1 : i32
        %add3A_634 = arith.addi %mul3A_632, %add3A_633 : i32
        %jit3A_635 = arith.constant 4 : i32
        %eq3A_636 = arith.constant 0 : i32
        %eq3A_637 = arith.cmpi eq, %jit3A_635, %eq3A_636 : i32
        %jit3A_638 = arith.constant 1 : i32
        %select_n3A_639 = arith.select %eq3A_637, %jit3A_638, %jit3A_635 : i32
        %rem3A_640 = arith.remsi %add3A_429, %select_n3A_639 : i32
        %ne3A_641 = arith.constant 0 : i32
        %ne3A_642 = arith.cmpi ne, %rem3A_640, %ne3A_641 : i32
        %lt3A_643 = arith.constant 0 : i32
        %lt3A_644 = arith.cmpi slt, %rem3A_640, %lt3A_643 : i32
        %lt3A_645 = arith.constant 0 : i32
        %lt3A_646 = arith.cmpi slt, %select_n3A_639, %lt3A_645 : i32
        %ne3A_647 = arith.xori %lt3A_644, %lt3A_646 : i1
        %and3A_648 = arith.andi %ne3A_647, %ne3A_642 : i1
        %add3A_649 = arith.addi %rem3A_640, %select_n3A_639 : i32
        %select_n3A_650 = arith.select %and3A_648, %add3A_649, %rem3A_640 : i32
        %mul3A_651 = arith.constant 16 : i32
        %mul3A_652 = arith.muli %select_n3A_650, %mul3A_651 : i32
        %add3A_653 = arith.addi %add3A_634, %mul3A_652 : i32
        %swap3A_654 = arith.index_cast %add3A_653 : i32 to index
        %swap3A_655 = tpu.vector_load %arg12[%swap3A_654] {strides = array<i32>} : memref<2048xf32, #tpu.memory_space<vmem>>, vector<16xf32>,
        tpu.vector_store %arg12[%swap3A_654], %add3A_630 {strides = array<i32>} : memref<2048xf32, #tpu.memory_space<vmem>>, vector<16xf32>,
        %add3A_656 = arith.constant 4 : i32
        %add3A_657 = arith.addi %add3A_429, %add3A_656 : i32
        %lt3A_658 = arith.constant 64 : i32
        %lt3A_659 = arith.cmpi slt, %add3A_657, %lt3A_658 : i32
        %convert_element_type3A_660 = arith.extui %lt3A_659 : i1 to i32
        %cond3A_661 = arith.constant 0 : i32
        %cond3A_662 = arith.cmpi ne, %convert_element_type3A_660, %cond3A_661 : i32
        scf.if %cond3A_662 {
          %add3A_1384 = arith.constant 4 : i32
          %add3A_1385 = arith.addi %add3A_429, %add3A_1384 : i32
          %dma_start3A_1386 = arith.constant 0 : i32
          %dma_start3A_1387 = arith.constant 0 : i32
          %dma_start3A_1388 = arith.constant 0 : i32
          %dma_start3A_1389 = arith.constant 0 : i32
          %dma_start3A_1390 = tpu.memref_slice %arg10[%dma_start3A_1386, %dma_start3A_1388, %dma_start3A_1389] : memref<4x16x1024xf32, #tpu.memory_space<vmem>> -> memref<1x16x1024xf32, #tpu.memory_space<vmem>>
          %dma_start3A_1391 = tpu.memref_squeeze %dma_start3A_1390 : memref<1x16x1024xf32, #tpu.memory_space<vmem>> -> memref<16x1024xf32, #tpu.memory_space<vmem>>
          %dma_start3A_1392 = arith.constant 0 : i32
          %dma_start3A_1393 = arith.constant 0 : i32
          %dma_start3A_1394 = tpu.memref_slice %arg8[%select_n3A_88, %dma_start3A_1392, %dma_start3A_1393] : memref<2x64x16xi32, #tpu.memory_space<vmem>> -> memref<1x64x16xi32, #tpu.memory_space<vmem>>
          %dma_start3A_1395 = tpu.memref_squeeze %dma_start3A_1394 : memref<1x64x16xi32, #tpu.memory_space<vmem>> -> memref<64x16xi32, #tpu.memory_space<vmem>>
          %dma_start3A_1396 = arith.constant 0 : i32
          %dma_start3A_1397 = tpu.memref_slice %dma_start3A_1395[%add3A_1385, %dma_start3A_1396] : memref<64x16xi32, #tpu.memory_space<vmem>> -> memref<1x16xi32, #tpu.memory_space<vmem>>
          %dma_start3A_1398 = tpu.memref_squeeze %dma_start3A_1397 : memref<1x16xi32, #tpu.memory_space<vmem>> -> memref<16xi32, #tpu.memory_space<vmem>>
          %dma_start3A_1399 = arith.constant 0 : i32
          %dma_start3A_1400 = arith.constant 0 : i32
          %dma_start3A_1401 = tpu.memref_slice %arg5[%dma_start3A_1399, %dma_start3A_1400] : memref<100000x1024xf32, #tpu.memory_space<hbm>> -> memref<100000x1024xf32, #tpu.memory_space<hbm>>
          %dma_start3A_1402 = tpu.memref_slice %arg13[%dma_start3A_1387] : memref<4x!tpu.dma_semaphore, #tpu.memory_space<semaphore_mem>> -> memref<1x!tpu.dma_semaphore, #tpu.memory_space<semaphore_mem>>
          %dma_start3A_1403 = tpu.memref_squeeze %dma_start3A_1402 : memref<1x!tpu.dma_semaphore, #tpu.memory_space<semaphore_mem>> -> memref<!tpu.dma_semaphore, #tpu.memory_space<semaphore_mem>>
          tpu.enqueue_indirect_dma source(%dma_start3A_1401 : memref<100000x1024xf32, #tpu.memory_space<hbm>>) target(%dma_start3A_1391 : memref<16x1024xf32, #tpu.memory_space<vmem>>) offsets(%dma_start3A_1398 : memref<16xi32, #tpu.memory_space<vmem>>) semaphore(%dma_start3A_1403 : memref<!tpu.dma_semaphore, #tpu.memory_space<semaphore_mem>>)
        } else {
        }
        %mul3A_663 = arith.constant 4 : i32
        %mul3A_664 = arith.muli %scan3A_424, %mul3A_663 : i32
        %add3A_665 = arith.constant 1 : i32
        %add3A_666 = arith.addi %mul3A_664, %add3A_665 : i32
        %dma_wait3A_667 = arith.constant 1 : i32
        %dma_wait3A_668 = arith.constant 1 : i32
        %dma_wait3A_669 = arith.constant 0 : i32
        %dma_wait3A_670 = arith.constant 0 : i32
        %dma_wait3A_671 = tpu.memref_slice %arg10[%dma_wait3A_667, %dma_wait3A_669, %dma_wait3A_670] : memref<4x16x1024xf32, #tpu.memory_space<vmem>> -> memref<1x16x1024xf32, #tpu.memory_space<vmem>>
        %dma_wait3A_672 = tpu.memref_squeeze %dma_wait3A_671 : memref<1x16x1024xf32, #tpu.memory_space<vmem>> -> memref<16x1024xf32, #tpu.memory_space<vmem>>
        %dma_wait3A_673 = arith.constant 0 : i32
        %dma_wait3A_674 = arith.constant 0 : i32
        %dma_wait3A_675 = tpu.memref_slice %arg8[%select_n3A_88, %dma_wait3A_673, %dma_wait3A_674] : memref<2x64x16xi32, #tpu.memory_space<vmem>> -> memref<1x64x16xi32, #tpu.memory_space<vmem>>
        %dma_wait3A_676 = tpu.memref_squeeze %dma_wait3A_675 : memref<1x64x16xi32, #tpu.memory_space<vmem>> -> memref<64x16xi32, #tpu.memory_space<vmem>>
        %dma_wait3A_677 = arith.constant 0 : i32
        %dma_wait3A_678 = tpu.memref_slice %dma_wait3A_676[%add3A_666, %dma_wait3A_677] : memref<64x16xi32, #tpu.memory_space<vmem>> -> memref<1x16xi32, #tpu.memory_space<vmem>>
        %dma_wait3A_679 = tpu.memref_squeeze %dma_wait3A_678 : memref<1x16xi32, #tpu.memory_space<vmem>> -> memref<16xi32, #tpu.memory_space<vmem>>
        %dma_wait3A_680 = arith.constant 0 : i32
        %dma_wait3A_681 = arith.constant 0 : i32
        %dma_wait3A_682 = tpu.memref_slice %arg5[%dma_wait3A_680, %dma_wait3A_681] : memref<100000x1024xf32, #tpu.memory_space<hbm>> -> memref<100000x1024xf32, #tpu.memory_space<hbm>>
        %dma_wait3A_683 = tpu.memref_slice %arg13[%dma_wait3A_668] : memref<4x!tpu.dma_semaphore, #tpu.memory_space<semaphore_mem>> -> memref<1x!tpu.dma_semaphore, #tpu.memory_space<semaphore_mem>>
        %dma_wait3A_684 = tpu.memref_squeeze %dma_wait3A_683 : memref<1x!tpu.dma_semaphore, #tpu.memory_space<semaphore_mem>> -> memref<!tpu.dma_semaphore, #tpu.memory_space<semaphore_mem>>
        tpu.wait_indirect_dma semaphore(%dma_wait3A_684 : memref<!tpu.dma_semaphore, #tpu.memory_space<semaphore_mem>>) src(%dma_wait3A_682 : memref<100000x1024xf32, #tpu.memory_space<hbm>>) dst(%dma_wait3A_672 : memref<16x1024xf32, #tpu.memory_space<vmem>>)
        %jit3A_685 = arith.constant 4 : i32
        %div3A_686 = arith.divsi %add3A_666, %jit3A_685 : i32
        %sign3A_687 = arith.constant 0 : i32
        %sign3A_688 = arith.cmpi sgt, %add3A_666, %sign3A_687 : i32
        %sign3A_689 = arith.extui %sign3A_688 : i1 to i32
        %sign3A_690 = arith.constant 0 : i32
        %sign3A_691 = arith.cmpi slt, %add3A_666, %sign3A_690 : i32
        %sign3A_692 = arith.extui %sign3A_691 : i1 to i32
        %sign3A_693 = arith.subi %sign3A_689, %sign3A_692 : i32
        %sign3A_694 = arith.constant 0 : i32
        %sign3A_695 = arith.cmpi sgt, %jit3A_685, %sign3A_694 : i32
        %sign3A_696 = arith.extui %sign3A_695 : i1 to i32
        %sign3A_697 = arith.constant 0 : i32
        %sign3A_698 = arith.cmpi slt, %jit3A_685, %sign3A_697 : i32
        %sign3A_699 = arith.extui %sign3A_698 : i1 to i32
        %sign3A_700 = arith.subi %sign3A_696, %sign3A_699 : i32
        %ne3A_701 = arith.cmpi ne, %sign3A_693, %sign3A_700 : i32
        %rem3A_702 = arith.remsi %add3A_666, %jit3A_685 : i32
        %ne3A_703 = arith.constant 0 : i32
        %ne3A_704 = arith.cmpi ne, %rem3A_702, %ne3A_703 : i32
        %and3A_705 = arith.andi %ne3A_701, %ne3A_704 : i1
        %sub3A_706 = arith.constant 1 : i32
        %sub3A_707 = arith.subi %div3A_686, %sub3A_706 : i32
        %select_n3A_708 = arith.select %and3A_705, %sub3A_707, %div3A_686 : i32
        %scan3A_709 = arith.constant 0 : i32
        %scan3A_710 = arith.constant 64 : i32
        %scan3A_711 = arith.addi %scan3A_709, %scan3A_710 : i32
        %scan3A_712 = arith.constant 1 : i32
        %scan3A_713:16 = scf.for %scan3A_1384 = %scan3A_709 to %scan3A_711 step %scan3A_712 iter_args(%scan3A_1385 = %broadcast_in_dim3A_1, %scan3A_1386 = %broadcast_in_dim3A_3, %scan3A_1387 = %broadcast_in_dim3A_5, %scan3A_1388 = %broadcast_in_dim3A_7, %scan3A_1389 = %broadcast_in_dim3A_9, %scan3A_1390 = %broadcast_in_dim3A_11, %scan3A_1391 = %broadcast_in_dim3A_13, %scan3A_1392 = %broadcast_in_dim3A_15, %scan3A_1393 = %broadcast_in_dim3A_17, %scan3A_1394 = %broadcast_in_dim3A_19, %scan3A_1395 = %broadcast_in_dim3A_21, %scan3A_1396 = %broadcast_in_dim3A_23, %scan3A_1397 = %broadcast_in_dim3A_25, %scan3A_1398 = %broadcast_in_dim3A_27, %scan3A_1399 = %broadcast_in_dim3A_29, %scan3A_1400 = %broadcast_in_dim3A_31) -> (vector<16xf32>, vector<16xf32>, vector<16xf32>, vector<16xf32>, vector<16xf32>, vector<16xf32>, vector<16xf32>, vector<16xf32>, vector<16xf32>, vector<16xf32>, vector<16xf32>, vector<16xf32>, vector<16xf32>, vector<16xf32>, vector<16xf32>, vector<16xf32>)  : i32 {
          %mul3A_1401 = arith.constant 1 : i32
          %mul3A_1402 = arith.muli %scan3A_1384, %mul3A_1401 : i32
          %mul3A_1403 = arith.constant 16 : i32
          %mul3A_1404 = arith.muli %mul3A_1402, %mul3A_1403 : i32
          %add3A_1405 = arith.constant 0 : i32
          %add3A_1406 = arith.addi %mul3A_1404, %add3A_1405 : i32
          %get3A = arith.constant 0 : i32
          %get3A_1407 = arith.constant 0 : i32
          %get3A_1408 = tpu.memref_slice %arg7[%select_n3A_88, %get3A, %get3A_1407] : memref<2x16x1024xf32, #tpu.memory_space<vmem>> -> memref<1x16x1024xf32, #tpu.memory_space<vmem>>
          %get3A_1409 = tpu.memref_squeeze %get3A_1408 : memref<1x16x1024xf32, #tpu.memory_space<vmem>> -> memref<16x1024xf32, #tpu.memory_space<vmem>>
          %get3A_1410 = arith.index_cast %select_n3A_708 : i32 to index
          %get3A_1411 = arith.index_cast %add3A_1406 : i32 to index
          %get3A_1412 = tpu.vector_load %get3A_1409[%get3A_1410, %get3A_1411] {strides = array<i32>} : memref<16x1024xf32, #tpu.memory_space<vmem>>, vector<16xf32>,
          %get3A_1413 = arith.constant 1 : i32
          %get3A_1414 = arith.constant 0 : i32
          %get3A_1415 = arith.index_cast %get3A_1413 : i32 to index
          %get3A_1416 = arith.index_cast %get3A_1414 : i32 to index
          %get3A_1417 = arith.index_cast %add3A_1406 : i32 to index
          %get3A_1418 = tpu.vector_load %arg10[%get3A_1415, %get3A_1416, %get3A_1417] {strides = array<i32>} : memref<4x16x1024xf32, #tpu.memory_space<vmem>>, vector<16xf32>,
          %mul3A_1419 = arith.mulf %get3A_1418, %get3A_1412 : vector<16xf32>
          %add3A_1420 = arith.addf %scan3A_1385, %mul3A_1419 : vector<16xf32>
          %get3A_1421 = arith.constant 1 : i32
          %get3A_1422 = arith.constant 1 : i32
          %get3A_1423 = arith.index_cast %get3A_1421 : i32 to index
          %get3A_1424 = arith.index_cast %get3A_1422 : i32 to index
          %get3A_1425 = arith.index_cast %add3A_1406 : i32 to index
          %get3A_1426 = tpu.vector_load %arg10[%get3A_1423, %get3A_1424, %get3A_1425] {strides = array<i32>} : memref<4x16x1024xf32, #tpu.memory_space<vmem>>, vector<16xf32>,
          %mul3A_1427 = arith.mulf %get3A_1426, %get3A_1412 : vector<16xf32>
          %add3A_1428 = arith.addf %scan3A_1386, %mul3A_1427 : vector<16xf32>
          %get3A_1429 = arith.constant 1 : i32
          %get3A_1430 = arith.constant 2 : i32
          %get3A_1431 = arith.index_cast %get3A_1429 : i32 to index
          %get3A_1432 = arith.index_cast %get3A_1430 : i32 to index
          %get3A_1433 = arith.index_cast %add3A_1406 : i32 to index
          %get3A_1434 = tpu.vector_load %arg10[%get3A_1431, %get3A_1432, %get3A_1433] {strides = array<i32>} : memref<4x16x1024xf32, #tpu.memory_space<vmem>>, vector<16xf32>,
          %mul3A_1435 = arith.mulf %get3A_1434, %get3A_1412 : vector<16xf32>
          %add3A_1436 = arith.addf %scan3A_1387, %mul3A_1435 : vector<16xf32>
          %get3A_1437 = arith.constant 1 : i32
          %get3A_1438 = arith.constant 3 : i32
          %get3A_1439 = arith.index_cast %get3A_1437 : i32 to index
          %get3A_1440 = arith.index_cast %get3A_1438 : i32 to index
          %get3A_1441 = arith.index_cast %add3A_1406 : i32 to index
          %get3A_1442 = tpu.vector_load %arg10[%get3A_1439, %get3A_1440, %get3A_1441] {strides = array<i32>} : memref<4x16x1024xf32, #tpu.memory_space<vmem>>, vector<16xf32>,
          %mul3A_1443 = arith.mulf %get3A_1442, %get3A_1412 : vector<16xf32>
          %add3A_1444 = arith.addf %scan3A_1388, %mul3A_1443 : vector<16xf32>
          %get3A_1445 = arith.constant 1 : i32
          %get3A_1446 = arith.constant 4 : i32
          %get3A_1447 = arith.index_cast %get3A_1445 : i32 to index
          %get3A_1448 = arith.index_cast %get3A_1446 : i32 to index
          %get3A_1449 = arith.index_cast %add3A_1406 : i32 to index
          %get3A_1450 = tpu.vector_load %arg10[%get3A_1447, %get3A_1448, %get3A_1449] {strides = array<i32>} : memref<4x16x1024xf32, #tpu.memory_space<vmem>>, vector<16xf32>,
          %mul3A_1451 = arith.mulf %get3A_1450, %get3A_1412 : vector<16xf32>
          %add3A_1452 = arith.addf %scan3A_1389, %mul3A_1451 : vector<16xf32>
          %get3A_1453 = arith.constant 1 : i32
          %get3A_1454 = arith.constant 5 : i32
          %get3A_1455 = arith.index_cast %get3A_1453 : i32 to index
          %get3A_1456 = arith.index_cast %get3A_1454 : i32 to index
          %get3A_1457 = arith.index_cast %add3A_1406 : i32 to index
          %get3A_1458 = tpu.vector_load %arg10[%get3A_1455, %get3A_1456, %get3A_1457] {strides = array<i32>} : memref<4x16x1024xf32, #tpu.memory_space<vmem>>, vector<16xf32>,
          %mul3A_1459 = arith.mulf %get3A_1458, %get3A_1412 : vector<16xf32>
          %add3A_1460 = arith.addf %scan3A_1390, %mul3A_1459 : vector<16xf32>
          %get3A_1461 = arith.constant 1 : i32
          %get3A_1462 = arith.constant 6 : i32
          %get3A_1463 = arith.index_cast %get3A_1461 : i32 to index
          %get3A_1464 = arith.index_cast %get3A_1462 : i32 to index
          %get3A_1465 = arith.index_cast %add3A_1406 : i32 to index
          %get3A_1466 = tpu.vector_load %arg10[%get3A_1463, %get3A_1464, %get3A_1465] {strides = array<i32>} : memref<4x16x1024xf32, #tpu.memory_space<vmem>>, vector<16xf32>,
          %mul3A_1467 = arith.mulf %get3A_1466, %get3A_1412 : vector<16xf32>
          %add3A_1468 = arith.addf %scan3A_1391, %mul3A_1467 : vector<16xf32>
          %get3A_1469 = arith.constant 1 : i32
          %get3A_1470 = arith.constant 7 : i32
          %get3A_1471 = arith.index_cast %get3A_1469 : i32 to index
          %get3A_1472 = arith.index_cast %get3A_1470 : i32 to index
          %get3A_1473 = arith.index_cast %add3A_1406 : i32 to index
          %get3A_1474 = tpu.vector_load %arg10[%get3A_1471, %get3A_1472, %get3A_1473] {strides = array<i32>} : memref<4x16x1024xf32, #tpu.memory_space<vmem>>, vector<16xf32>,
          %mul3A_1475 = arith.mulf %get3A_1474, %get3A_1412 : vector<16xf32>
          %add3A_1476 = arith.addf %scan3A_1392, %mul3A_1475 : vector<16xf32>
          %get3A_1477 = arith.constant 1 : i32
          %get3A_1478 = arith.constant 8 : i32
          %get3A_1479 = arith.index_cast %get3A_1477 : i32 to index
          %get3A_1480 = arith.index_cast %get3A_1478 : i32 to index
          %get3A_1481 = arith.index_cast %add3A_1406 : i32 to index
          %get3A_1482 = tpu.vector_load %arg10[%get3A_1479, %get3A_1480, %get3A_1481] {strides = array<i32>} : memref<4x16x1024xf32, #tpu.memory_space<vmem>>, vector<16xf32>,
          %mul3A_1483 = arith.mulf %get3A_1482, %get3A_1412 : vector<16xf32>
          %add3A_1484 = arith.addf %scan3A_1393, %mul3A_1483 : vector<16xf32>
          %get3A_1485 = arith.constant 1 : i32
          %get3A_1486 = arith.constant 9 : i32
          %get3A_1487 = arith.index_cast %get3A_1485 : i32 to index
          %get3A_1488 = arith.index_cast %get3A_1486 : i32 to index
          %get3A_1489 = arith.index_cast %add3A_1406 : i32 to index
          %get3A_1490 = tpu.vector_load %arg10[%get3A_1487, %get3A_1488, %get3A_1489] {strides = array<i32>} : memref<4x16x1024xf32, #tpu.memory_space<vmem>>, vector<16xf32>,
          %mul3A_1491 = arith.mulf %get3A_1490, %get3A_1412 : vector<16xf32>
          %add3A_1492 = arith.addf %scan3A_1394, %mul3A_1491 : vector<16xf32>
          %get3A_1493 = arith.constant 1 : i32
          %get3A_1494 = arith.constant 10 : i32
          %get3A_1495 = arith.index_cast %get3A_1493 : i32 to index
          %get3A_1496 = arith.index_cast %get3A_1494 : i32 to index
          %get3A_1497 = arith.index_cast %add3A_1406 : i32 to index
          %get3A_1498 = tpu.vector_load %arg10[%get3A_1495, %get3A_1496, %get3A_1497] {strides = array<i32>} : memref<4x16x1024xf32, #tpu.memory_space<vmem>>, vector<16xf32>,
          %mul3A_1499 = arith.mulf %get3A_1498, %get3A_1412 : vector<16xf32>
          %add3A_1500 = arith.addf %scan3A_1395, %mul3A_1499 : vector<16xf32>
          %get3A_1501 = arith.constant 1 : i32
          %get3A_1502 = arith.constant 11 : i32
          %get3A_1503 = arith.index_cast %get3A_1501 : i32 to index
          %get3A_1504 = arith.index_cast %get3A_1502 : i32 to index
          %get3A_1505 = arith.index_cast %add3A_1406 : i32 to index
          %get3A_1506 = tpu.vector_load %arg10[%get3A_1503, %get3A_1504, %get3A_1505] {strides = array<i32>} : memref<4x16x1024xf32, #tpu.memory_space<vmem>>, vector<16xf32>,
          %mul3A_1507 = arith.mulf %get3A_1506, %get3A_1412 : vector<16xf32>
          %add3A_1508 = arith.addf %scan3A_1396, %mul3A_1507 : vector<16xf32>
          %get3A_1509 = arith.constant 1 : i32
          %get3A_1510 = arith.constant 12 : i32
          %get3A_1511 = arith.index_cast %get3A_1509 : i32 to index
          %get3A_1512 = arith.index_cast %get3A_1510 : i32 to index
          %get3A_1513 = arith.index_cast %add3A_1406 : i32 to index
          %get3A_1514 = tpu.vector_load %arg10[%get3A_1511, %get3A_1512, %get3A_1513] {strides = array<i32>} : memref<4x16x1024xf32, #tpu.memory_space<vmem>>, vector<16xf32>,
          %mul3A_1515 = arith.mulf %get3A_1514, %get3A_1412 : vector<16xf32>
          %add3A_1516 = arith.addf %scan3A_1397, %mul3A_1515 : vector<16xf32>
          %get3A_1517 = arith.constant 1 : i32
          %get3A_1518 = arith.constant 13 : i32
          %get3A_1519 = arith.index_cast %get3A_1517 : i32 to index
          %get3A_1520 = arith.index_cast %get3A_1518 : i32 to index
          %get3A_1521 = arith.index_cast %add3A_1406 : i32 to index
          %get3A_1522 = tpu.vector_load %arg10[%get3A_1519, %get3A_1520, %get3A_1521] {strides = array<i32>} : memref<4x16x1024xf32, #tpu.memory_space<vmem>>, vector<16xf32>,
          %mul3A_1523 = arith.mulf %get3A_1522, %get3A_1412 : vector<16xf32>
          %add3A_1524 = arith.addf %scan3A_1398, %mul3A_1523 : vector<16xf32>
          %get3A_1525 = arith.constant 1 : i32
          %get3A_1526 = arith.constant 14 : i32
          %get3A_1527 = arith.index_cast %get3A_1525 : i32 to index
          %get3A_1528 = arith.index_cast %get3A_1526 : i32 to index
          %get3A_1529 = arith.index_cast %add3A_1406 : i32 to index
          %get3A_1530 = tpu.vector_load %arg10[%get3A_1527, %get3A_1528, %get3A_1529] {strides = array<i32>} : memref<4x16x1024xf32, #tpu.memory_space<vmem>>, vector<16xf32>,
          %mul3A_1531 = arith.mulf %get3A_1530, %get3A_1412 : vector<16xf32>
          %add3A_1532 = arith.addf %scan3A_1399, %mul3A_1531 : vector<16xf32>
          %get3A_1533 = arith.constant 1 : i32
          %get3A_1534 = arith.constant 15 : i32
          %get3A_1535 = arith.index_cast %get3A_1533 : i32 to index
          %get3A_1536 = arith.index_cast %get3A_1534 : i32 to index
          %get3A_1537 = arith.index_cast %add3A_1406 : i32 to index
          %get3A_1538 = tpu.vector_load %arg10[%get3A_1535, %get3A_1536, %get3A_1537] {strides = array<i32>} : memref<4x16x1024xf32, #tpu.memory_space<vmem>>, vector<16xf32>,
          %mul3A_1539 = arith.mulf %get3A_1538, %get3A_1412 : vector<16xf32>
          %add3A_1540 = arith.addf %scan3A_1400, %mul3A_1539 : vector<16xf32>
          scf.yield %add3A_1420, %add3A_1428, %add3A_1436, %add3A_1444, %add3A_1452, %add3A_1460, %add3A_1468, %add3A_1476, %add3A_1484, %add3A_1492, %add3A_1500, %add3A_1508, %add3A_1516, %add3A_1524, %add3A_1532, %add3A_1540 : vector<16xf32>, vector<16xf32>, vector<16xf32>, vector<16xf32>, vector<16xf32>, vector<16xf32>, vector<16xf32>, vector<16xf32>, vector<16xf32>, vector<16xf32>, vector<16xf32>, vector<16xf32>, vector<16xf32>, vector<16xf32>, vector<16xf32>, vector<16xf32>
        }
        %scan3A_714 = arith.constant 64 : i32
        %swap3A_715 = arith.constant 0 : index
        %swap3A_716 = tpu.vector_load %arg11[%swap3A_715] {strides = array<i32>} : memref<256xf32, #tpu.memory_space<vmem>>, vector<16xf32>,
        tpu.vector_store %arg11[%swap3A_715], %scan3A_713#0 {strides = array<i32>} : memref<256xf32, #tpu.memory_space<vmem>>, vector<16xf32>,
        %swap3A_717 = arith.constant 16 : index
        %swap3A_718 = tpu.vector_load %arg11[%swap3A_717] {strides = array<i32>} : memref<256xf32, #tpu.memory_space<vmem>>, vector<16xf32>,
        tpu.vector_store %arg11[%swap3A_717], %scan3A_713#1 {strides = array<i32>} : memref<256xf32, #tpu.memory_space<vmem>>, vector<16xf32>,
        %swap3A_719 = arith.constant 32 : index
        %swap3A_720 = tpu.vector_load %arg11[%swap3A_719] {strides = array<i32>} : memref<256xf32, #tpu.memory_space<vmem>>, vector<16xf32>,
        tpu.vector_store %arg11[%swap3A_719], %scan3A_713#2 {strides = array<i32>} : memref<256xf32, #tpu.memory_space<vmem>>, vector<16xf32>,
        %swap3A_721 = arith.constant 48 : index
        %swap3A_722 = tpu.vector_load %arg11[%swap3A_721] {strides = array<i32>} : memref<256xf32, #tpu.memory_space<vmem>>, vector<16xf32>,
        tpu.vector_store %arg11[%swap3A_721], %scan3A_713#3 {strides = array<i32>} : memref<256xf32, #tpu.memory_space<vmem>>, vector<16xf32>,
        %swap3A_723 = arith.constant 64 : index
        %swap3A_724 = tpu.vector_load %arg11[%swap3A_723] {strides = array<i32>} : memref<256xf32, #tpu.memory_space<vmem>>, vector<16xf32>,
        tpu.vector_store %arg11[%swap3A_723], %scan3A_713#4 {strides = array<i32>} : memref<256xf32, #tpu.memory_space<vmem>>, vector<16xf32>,
        %swap3A_725 = arith.constant 80 : index
        %swap3A_726 = tpu.vector_load %arg11[%swap3A_725] {strides = array<i32>} : memref<256xf32, #tpu.memory_space<vmem>>, vector<16xf32>,
        tpu.vector_store %arg11[%swap3A_725], %scan3A_713#5 {strides = array<i32>} : memref<256xf32, #tpu.memory_space<vmem>>, vector<16xf32>,
        %swap3A_727 = arith.constant 96 : index
        %swap3A_728 = tpu.vector_load %arg11[%swap3A_727] {strides = array<i32>} : memref<256xf32, #tpu.memory_space<vmem>>, vector<16xf32>,
        tpu.vector_store %arg11[%swap3A_727], %scan3A_713#6 {strides = array<i32>} : memref<256xf32, #tpu.memory_space<vmem>>, vector<16xf32>,
        %swap3A_729 = arith.constant 112 : index
        %swap3A_730 = tpu.vector_load %arg11[%swap3A_729] {strides = array<i32>} : memref<256xf32, #tpu.memory_space<vmem>>, vector<16xf32>,
        tpu.vector_store %arg11[%swap3A_729], %scan3A_713#7 {strides = array<i32>} : memref<256xf32, #tpu.memory_space<vmem>>, vector<16xf32>,
        %swap3A_731 = arith.constant 128 : index
        %swap3A_732 = tpu.vector_load %arg11[%swap3A_731] {strides = array<i32>} : memref<256xf32, #tpu.memory_space<vmem>>, vector<16xf32>,
        tpu.vector_store %arg11[%swap3A_731], %scan3A_713#8 {strides = array<i32>} : memref<256xf32, #tpu.memory_space<vmem>>, vector<16xf32>,
        %swap3A_733 = arith.constant 144 : index
        %swap3A_734 = tpu.vector_load %arg11[%swap3A_733] {strides = array<i32>} : memref<256xf32, #tpu.memory_space<vmem>>, vector<16xf32>,
        tpu.vector_store %arg11[%swap3A_733], %scan3A_713#9 {strides = array<i32>} : memref<256xf32, #tpu.memory_space<vmem>>, vector<16xf32>,
        %swap3A_735 = arith.constant 160 : index
        %swap3A_736 = tpu.vector_load %arg11[%swap3A_735] {strides = array<i32>} : memref<256xf32, #tpu.memory_space<vmem>>, vector<16xf32>,
        tpu.vector_store %arg11[%swap3A_735], %scan3A_713#10 {strides = array<i32>} : memref<256xf32, #tpu.memory_space<vmem>>, vector<16xf32>,
        %swap3A_737 = arith.constant 176 : index
        %swap3A_738 = tpu.vector_load %arg11[%swap3A_737] {strides = array<i32>} : memref<256xf32, #tpu.memory_space<vmem>>, vector<16xf32>,
        tpu.vector_store %arg11[%swap3A_737], %scan3A_713#11 {strides = array<i32>} : memref<256xf32, #tpu.memory_space<vmem>>, vector<16xf32>,
        %swap3A_739 = arith.constant 192 : index
        %swap3A_740 = tpu.vector_load %arg11[%swap3A_739] {strides = array<i32>} : memref<256xf32, #tpu.memory_space<vmem>>, vector<16xf32>,
        tpu.vector_store %arg11[%swap3A_739], %scan3A_713#12 {strides = array<i32>} : memref<256xf32, #tpu.memory_space<vmem>>, vector<16xf32>,
        %swap3A_741 = arith.constant 208 : index
        %swap3A_742 = tpu.vector_load %arg11[%swap3A_741] {strides = array<i32>} : memref<256xf32, #tpu.memory_space<vmem>>, vector<16xf32>,
        tpu.vector_store %arg11[%swap3A_741], %scan3A_713#13 {strides = array<i32>} : memref<256xf32, #tpu.memory_space<vmem>>, vector<16xf32>,
        %swap3A_743 = arith.constant 224 : index
        %swap3A_744 = tpu.vector_load %arg11[%swap3A_743] {strides = array<i32>} : memref<256xf32, #tpu.memory_space<vmem>>, vector<16xf32>,
        tpu.vector_store %arg11[%swap3A_743], %scan3A_713#14 {strides = array<i32>} : memref<256xf32, #tpu.memory_space<vmem>>, vector<16xf32>,
        %swap3A_745 = arith.constant 240 : index
        %swap3A_746 = tpu.vector_load %arg11[%swap3A_745] {strides = array<i32>} : memref<256xf32, #tpu.memory_space<vmem>>, vector<16xf32>,
        tpu.vector_store %arg11[%swap3A_745], %scan3A_713#15 {strides = array<i32>} : memref<256xf32, #tpu.memory_space<vmem>>, vector<16xf32>,
        %mul3A_747 = arith.constant 16 : i32
        %mul3A_748 = vector.broadcast %mul3A_747 : i32 to vector<16xi32>
        %mul3A_749 = arith.muli %iota3A, %mul3A_748 : vector<16xi32>
        %gather3A_750 = tpu.vector_load_idx %arg11[%mul3A_749] : memref<256xf32, #tpu.memory_space<vmem>>[vector<16xi32>], vector<16xf32>,
        %mul3A_751 = arith.constant 16 : i32
        %mul3A_752 = vector.broadcast %mul3A_751 : i32 to vector<16xi32>
        %mul3A_753 = arith.muli %iota3A, %mul3A_752 : vector<16xi32>
        %add3A_754 = arith.constant 1 : i32
        %add3A_755 = vector.broadcast %add3A_754 : i32 to vector<16xi32>
        %add3A_756 = arith.addi %mul3A_753, %add3A_755 : vector<16xi32>
        %gather3A_757 = tpu.vector_load_idx %arg11[%add3A_756] : memref<256xf32, #tpu.memory_space<vmem>>[vector<16xi32>], vector<16xf32>,
        %add3A_758 = arith.addf %gather3A_750, %gather3A_757 : vector<16xf32>
        %mul3A_759 = arith.constant 16 : i32
        %mul3A_760 = vector.broadcast %mul3A_759 : i32 to vector<16xi32>
        %mul3A_761 = arith.muli %iota3A, %mul3A_760 : vector<16xi32>
        %add3A_762 = arith.constant 2 : i32
        %add3A_763 = vector.broadcast %add3A_762 : i32 to vector<16xi32>
        %add3A_764 = arith.addi %mul3A_761, %add3A_763 : vector<16xi32>
        %gather3A_765 = tpu.vector_load_idx %arg11[%add3A_764] : memref<256xf32, #tpu.memory_space<vmem>>[vector<16xi32>], vector<16xf32>,
        %add3A_766 = arith.addf %add3A_758, %gather3A_765 : vector<16xf32>
        %mul3A_767 = arith.constant 16 : i32
        %mul3A_768 = vector.broadcast %mul3A_767 : i32 to vector<16xi32>
        %mul3A_769 = arith.muli %iota3A, %mul3A_768 : vector<16xi32>
        %add3A_770 = arith.constant 3 : i32
        %add3A_771 = vector.broadcast %add3A_770 : i32 to vector<16xi32>
        %add3A_772 = arith.addi %mul3A_769, %add3A_771 : vector<16xi32>
        %gather3A_773 = tpu.vector_load_idx %arg11[%add3A_772] : memref<256xf32, #tpu.memory_space<vmem>>[vector<16xi32>], vector<16xf32>,
        %add3A_774 = arith.addf %add3A_766, %gather3A_773 : vector<16xf32>
        %mul3A_775 = arith.constant 16 : i32
        %mul3A_776 = vector.broadcast %mul3A_775 : i32 to vector<16xi32>
        %mul3A_777 = arith.muli %iota3A, %mul3A_776 : vector<16xi32>
        %add3A_778 = arith.constant 4 : i32
        %add3A_779 = vector.broadcast %add3A_778 : i32 to vector<16xi32>
        %add3A_780 = arith.addi %mul3A_777, %add3A_779 : vector<16xi32>
        %gather3A_781 = tpu.vector_load_idx %arg11[%add3A_780] : memref<256xf32, #tpu.memory_space<vmem>>[vector<16xi32>], vector<16xf32>,
        %add3A_782 = arith.addf %add3A_774, %gather3A_781 : vector<16xf32>
        %mul3A_783 = arith.constant 16 : i32
        %mul3A_784 = vector.broadcast %mul3A_783 : i32 to vector<16xi32>
        %mul3A_785 = arith.muli %iota3A, %mul3A_784 : vector<16xi32>
        %add3A_786 = arith.constant 5 : i32
        %add3A_787 = vector.broadcast %add3A_786 : i32 to vector<16xi32>
        %add3A_788 = arith.addi %mul3A_785, %add3A_787 : vector<16xi32>
        %gather3A_789 = tpu.vector_load_idx %arg11[%add3A_788] : memref<256xf32, #tpu.memory_space<vmem>>[vector<16xi32>], vector<16xf32>,
        %add3A_790 = arith.addf %add3A_782, %gather3A_789 : vector<16xf32>
        %mul3A_791 = arith.constant 16 : i32
        %mul3A_792 = vector.broadcast %mul3A_791 : i32 to vector<16xi32>
        %mul3A_793 = arith.muli %iota3A, %mul3A_792 : vector<16xi32>
        %add3A_794 = arith.constant 6 : i32
        %add3A_795 = vector.broadcast %add3A_794 : i32 to vector<16xi32>
        %add3A_796 = arith.addi %mul3A_793, %add3A_795 : vector<16xi32>
        %gather3A_797 = tpu.vector_load_idx %arg11[%add3A_796] : memref<256xf32, #tpu.memory_space<vmem>>[vector<16xi32>], vector<16xf32>,
        %add3A_798 = arith.addf %add3A_790, %gather3A_797 : vector<16xf32>
        %mul3A_799 = arith.constant 16 : i32
        %mul3A_800 = vector.broadcast %mul3A_799 : i32 to vector<16xi32>
        %mul3A_801 = arith.muli %iota3A, %mul3A_800 : vector<16xi32>
        %add3A_802 = arith.constant 7 : i32
        %add3A_803 = vector.broadcast %add3A_802 : i32 to vector<16xi32>
        %add3A_804 = arith.addi %mul3A_801, %add3A_803 : vector<16xi32>
        %gather3A_805 = tpu.vector_load_idx %arg11[%add3A_804] : memref<256xf32, #tpu.memory_space<vmem>>[vector<16xi32>], vector<16xf32>,
        %add3A_806 = arith.addf %add3A_798, %gather3A_805 : vector<16xf32>
        %mul3A_807 = arith.constant 16 : i32
        %mul3A_808 = vector.broadcast %mul3A_807 : i32 to vector<16xi32>
        %mul3A_809 = arith.muli %iota3A, %mul3A_808 : vector<16xi32>
        %add3A_810 = arith.constant 8 : i32
        %add3A_811 = vector.broadcast %add3A_810 : i32 to vector<16xi32>
        %add3A_812 = arith.addi %mul3A_809, %add3A_811 : vector<16xi32>
        %gather3A_813 = tpu.vector_load_idx %arg11[%add3A_812] : memref<256xf32, #tpu.memory_space<vmem>>[vector<16xi32>], vector<16xf32>,
        %add3A_814 = arith.addf %add3A_806, %gather3A_813 : vector<16xf32>
        %mul3A_815 = arith.constant 16 : i32
        %mul3A_816 = vector.broadcast %mul3A_815 : i32 to vector<16xi32>
        %mul3A_817 = arith.muli %iota3A, %mul3A_816 : vector<16xi32>
        %add3A_818 = arith.constant 9 : i32
        %add3A_819 = vector.broadcast %add3A_818 : i32 to vector<16xi32>
        %add3A_820 = arith.addi %mul3A_817, %add3A_819 : vector<16xi32>
        %gather3A_821 = tpu.vector_load_idx %arg11[%add3A_820] : memref<256xf32, #tpu.memory_space<vmem>>[vector<16xi32>], vector<16xf32>,
        %add3A_822 = arith.addf %add3A_814, %gather3A_821 : vector<16xf32>
        %mul3A_823 = arith.constant 16 : i32
        %mul3A_824 = vector.broadcast %mul3A_823 : i32 to vector<16xi32>
        %mul3A_825 = arith.muli %iota3A, %mul3A_824 : vector<16xi32>
        %add3A_826 = arith.constant 10 : i32
        %add3A_827 = vector.broadcast %add3A_826 : i32 to vector<16xi32>
        %add3A_828 = arith.addi %mul3A_825, %add3A_827 : vector<16xi32>
        %gather3A_829 = tpu.vector_load_idx %arg11[%add3A_828] : memref<256xf32, #tpu.memory_space<vmem>>[vector<16xi32>], vector<16xf32>,
        %add3A_830 = arith.addf %add3A_822, %gather3A_829 : vector<16xf32>
        %mul3A_831 = arith.constant 16 : i32
        %mul3A_832 = vector.broadcast %mul3A_831 : i32 to vector<16xi32>
        %mul3A_833 = arith.muli %iota3A, %mul3A_832 : vector<16xi32>
        %add3A_834 = arith.constant 11 : i32
        %add3A_835 = vector.broadcast %add3A_834 : i32 to vector<16xi32>
        %add3A_836 = arith.addi %mul3A_833, %add3A_835 : vector<16xi32>
        %gather3A_837 = tpu.vector_load_idx %arg11[%add3A_836] : memref<256xf32, #tpu.memory_space<vmem>>[vector<16xi32>], vector<16xf32>,
        %add3A_838 = arith.addf %add3A_830, %gather3A_837 : vector<16xf32>
        %mul3A_839 = arith.constant 16 : i32
        %mul3A_840 = vector.broadcast %mul3A_839 : i32 to vector<16xi32>
        %mul3A_841 = arith.muli %iota3A, %mul3A_840 : vector<16xi32>
        %add3A_842 = arith.constant 12 : i32
        %add3A_843 = vector.broadcast %add3A_842 : i32 to vector<16xi32>
        %add3A_844 = arith.addi %mul3A_841, %add3A_843 : vector<16xi32>
        %gather3A_845 = tpu.vector_load_idx %arg11[%add3A_844] : memref<256xf32, #tpu.memory_space<vmem>>[vector<16xi32>], vector<16xf32>,
        %add3A_846 = arith.addf %add3A_838, %gather3A_845 : vector<16xf32>
        %mul3A_847 = arith.constant 16 : i32
        %mul3A_848 = vector.broadcast %mul3A_847 : i32 to vector<16xi32>
        %mul3A_849 = arith.muli %iota3A, %mul3A_848 : vector<16xi32>
        %add3A_850 = arith.constant 13 : i32
        %add3A_851 = vector.broadcast %add3A_850 : i32 to vector<16xi32>
        %add3A_852 = arith.addi %mul3A_849, %add3A_851 : vector<16xi32>
        %gather3A_853 = tpu.vector_load_idx %arg11[%add3A_852] : memref<256xf32, #tpu.memory_space<vmem>>[vector<16xi32>], vector<16xf32>,
        %add3A_854 = arith.addf %add3A_846, %gather3A_853 : vector<16xf32>
        %mul3A_855 = arith.constant 16 : i32
        %mul3A_856 = vector.broadcast %mul3A_855 : i32 to vector<16xi32>
        %mul3A_857 = arith.muli %iota3A, %mul3A_856 : vector<16xi32>
        %add3A_858 = arith.constant 14 : i32
        %add3A_859 = vector.broadcast %add3A_858 : i32 to vector<16xi32>
        %add3A_860 = arith.addi %mul3A_857, %add3A_859 : vector<16xi32>
        %gather3A_861 = tpu.vector_load_idx %arg11[%add3A_860] : memref<256xf32, #tpu.memory_space<vmem>>[vector<16xi32>], vector<16xf32>,
        %add3A_862 = arith.addf %add3A_854, %gather3A_861 : vector<16xf32>
        %mul3A_863 = arith.constant 16 : i32
        %mul3A_864 = vector.broadcast %mul3A_863 : i32 to vector<16xi32>
        %mul3A_865 = arith.muli %iota3A, %mul3A_864 : vector<16xi32>
        %add3A_866 = arith.constant 15 : i32
        %add3A_867 = vector.broadcast %add3A_866 : i32 to vector<16xi32>
        %add3A_868 = arith.addi %mul3A_865, %add3A_867 : vector<16xi32>
        %gather3A_869 = tpu.vector_load_idx %arg11[%add3A_868] : memref<256xf32, #tpu.memory_space<vmem>>[vector<16xi32>], vector<16xf32>,
        %add3A_870 = arith.addf %add3A_862, %gather3A_869 : vector<16xf32>
        %mul3A_871 = arith.constant 128 : i32
        %mul3A_872 = arith.muli %select_n3A_708, %mul3A_871 : i32
        %add3A_873 = arith.constant 1 : i32
        %add3A_874 = arith.addi %mul3A_872, %add3A_873 : i32
        %jit3A_875 = arith.constant 4 : i32
        %eq3A_876 = arith.constant 0 : i32
        %eq3A_877 = arith.cmpi eq, %jit3A_875, %eq3A_876 : i32
        %jit3A_878 = arith.constant 1 : i32
        %select_n3A_879 = arith.select %eq3A_877, %jit3A_878, %jit3A_875 : i32
        %rem3A_880 = arith.remsi %add3A_666, %select_n3A_879 : i32
        %ne3A_881 = arith.constant 0 : i32
        %ne3A_882 = arith.cmpi ne, %rem3A_880, %ne3A_881 : i32
        %lt3A_883 = arith.constant 0 : i32
        %lt3A_884 = arith.cmpi slt, %rem3A_880, %lt3A_883 : i32
        %lt3A_885 = arith.constant 0 : i32
        %lt3A_886 = arith.cmpi slt, %select_n3A_879, %lt3A_885 : i32
        %ne3A_887 = arith.xori %lt3A_884, %lt3A_886 : i1
        %and3A_888 = arith.andi %ne3A_887, %ne3A_882 : i1
        %add3A_889 = arith.addi %rem3A_880, %select_n3A_879 : i32
        %select_n3A_890 = arith.select %and3A_888, %add3A_889, %rem3A_880 : i32
        %mul3A_891 = arith.constant 16 : i32
        %mul3A_892 = arith.muli %select_n3A_890, %mul3A_891 : i32
        %add3A_893 = arith.addi %add3A_874, %mul3A_892 : i32
        %swap3A_894 = arith.index_cast %add3A_893 : i32 to index
        %swap3A_895 = tpu.vector_load %arg12[%swap3A_894] {strides = array<i32>} : memref<2048xf32, #tpu.memory_space<vmem>>, vector<16xf32>,
        tpu.vector_store %arg12[%swap3A_894], %add3A_870 {strides = array<i32>} : memref<2048xf32, #tpu.memory_space<vmem>>, vector<16xf32>,
        %add3A_896 = arith.constant 4 : i32
        %add3A_897 = arith.addi %add3A_666, %add3A_896 : i32
        %lt3A_898 = arith.constant 64 : i32
        %lt3A_899 = arith.cmpi slt, %add3A_897, %lt3A_898 : i32
        %convert_element_type3A_900 = arith.extui %lt3A_899 : i1 to i32
        %cond3A_901 = arith.constant 0 : i32
        %cond3A_902 = arith.cmpi ne, %convert_element_type3A_900, %cond3A_901 : i32
        scf.if %cond3A_902 {
          %add3A_1384 = arith.constant 4 : i32
          %add3A_1385 = arith.addi %add3A_666, %add3A_1384 : i32
          %dma_start3A_1386 = arith.constant 1 : i32
          %dma_start3A_1387 = arith.constant 1 : i32
          %dma_start3A_1388 = arith.constant 0 : i32
          %dma_start3A_1389 = arith.constant 0 : i32
          %dma_start3A_1390 = tpu.memref_slice %arg10[%dma_start3A_1386, %dma_start3A_1388, %dma_start3A_1389] : memref<4x16x1024xf32, #tpu.memory_space<vmem>> -> memref<1x16x1024xf32, #tpu.memory_space<vmem>>
          %dma_start3A_1391 = tpu.memref_squeeze %dma_start3A_1390 : memref<1x16x1024xf32, #tpu.memory_space<vmem>> -> memref<16x1024xf32, #tpu.memory_space<vmem>>
          %dma_start3A_1392 = arith.constant 0 : i32
          %dma_start3A_1393 = arith.constant 0 : i32
          %dma_start3A_1394 = tpu.memref_slice %arg8[%select_n3A_88, %dma_start3A_1392, %dma_start3A_1393] : memref<2x64x16xi32, #tpu.memory_space<vmem>> -> memref<1x64x16xi32, #tpu.memory_space<vmem>>
          %dma_start3A_1395 = tpu.memref_squeeze %dma_start3A_1394 : memref<1x64x16xi32, #tpu.memory_space<vmem>> -> memref<64x16xi32, #tpu.memory_space<vmem>>
          %dma_start3A_1396 = arith.constant 0 : i32
          %dma_start3A_1397 = tpu.memref_slice %dma_start3A_1395[%add3A_1385, %dma_start3A_1396] : memref<64x16xi32, #tpu.memory_space<vmem>> -> memref<1x16xi32, #tpu.memory_space<vmem>>
          %dma_start3A_1398 = tpu.memref_squeeze %dma_start3A_1397 : memref<1x16xi32, #tpu.memory_space<vmem>> -> memref<16xi32, #tpu.memory_space<vmem>>
          %dma_start3A_1399 = arith.constant 0 : i32
          %dma_start3A_1400 = arith.constant 0 : i32
          %dma_start3A_1401 = tpu.memref_slice %arg5[%dma_start3A_1399, %dma_start3A_1400] : memref<100000x1024xf32, #tpu.memory_space<hbm>> -> memref<100000x1024xf32, #tpu.memory_space<hbm>>
          %dma_start3A_1402 = tpu.memref_slice %arg13[%dma_start3A_1387] : memref<4x!tpu.dma_semaphore, #tpu.memory_space<semaphore_mem>> -> memref<1x!tpu.dma_semaphore, #tpu.memory_space<semaphore_mem>>
          %dma_start3A_1403 = tpu.memref_squeeze %dma_start3A_1402 : memref<1x!tpu.dma_semaphore, #tpu.memory_space<semaphore_mem>> -> memref<!tpu.dma_semaphore, #tpu.memory_space<semaphore_mem>>
          tpu.enqueue_indirect_dma source(%dma_start3A_1401 : memref<100000x1024xf32, #tpu.memory_space<hbm>>) target(%dma_start3A_1391 : memref<16x1024xf32, #tpu.memory_space<vmem>>) offsets(%dma_start3A_1398 : memref<16xi32, #tpu.memory_space<vmem>>) semaphore(%dma_start3A_1403 : memref<!tpu.dma_semaphore, #tpu.memory_space<semaphore_mem>>)
        } else {
        }
        %mul3A_903 = arith.constant 4 : i32
        %mul3A_904 = arith.muli %scan3A_424, %mul3A_903 : i32
        %add3A_905 = arith.constant 2 : i32
        %add3A_906 = arith.addi %mul3A_904, %add3A_905 : i32
        %dma_wait3A_907 = arith.constant 2 : i32
        %dma_wait3A_908 = arith.constant 2 : i32
        %dma_wait3A_909 = arith.constant 0 : i32
        %dma_wait3A_910 = arith.constant 0 : i32
        %dma_wait3A_911 = tpu.memref_slice %arg10[%dma_wait3A_907, %dma_wait3A_909, %dma_wait3A_910] : memref<4x16x1024xf32, #tpu.memory_space<vmem>> -> memref<1x16x1024xf32, #tpu.memory_space<vmem>>
        %dma_wait3A_912 = tpu.memref_squeeze %dma_wait3A_911 : memref<1x16x1024xf32, #tpu.memory_space<vmem>> -> memref<16x1024xf32, #tpu.memory_space<vmem>>
        %dma_wait3A_913 = arith.constant 0 : i32
        %dma_wait3A_914 = arith.constant 0 : i32
        %dma_wait3A_915 = tpu.memref_slice %arg8[%select_n3A_88, %dma_wait3A_913, %dma_wait3A_914] : memref<2x64x16xi32, #tpu.memory_space<vmem>> -> memref<1x64x16xi32, #tpu.memory_space<vmem>>
        %dma_wait3A_916 = tpu.memref_squeeze %dma_wait3A_915 : memref<1x64x16xi32, #tpu.memory_space<vmem>> -> memref<64x16xi32, #tpu.memory_space<vmem>>
        %dma_wait3A_917 = arith.constant 0 : i32
        %dma_wait3A_918 = tpu.memref_slice %dma_wait3A_916[%add3A_906, %dma_wait3A_917] : memref<64x16xi32, #tpu.memory_space<vmem>> -> memref<1x16xi32, #tpu.memory_space<vmem>>
        %dma_wait3A_919 = tpu.memref_squeeze %dma_wait3A_918 : memref<1x16xi32, #tpu.memory_space<vmem>> -> memref<16xi32, #tpu.memory_space<vmem>>
        %dma_wait3A_920 = arith.constant 0 : i32
        %dma_wait3A_921 = arith.constant 0 : i32
        %dma_wait3A_922 = tpu.memref_slice %arg5[%dma_wait3A_920, %dma_wait3A_921] : memref<100000x1024xf32, #tpu.memory_space<hbm>> -> memref<100000x1024xf32, #tpu.memory_space<hbm>>
        %dma_wait3A_923 = tpu.memref_slice %arg13[%dma_wait3A_908] : memref<4x!tpu.dma_semaphore, #tpu.memory_space<semaphore_mem>> -> memref<1x!tpu.dma_semaphore, #tpu.memory_space<semaphore_mem>>
        %dma_wait3A_924 = tpu.memref_squeeze %dma_wait3A_923 : memref<1x!tpu.dma_semaphore, #tpu.memory_space<semaphore_mem>> -> memref<!tpu.dma_semaphore, #tpu.memory_space<semaphore_mem>>
        tpu.wait_indirect_dma semaphore(%dma_wait3A_924 : memref<!tpu.dma_semaphore, #tpu.memory_space<semaphore_mem>>) src(%dma_wait3A_922 : memref<100000x1024xf32, #tpu.memory_space<hbm>>) dst(%dma_wait3A_912 : memref<16x1024xf32, #tpu.memory_space<vmem>>)
        %jit3A_925 = arith.constant 4 : i32
        %div3A_926 = arith.divsi %add3A_906, %jit3A_925 : i32
        %sign3A_927 = arith.constant 0 : i32
        %sign3A_928 = arith.cmpi sgt, %add3A_906, %sign3A_927 : i32
        %sign3A_929 = arith.extui %sign3A_928 : i1 to i32
        %sign3A_930 = arith.constant 0 : i32
        %sign3A_931 = arith.cmpi slt, %add3A_906, %sign3A_930 : i32
        %sign3A_932 = arith.extui %sign3A_931 : i1 to i32
        %sign3A_933 = arith.subi %sign3A_929, %sign3A_932 : i32
        %sign3A_934 = arith.constant 0 : i32
        %sign3A_935 = arith.cmpi sgt, %jit3A_925, %sign3A_934 : i32
        %sign3A_936 = arith.extui %sign3A_935 : i1 to i32
        %sign3A_937 = arith.constant 0 : i32
        %sign3A_938 = arith.cmpi slt, %jit3A_925, %sign3A_937 : i32
        %sign3A_939 = arith.extui %sign3A_938 : i1 to i32
        %sign3A_940 = arith.subi %sign3A_936, %sign3A_939 : i32
        %ne3A_941 = arith.cmpi ne, %sign3A_933, %sign3A_940 : i32
        %rem3A_942 = arith.remsi %add3A_906, %jit3A_925 : i32
        %ne3A_943 = arith.constant 0 : i32
        %ne3A_944 = arith.cmpi ne, %rem3A_942, %ne3A_943 : i32
        %and3A_945 = arith.andi %ne3A_941, %ne3A_944 : i1
        %sub3A_946 = arith.constant 1 : i32
        %sub3A_947 = arith.subi %div3A_926, %sub3A_946 : i32
        %select_n3A_948 = arith.select %and3A_945, %sub3A_947, %div3A_926 : i32
        %scan3A_949 = arith.constant 0 : i32
        %scan3A_950 = arith.constant 64 : i32
        %scan3A_951 = arith.addi %scan3A_949, %scan3A_950 : i32
        %scan3A_952 = arith.constant 1 : i32
        %scan3A_953:16 = scf.for %scan3A_1384 = %scan3A_949 to %scan3A_951 step %scan3A_952 iter_args(%scan3A_1385 = %broadcast_in_dim3A_1, %scan3A_1386 = %broadcast_in_dim3A_3, %scan3A_1387 = %broadcast_in_dim3A_5, %scan3A_1388 = %broadcast_in_dim3A_7, %scan3A_1389 = %broadcast_in_dim3A_9, %scan3A_1390 = %broadcast_in_dim3A_11, %scan3A_1391 = %broadcast_in_dim3A_13, %scan3A_1392 = %broadcast_in_dim3A_15, %scan3A_1393 = %broadcast_in_dim3A_17, %scan3A_1394 = %broadcast_in_dim3A_19, %scan3A_1395 = %broadcast_in_dim3A_21, %scan3A_1396 = %broadcast_in_dim3A_23, %scan3A_1397 = %broadcast_in_dim3A_25, %scan3A_1398 = %broadcast_in_dim3A_27, %scan3A_1399 = %broadcast_in_dim3A_29, %scan3A_1400 = %broadcast_in_dim3A_31) -> (vector<16xf32>, vector<16xf32>, vector<16xf32>, vector<16xf32>, vector<16xf32>, vector<16xf32>, vector<16xf32>, vector<16xf32>, vector<16xf32>, vector<16xf32>, vector<16xf32>, vector<16xf32>, vector<16xf32>, vector<16xf32>, vector<16xf32>, vector<16xf32>)  : i32 {
          %mul3A_1401 = arith.constant 1 : i32
          %mul3A_1402 = arith.muli %scan3A_1384, %mul3A_1401 : i32
          %mul3A_1403 = arith.constant 16 : i32
          %mul3A_1404 = arith.muli %mul3A_1402, %mul3A_1403 : i32
          %add3A_1405 = arith.constant 0 : i32
          %add3A_1406 = arith.addi %mul3A_1404, %add3A_1405 : i32
          %get3A = arith.constant 0 : i32
          %get3A_1407 = arith.constant 0 : i32
          %get3A_1408 = tpu.memref_slice %arg7[%select_n3A_88, %get3A, %get3A_1407] : memref<2x16x1024xf32, #tpu.memory_space<vmem>> -> memref<1x16x1024xf32, #tpu.memory_space<vmem>>
          %get3A_1409 = tpu.memref_squeeze %get3A_1408 : memref<1x16x1024xf32, #tpu.memory_space<vmem>> -> memref<16x1024xf32, #tpu.memory_space<vmem>>
          %get3A_1410 = arith.index_cast %select_n3A_948 : i32 to index
          %get3A_1411 = arith.index_cast %add3A_1406 : i32 to index
          %get3A_1412 = tpu.vector_load %get3A_1409[%get3A_1410, %get3A_1411] {strides = array<i32>} : memref<16x1024xf32, #tpu.memory_space<vmem>>, vector<16xf32>,
          %get3A_1413 = arith.constant 2 : i32
          %get3A_1414 = arith.constant 0 : i32
          %get3A_1415 = arith.index_cast %get3A_1413 : i32 to index
          %get3A_1416 = arith.index_cast %get3A_1414 : i32 to index
          %get3A_1417 = arith.index_cast %add3A_1406 : i32 to index
          %get3A_1418 = tpu.vector_load %arg10[%get3A_1415, %get3A_1416, %get3A_1417] {strides = array<i32>} : memref<4x16x1024xf32, #tpu.memory_space<vmem>>, vector<16xf32>,
          %mul3A_1419 = arith.mulf %get3A_1418, %get3A_1412 : vector<16xf32>
          %add3A_1420 = arith.addf %scan3A_1385, %mul3A_1419 : vector<16xf32>
          %get3A_1421 = arith.constant 2 : i32
          %get3A_1422 = arith.constant 1 : i32
          %get3A_1423 = arith.index_cast %get3A_1421 : i32 to index
          %get3A_1424 = arith.index_cast %get3A_1422 : i32 to index
          %get3A_1425 = arith.index_cast %add3A_1406 : i32 to index
          %get3A_1426 = tpu.vector_load %arg10[%get3A_1423, %get3A_1424, %get3A_1425] {strides = array<i32>} : memref<4x16x1024xf32, #tpu.memory_space<vmem>>, vector<16xf32>,
          %mul3A_1427 = arith.mulf %get3A_1426, %get3A_1412 : vector<16xf32>
          %add3A_1428 = arith.addf %scan3A_1386, %mul3A_1427 : vector<16xf32>
          %get3A_1429 = arith.constant 2 : i32
          %get3A_1430 = arith.constant 2 : i32
          %get3A_1431 = arith.index_cast %get3A_1429 : i32 to index
          %get3A_1432 = arith.index_cast %get3A_1430 : i32 to index
          %get3A_1433 = arith.index_cast %add3A_1406 : i32 to index
          %get3A_1434 = tpu.vector_load %arg10[%get3A_1431, %get3A_1432, %get3A_1433] {strides = array<i32>} : memref<4x16x1024xf32, #tpu.memory_space<vmem>>, vector<16xf32>,
          %mul3A_1435 = arith.mulf %get3A_1434, %get3A_1412 : vector<16xf32>
          %add3A_1436 = arith.addf %scan3A_1387, %mul3A_1435 : vector<16xf32>
          %get3A_1437 = arith.constant 2 : i32
          %get3A_1438 = arith.constant 3 : i32
          %get3A_1439 = arith.index_cast %get3A_1437 : i32 to index
          %get3A_1440 = arith.index_cast %get3A_1438 : i32 to index
          %get3A_1441 = arith.index_cast %add3A_1406 : i32 to index
          %get3A_1442 = tpu.vector_load %arg10[%get3A_1439, %get3A_1440, %get3A_1441] {strides = array<i32>} : memref<4x16x1024xf32, #tpu.memory_space<vmem>>, vector<16xf32>,
          %mul3A_1443 = arith.mulf %get3A_1442, %get3A_1412 : vector<16xf32>
          %add3A_1444 = arith.addf %scan3A_1388, %mul3A_1443 : vector<16xf32>
          %get3A_1445 = arith.constant 2 : i32
          %get3A_1446 = arith.constant 4 : i32
          %get3A_1447 = arith.index_cast %get3A_1445 : i32 to index
          %get3A_1448 = arith.index_cast %get3A_1446 : i32 to index
          %get3A_1449 = arith.index_cast %add3A_1406 : i32 to index
          %get3A_1450 = tpu.vector_load %arg10[%get3A_1447, %get3A_1448, %get3A_1449] {strides = array<i32>} : memref<4x16x1024xf32, #tpu.memory_space<vmem>>, vector<16xf32>,
          %mul3A_1451 = arith.mulf %get3A_1450, %get3A_1412 : vector<16xf32>
          %add3A_1452 = arith.addf %scan3A_1389, %mul3A_1451 : vector<16xf32>
          %get3A_1453 = arith.constant 2 : i32
          %get3A_1454 = arith.constant 5 : i32
          %get3A_1455 = arith.index_cast %get3A_1453 : i32 to index
          %get3A_1456 = arith.index_cast %get3A_1454 : i32 to index
          %get3A_1457 = arith.index_cast %add3A_1406 : i32 to index
          %get3A_1458 = tpu.vector_load %arg10[%get3A_1455, %get3A_1456, %get3A_1457] {strides = array<i32>} : memref<4x16x1024xf32, #tpu.memory_space<vmem>>, vector<16xf32>,
          %mul3A_1459 = arith.mulf %get3A_1458, %get3A_1412 : vector<16xf32>
          %add3A_1460 = arith.addf %scan3A_1390, %mul3A_1459 : vector<16xf32>
          %get3A_1461 = arith.constant 2 : i32
          %get3A_1462 = arith.constant 6 : i32
          %get3A_1463 = arith.index_cast %get3A_1461 : i32 to index
          %get3A_1464 = arith.index_cast %get3A_1462 : i32 to index
          %get3A_1465 = arith.index_cast %add3A_1406 : i32 to index
          %get3A_1466 = tpu.vector_load %arg10[%get3A_1463, %get3A_1464, %get3A_1465] {strides = array<i32>} : memref<4x16x1024xf32, #tpu.memory_space<vmem>>, vector<16xf32>,
          %mul3A_1467 = arith.mulf %get3A_1466, %get3A_1412 : vector<16xf32>
          %add3A_1468 = arith.addf %scan3A_1391, %mul3A_1467 : vector<16xf32>
          %get3A_1469 = arith.constant 2 : i32
          %get3A_1470 = arith.constant 7 : i32
          %get3A_1471 = arith.index_cast %get3A_1469 : i32 to index
          %get3A_1472 = arith.index_cast %get3A_1470 : i32 to index
          %get3A_1473 = arith.index_cast %add3A_1406 : i32 to index
          %get3A_1474 = tpu.vector_load %arg10[%get3A_1471, %get3A_1472, %get3A_1473] {strides = array<i32>} : memref<4x16x1024xf32, #tpu.memory_space<vmem>>, vector<16xf32>,
          %mul3A_1475 = arith.mulf %get3A_1474, %get3A_1412 : vector<16xf32>
          %add3A_1476 = arith.addf %scan3A_1392, %mul3A_1475 : vector<16xf32>
          %get3A_1477 = arith.constant 2 : i32
          %get3A_1478 = arith.constant 8 : i32
          %get3A_1479 = arith.index_cast %get3A_1477 : i32 to index
          %get3A_1480 = arith.index_cast %get3A_1478 : i32 to index
          %get3A_1481 = arith.index_cast %add3A_1406 : i32 to index
          %get3A_1482 = tpu.vector_load %arg10[%get3A_1479, %get3A_1480, %get3A_1481] {strides = array<i32>} : memref<4x16x1024xf32, #tpu.memory_space<vmem>>, vector<16xf32>,
          %mul3A_1483 = arith.mulf %get3A_1482, %get3A_1412 : vector<16xf32>
          %add3A_1484 = arith.addf %scan3A_1393, %mul3A_1483 : vector<16xf32>
          %get3A_1485 = arith.constant 2 : i32
          %get3A_1486 = arith.constant 9 : i32
          %get3A_1487 = arith.index_cast %get3A_1485 : i32 to index
          %get3A_1488 = arith.index_cast %get3A_1486 : i32 to index
          %get3A_1489 = arith.index_cast %add3A_1406 : i32 to index
          %get3A_1490 = tpu.vector_load %arg10[%get3A_1487, %get3A_1488, %get3A_1489] {strides = array<i32>} : memref<4x16x1024xf32, #tpu.memory_space<vmem>>, vector<16xf32>,
          %mul3A_1491 = arith.mulf %get3A_1490, %get3A_1412 : vector<16xf32>
          %add3A_1492 = arith.addf %scan3A_1394, %mul3A_1491 : vector<16xf32>
          %get3A_1493 = arith.constant 2 : i32
          %get3A_1494 = arith.constant 10 : i32
          %get3A_1495 = arith.index_cast %get3A_1493 : i32 to index
          %get3A_1496 = arith.index_cast %get3A_1494 : i32 to index
          %get3A_1497 = arith.index_cast %add3A_1406 : i32 to index
          %get3A_1498 = tpu.vector_load %arg10[%get3A_1495, %get3A_1496, %get3A_1497] {strides = array<i32>} : memref<4x16x1024xf32, #tpu.memory_space<vmem>>, vector<16xf32>,
          %mul3A_1499 = arith.mulf %get3A_1498, %get3A_1412 : vector<16xf32>
          %add3A_1500 = arith.addf %scan3A_1395, %mul3A_1499 : vector<16xf32>
          %get3A_1501 = arith.constant 2 : i32
          %get3A_1502 = arith.constant 11 : i32
          %get3A_1503 = arith.index_cast %get3A_1501 : i32 to index
          %get3A_1504 = arith.index_cast %get3A_1502 : i32 to index
          %get3A_1505 = arith.index_cast %add3A_1406 : i32 to index
          %get3A_1506 = tpu.vector_load %arg10[%get3A_1503, %get3A_1504, %get3A_1505] {strides = array<i32>} : memref<4x16x1024xf32, #tpu.memory_space<vmem>>, vector<16xf32>,
          %mul3A_1507 = arith.mulf %get3A_1506, %get3A_1412 : vector<16xf32>
          %add3A_1508 = arith.addf %scan3A_1396, %mul3A_1507 : vector<16xf32>
          %get3A_1509 = arith.constant 2 : i32
          %get3A_1510 = arith.constant 12 : i32
          %get3A_1511 = arith.index_cast %get3A_1509 : i32 to index
          %get3A_1512 = arith.index_cast %get3A_1510 : i32 to index
          %get3A_1513 = arith.index_cast %add3A_1406 : i32 to index
          %get3A_1514 = tpu.vector_load %arg10[%get3A_1511, %get3A_1512, %get3A_1513] {strides = array<i32>} : memref<4x16x1024xf32, #tpu.memory_space<vmem>>, vector<16xf32>,
          %mul3A_1515 = arith.mulf %get3A_1514, %get3A_1412 : vector<16xf32>
          %add3A_1516 = arith.addf %scan3A_1397, %mul3A_1515 : vector<16xf32>
          %get3A_1517 = arith.constant 2 : i32
          %get3A_1518 = arith.constant 13 : i32
          %get3A_1519 = arith.index_cast %get3A_1517 : i32 to index
          %get3A_1520 = arith.index_cast %get3A_1518 : i32 to index
          %get3A_1521 = arith.index_cast %add3A_1406 : i32 to index
          %get3A_1522 = tpu.vector_load %arg10[%get3A_1519, %get3A_1520, %get3A_1521] {strides = array<i32>} : memref<4x16x1024xf32, #tpu.memory_space<vmem>>, vector<16xf32>,
          %mul3A_1523 = arith.mulf %get3A_1522, %get3A_1412 : vector<16xf32>
          %add3A_1524 = arith.addf %scan3A_1398, %mul3A_1523 : vector<16xf32>
          %get3A_1525 = arith.constant 2 : i32
          %get3A_1526 = arith.constant 14 : i32
          %get3A_1527 = arith.index_cast %get3A_1525 : i32 to index
          %get3A_1528 = arith.index_cast %get3A_1526 : i32 to index
          %get3A_1529 = arith.index_cast %add3A_1406 : i32 to index
          %get3A_1530 = tpu.vector_load %arg10[%get3A_1527, %get3A_1528, %get3A_1529] {strides = array<i32>} : memref<4x16x1024xf32, #tpu.memory_space<vmem>>, vector<16xf32>,
          %mul3A_1531 = arith.mulf %get3A_1530, %get3A_1412 : vector<16xf32>
          %add3A_1532 = arith.addf %scan3A_1399, %mul3A_1531 : vector<16xf32>
          %get3A_1533 = arith.constant 2 : i32
          %get3A_1534 = arith.constant 15 : i32
          %get3A_1535 = arith.index_cast %get3A_1533 : i32 to index
          %get3A_1536 = arith.index_cast %get3A_1534 : i32 to index
          %get3A_1537 = arith.index_cast %add3A_1406 : i32 to index
          %get3A_1538 = tpu.vector_load %arg10[%get3A_1535, %get3A_1536, %get3A_1537] {strides = array<i32>} : memref<4x16x1024xf32, #tpu.memory_space<vmem>>, vector<16xf32>,
          %mul3A_1539 = arith.mulf %get3A_1538, %get3A_1412 : vector<16xf32>
          %add3A_1540 = arith.addf %scan3A_1400, %mul3A_1539 : vector<16xf32>
          scf.yield %add3A_1420, %add3A_1428, %add3A_1436, %add3A_1444, %add3A_1452, %add3A_1460, %add3A_1468, %add3A_1476, %add3A_1484, %add3A_1492, %add3A_1500, %add3A_1508, %add3A_1516, %add3A_1524, %add3A_1532, %add3A_1540 : vector<16xf32>, vector<16xf32>, vector<16xf32>, vector<16xf32>, vector<16xf32>, vector<16xf32>, vector<16xf32>, vector<16xf32>, vector<16xf32>, vector<16xf32>, vector<16xf32>, vector<16xf32>, vector<16xf32>, vector<16xf32>, vector<16xf32>, vector<16xf32>
        }
        %scan3A_954 = arith.constant 64 : i32
        %swap3A_955 = arith.constant 0 : index
        %swap3A_956 = tpu.vector_load %arg11[%swap3A_955] {strides = array<i32>} : memref<256xf32, #tpu.memory_space<vmem>>, vector<16xf32>,
        tpu.vector_store %arg11[%swap3A_955], %scan3A_953#0 {strides = array<i32>} : memref<256xf32, #tpu.memory_space<vmem>>, vector<16xf32>,
        %swap3A_957 = arith.constant 16 : index
        %swap3A_958 = tpu.vector_load %arg11[%swap3A_957] {strides = array<i32>} : memref<256xf32, #tpu.memory_space<vmem>>, vector<16xf32>,
        tpu.vector_store %arg11[%swap3A_957], %scan3A_953#1 {strides = array<i32>} : memref<256xf32, #tpu.memory_space<vmem>>, vector<16xf32>,
        %swap3A_959 = arith.constant 32 : index
        %swap3A_960 = tpu.vector_load %arg11[%swap3A_959] {strides = array<i32>} : memref<256xf32, #tpu.memory_space<vmem>>, vector<16xf32>,
        tpu.vector_store %arg11[%swap3A_959], %scan3A_953#2 {strides = array<i32>} : memref<256xf32, #tpu.memory_space<vmem>>, vector<16xf32>,
        %swap3A_961 = arith.constant 48 : index
        %swap3A_962 = tpu.vector_load %arg11[%swap3A_961] {strides = array<i32>} : memref<256xf32, #tpu.memory_space<vmem>>, vector<16xf32>,
        tpu.vector_store %arg11[%swap3A_961], %scan3A_953#3 {strides = array<i32>} : memref<256xf32, #tpu.memory_space<vmem>>, vector<16xf32>,
        %swap3A_963 = arith.constant 64 : index
        %swap3A_964 = tpu.vector_load %arg11[%swap3A_963] {strides = array<i32>} : memref<256xf32, #tpu.memory_space<vmem>>, vector<16xf32>,
        tpu.vector_store %arg11[%swap3A_963], %scan3A_953#4 {strides = array<i32>} : memref<256xf32, #tpu.memory_space<vmem>>, vector<16xf32>,
        %swap3A_965 = arith.constant 80 : index
        %swap3A_966 = tpu.vector_load %arg11[%swap3A_965] {strides = array<i32>} : memref<256xf32, #tpu.memory_space<vmem>>, vector<16xf32>,
        tpu.vector_store %arg11[%swap3A_965], %scan3A_953#5 {strides = array<i32>} : memref<256xf32, #tpu.memory_space<vmem>>, vector<16xf32>,
        %swap3A_967 = arith.constant 96 : index
        %swap3A_968 = tpu.vector_load %arg11[%swap3A_967] {strides = array<i32>} : memref<256xf32, #tpu.memory_space<vmem>>, vector<16xf32>,
        tpu.vector_store %arg11[%swap3A_967], %scan3A_953#6 {strides = array<i32>} : memref<256xf32, #tpu.memory_space<vmem>>, vector<16xf32>,
        %swap3A_969 = arith.constant 112 : index
        %swap3A_970 = tpu.vector_load %arg11[%swap3A_969] {strides = array<i32>} : memref<256xf32, #tpu.memory_space<vmem>>, vector<16xf32>,
        tpu.vector_store %arg11[%swap3A_969], %scan3A_953#7 {strides = array<i32>} : memref<256xf32, #tpu.memory_space<vmem>>, vector<16xf32>,
        %swap3A_971 = arith.constant 128 : index
        %swap3A_972 = tpu.vector_load %arg11[%swap3A_971] {strides = array<i32>} : memref<256xf32, #tpu.memory_space<vmem>>, vector<16xf32>,
        tpu.vector_store %arg11[%swap3A_971], %scan3A_953#8 {strides = array<i32>} : memref<256xf32, #tpu.memory_space<vmem>>, vector<16xf32>,
        %swap3A_973 = arith.constant 144 : index
        %swap3A_974 = tpu.vector_load %arg11[%swap3A_973] {strides = array<i32>} : memref<256xf32, #tpu.memory_space<vmem>>, vector<16xf32>,
        tpu.vector_store %arg11[%swap3A_973], %scan3A_953#9 {strides = array<i32>} : memref<256xf32, #tpu.memory_space<vmem>>, vector<16xf32>,
        %swap3A_975 = arith.constant 160 : index
        %swap3A_976 = tpu.vector_load %arg11[%swap3A_975] {strides = array<i32>} : memref<256xf32, #tpu.memory_space<vmem>>, vector<16xf32>,
        tpu.vector_store %arg11[%swap3A_975], %scan3A_953#10 {strides = array<i32>} : memref<256xf32, #tpu.memory_space<vmem>>, vector<16xf32>,
        %swap3A_977 = arith.constant 176 : index
        %swap3A_978 = tpu.vector_load %arg11[%swap3A_977] {strides = array<i32>} : memref<256xf32, #tpu.memory_space<vmem>>, vector<16xf32>,
        tpu.vector_store %arg11[%swap3A_977], %scan3A_953#11 {strides = array<i32>} : memref<256xf32, #tpu.memory_space<vmem>>, vector<16xf32>,
        %swap3A_979 = arith.constant 192 : index
        %swap3A_980 = tpu.vector_load %arg11[%swap3A_979] {strides = array<i32>} : memref<256xf32, #tpu.memory_space<vmem>>, vector<16xf32>,
        tpu.vector_store %arg11[%swap3A_979], %scan3A_953#12 {strides = array<i32>} : memref<256xf32, #tpu.memory_space<vmem>>, vector<16xf32>,
        %swap3A_981 = arith.constant 208 : index
        %swap3A_982 = tpu.vector_load %arg11[%swap3A_981] {strides = array<i32>} : memref<256xf32, #tpu.memory_space<vmem>>, vector<16xf32>,
        tpu.vector_store %arg11[%swap3A_981], %scan3A_953#13 {strides = array<i32>} : memref<256xf32, #tpu.memory_space<vmem>>, vector<16xf32>,
        %swap3A_983 = arith.constant 224 : index
        %swap3A_984 = tpu.vector_load %arg11[%swap3A_983] {strides = array<i32>} : memref<256xf32, #tpu.memory_space<vmem>>, vector<16xf32>,
        tpu.vector_store %arg11[%swap3A_983], %scan3A_953#14 {strides = array<i32>} : memref<256xf32, #tpu.memory_space<vmem>>, vector<16xf32>,
        %swap3A_985 = arith.constant 240 : index
        %swap3A_986 = tpu.vector_load %arg11[%swap3A_985] {strides = array<i32>} : memref<256xf32, #tpu.memory_space<vmem>>, vector<16xf32>,
        tpu.vector_store %arg11[%swap3A_985], %scan3A_953#15 {strides = array<i32>} : memref<256xf32, #tpu.memory_space<vmem>>, vector<16xf32>,
        %mul3A_987 = arith.constant 16 : i32
        %mul3A_988 = vector.broadcast %mul3A_987 : i32 to vector<16xi32>
        %mul3A_989 = arith.muli %iota3A, %mul3A_988 : vector<16xi32>
        %gather3A_990 = tpu.vector_load_idx %arg11[%mul3A_989] : memref<256xf32, #tpu.memory_space<vmem>>[vector<16xi32>], vector<16xf32>,
        %mul3A_991 = arith.constant 16 : i32
        %mul3A_992 = vector.broadcast %mul3A_991 : i32 to vector<16xi32>
        %mul3A_993 = arith.muli %iota3A, %mul3A_992 : vector<16xi32>
        %add3A_994 = arith.constant 1 : i32
        %add3A_995 = vector.broadcast %add3A_994 : i32 to vector<16xi32>
        %add3A_996 = arith.addi %mul3A_993, %add3A_995 : vector<16xi32>
        %gather3A_997 = tpu.vector_load_idx %arg11[%add3A_996] : memref<256xf32, #tpu.memory_space<vmem>>[vector<16xi32>], vector<16xf32>,
        %add3A_998 = arith.addf %gather3A_990, %gather3A_997 : vector<16xf32>
        %mul3A_999 = arith.constant 16 : i32
        %mul3A_1000 = vector.broadcast %mul3A_999 : i32 to vector<16xi32>
        %mul3A_1001 = arith.muli %iota3A, %mul3A_1000 : vector<16xi32>
        %add3A_1002 = arith.constant 2 : i32
        %add3A_1003 = vector.broadcast %add3A_1002 : i32 to vector<16xi32>
        %add3A_1004 = arith.addi %mul3A_1001, %add3A_1003 : vector<16xi32>
        %gather3A_1005 = tpu.vector_load_idx %arg11[%add3A_1004] : memref<256xf32, #tpu.memory_space<vmem>>[vector<16xi32>], vector<16xf32>,
        %add3A_1006 = arith.addf %add3A_998, %gather3A_1005 : vector<16xf32>
        %mul3A_1007 = arith.constant 16 : i32
        %mul3A_1008 = vector.broadcast %mul3A_1007 : i32 to vector<16xi32>
        %mul3A_1009 = arith.muli %iota3A, %mul3A_1008 : vector<16xi32>
        %add3A_1010 = arith.constant 3 : i32
        %add3A_1011 = vector.broadcast %add3A_1010 : i32 to vector<16xi32>
        %add3A_1012 = arith.addi %mul3A_1009, %add3A_1011 : vector<16xi32>
        %gather3A_1013 = tpu.vector_load_idx %arg11[%add3A_1012] : memref<256xf32, #tpu.memory_space<vmem>>[vector<16xi32>], vector<16xf32>,
        %add3A_1014 = arith.addf %add3A_1006, %gather3A_1013 : vector<16xf32>
        %mul3A_1015 = arith.constant 16 : i32
        %mul3A_1016 = vector.broadcast %mul3A_1015 : i32 to vector<16xi32>
        %mul3A_1017 = arith.muli %iota3A, %mul3A_1016 : vector<16xi32>
        %add3A_1018 = arith.constant 4 : i32
        %add3A_1019 = vector.broadcast %add3A_1018 : i32 to vector<16xi32>
        %add3A_1020 = arith.addi %mul3A_1017, %add3A_1019 : vector<16xi32>
        %gather3A_1021 = tpu.vector_load_idx %arg11[%add3A_1020] : memref<256xf32, #tpu.memory_space<vmem>>[vector<16xi32>], vector<16xf32>,
        %add3A_1022 = arith.addf %add3A_1014, %gather3A_1021 : vector<16xf32>
        %mul3A_1023 = arith.constant 16 : i32
        %mul3A_1024 = vector.broadcast %mul3A_1023 : i32 to vector<16xi32>
        %mul3A_1025 = arith.muli %iota3A, %mul3A_1024 : vector<16xi32>
        %add3A_1026 = arith.constant 5 : i32
        %add3A_1027 = vector.broadcast %add3A_1026 : i32 to vector<16xi32>
        %add3A_1028 = arith.addi %mul3A_1025, %add3A_1027 : vector<16xi32>
        %gather3A_1029 = tpu.vector_load_idx %arg11[%add3A_1028] : memref<256xf32, #tpu.memory_space<vmem>>[vector<16xi32>], vector<16xf32>,
        %add3A_1030 = arith.addf %add3A_1022, %gather3A_1029 : vector<16xf32>
        %mul3A_1031 = arith.constant 16 : i32
        %mul3A_1032 = vector.broadcast %mul3A_1031 : i32 to vector<16xi32>
        %mul3A_1033 = arith.muli %iota3A, %mul3A_1032 : vector<16xi32>
        %add3A_1034 = arith.constant 6 : i32
        %add3A_1035 = vector.broadcast %add3A_1034 : i32 to vector<16xi32>
        %add3A_1036 = arith.addi %mul3A_1033, %add3A_1035 : vector<16xi32>
        %gather3A_1037 = tpu.vector_load_idx %arg11[%add3A_1036] : memref<256xf32, #tpu.memory_space<vmem>>[vector<16xi32>], vector<16xf32>,
        %add3A_1038 = arith.addf %add3A_1030, %gather3A_1037 : vector<16xf32>
        %mul3A_1039 = arith.constant 16 : i32
        %mul3A_1040 = vector.broadcast %mul3A_1039 : i32 to vector<16xi32>
        %mul3A_1041 = arith.muli %iota3A, %mul3A_1040 : vector<16xi32>
        %add3A_1042 = arith.constant 7 : i32
        %add3A_1043 = vector.broadcast %add3A_1042 : i32 to vector<16xi32>
        %add3A_1044 = arith.addi %mul3A_1041, %add3A_1043 : vector<16xi32>
        %gather3A_1045 = tpu.vector_load_idx %arg11[%add3A_1044] : memref<256xf32, #tpu.memory_space<vmem>>[vector<16xi32>], vector<16xf32>,
        %add3A_1046 = arith.addf %add3A_1038, %gather3A_1045 : vector<16xf32>
        %mul3A_1047 = arith.constant 16 : i32
        %mul3A_1048 = vector.broadcast %mul3A_1047 : i32 to vector<16xi32>
        %mul3A_1049 = arith.muli %iota3A, %mul3A_1048 : vector<16xi32>
        %add3A_1050 = arith.constant 8 : i32
        %add3A_1051 = vector.broadcast %add3A_1050 : i32 to vector<16xi32>
        %add3A_1052 = arith.addi %mul3A_1049, %add3A_1051 : vector<16xi32>
        %gather3A_1053 = tpu.vector_load_idx %arg11[%add3A_1052] : memref<256xf32, #tpu.memory_space<vmem>>[vector<16xi32>], vector<16xf32>,
        %add3A_1054 = arith.addf %add3A_1046, %gather3A_1053 : vector<16xf32>
        %mul3A_1055 = arith.constant 16 : i32
        %mul3A_1056 = vector.broadcast %mul3A_1055 : i32 to vector<16xi32>
        %mul3A_1057 = arith.muli %iota3A, %mul3A_1056 : vector<16xi32>
        %add3A_1058 = arith.constant 9 : i32
        %add3A_1059 = vector.broadcast %add3A_1058 : i32 to vector<16xi32>
        %add3A_1060 = arith.addi %mul3A_1057, %add3A_1059 : vector<16xi32>
        %gather3A_1061 = tpu.vector_load_idx %arg11[%add3A_1060] : memref<256xf32, #tpu.memory_space<vmem>>[vector<16xi32>], vector<16xf32>,
        %add3A_1062 = arith.addf %add3A_1054, %gather3A_1061 : vector<16xf32>
        %mul3A_1063 = arith.constant 16 : i32
        %mul3A_1064 = vector.broadcast %mul3A_1063 : i32 to vector<16xi32>
        %mul3A_1065 = arith.muli %iota3A, %mul3A_1064 : vector<16xi32>
        %add3A_1066 = arith.constant 10 : i32
        %add3A_1067 = vector.broadcast %add3A_1066 : i32 to vector<16xi32>
        %add3A_1068 = arith.addi %mul3A_1065, %add3A_1067 : vector<16xi32>
        %gather3A_1069 = tpu.vector_load_idx %arg11[%add3A_1068] : memref<256xf32, #tpu.memory_space<vmem>>[vector<16xi32>], vector<16xf32>,
        %add3A_1070 = arith.addf %add3A_1062, %gather3A_1069 : vector<16xf32>
        %mul3A_1071 = arith.constant 16 : i32
        %mul3A_1072 = vector.broadcast %mul3A_1071 : i32 to vector<16xi32>
        %mul3A_1073 = arith.muli %iota3A, %mul3A_1072 : vector<16xi32>
        %add3A_1074 = arith.constant 11 : i32
        %add3A_1075 = vector.broadcast %add3A_1074 : i32 to vector<16xi32>
        %add3A_1076 = arith.addi %mul3A_1073, %add3A_1075 : vector<16xi32>
        %gather3A_1077 = tpu.vector_load_idx %arg11[%add3A_1076] : memref<256xf32, #tpu.memory_space<vmem>>[vector<16xi32>], vector<16xf32>,
        %add3A_1078 = arith.addf %add3A_1070, %gather3A_1077 : vector<16xf32>
        %mul3A_1079 = arith.constant 16 : i32
        %mul3A_1080 = vector.broadcast %mul3A_1079 : i32 to vector<16xi32>
        %mul3A_1081 = arith.muli %iota3A, %mul3A_1080 : vector<16xi32>
        %add3A_1082 = arith.constant 12 : i32
        %add3A_1083 = vector.broadcast %add3A_1082 : i32 to vector<16xi32>
        %add3A_1084 = arith.addi %mul3A_1081, %add3A_1083 : vector<16xi32>
        %gather3A_1085 = tpu.vector_load_idx %arg11[%add3A_1084] : memref<256xf32, #tpu.memory_space<vmem>>[vector<16xi32>], vector<16xf32>,
        %add3A_1086 = arith.addf %add3A_1078, %gather3A_1085 : vector<16xf32>
        %mul3A_1087 = arith.constant 16 : i32
        %mul3A_1088 = vector.broadcast %mul3A_1087 : i32 to vector<16xi32>
        %mul3A_1089 = arith.muli %iota3A, %mul3A_1088 : vector<16xi32>
        %add3A_1090 = arith.constant 13 : i32
        %add3A_1091 = vector.broadcast %add3A_1090 : i32 to vector<16xi32>
        %add3A_1092 = arith.addi %mul3A_1089, %add3A_1091 : vector<16xi32>
        %gather3A_1093 = tpu.vector_load_idx %arg11[%add3A_1092] : memref<256xf32, #tpu.memory_space<vmem>>[vector<16xi32>], vector<16xf32>,
        %add3A_1094 = arith.addf %add3A_1086, %gather3A_1093 : vector<16xf32>
        %mul3A_1095 = arith.constant 16 : i32
        %mul3A_1096 = vector.broadcast %mul3A_1095 : i32 to vector<16xi32>
        %mul3A_1097 = arith.muli %iota3A, %mul3A_1096 : vector<16xi32>
        %add3A_1098 = arith.constant 14 : i32
        %add3A_1099 = vector.broadcast %add3A_1098 : i32 to vector<16xi32>
        %add3A_1100 = arith.addi %mul3A_1097, %add3A_1099 : vector<16xi32>
        %gather3A_1101 = tpu.vector_load_idx %arg11[%add3A_1100] : memref<256xf32, #tpu.memory_space<vmem>>[vector<16xi32>], vector<16xf32>,
        %add3A_1102 = arith.addf %add3A_1094, %gather3A_1101 : vector<16xf32>
        %mul3A_1103 = arith.constant 16 : i32
        %mul3A_1104 = vector.broadcast %mul3A_1103 : i32 to vector<16xi32>
        %mul3A_1105 = arith.muli %iota3A, %mul3A_1104 : vector<16xi32>
        %add3A_1106 = arith.constant 15 : i32
        %add3A_1107 = vector.broadcast %add3A_1106 : i32 to vector<16xi32>
        %add3A_1108 = arith.addi %mul3A_1105, %add3A_1107 : vector<16xi32>
        %gather3A_1109 = tpu.vector_load_idx %arg11[%add3A_1108] : memref<256xf32, #tpu.memory_space<vmem>>[vector<16xi32>], vector<16xf32>,
        %add3A_1110 = arith.addf %add3A_1102, %gather3A_1109 : vector<16xf32>
        %mul3A_1111 = arith.constant 128 : i32
        %mul3A_1112 = arith.muli %select_n3A_948, %mul3A_1111 : i32
        %add3A_1113 = arith.constant 1 : i32
        %add3A_1114 = arith.addi %mul3A_1112, %add3A_1113 : i32
        %jit3A_1115 = arith.constant 4 : i32
        %eq3A_1116 = arith.constant 0 : i32
        %eq3A_1117 = arith.cmpi eq, %jit3A_1115, %eq3A_1116 : i32
        %jit3A_1118 = arith.constant 1 : i32
        %select_n3A_1119 = arith.select %eq3A_1117, %jit3A_1118, %jit3A_1115 : i32
        %rem3A_1120 = arith.remsi %add3A_906, %select_n3A_1119 : i32
        %ne3A_1121 = arith.constant 0 : i32
        %ne3A_1122 = arith.cmpi ne, %rem3A_1120, %ne3A_1121 : i32
        %lt3A_1123 = arith.constant 0 : i32
        %lt3A_1124 = arith.cmpi slt, %rem3A_1120, %lt3A_1123 : i32
        %lt3A_1125 = arith.constant 0 : i32
        %lt3A_1126 = arith.cmpi slt, %select_n3A_1119, %lt3A_1125 : i32
        %ne3A_1127 = arith.xori %lt3A_1124, %lt3A_1126 : i1
        %and3A_1128 = arith.andi %ne3A_1127, %ne3A_1122 : i1
        %add3A_1129 = arith.addi %rem3A_1120, %select_n3A_1119 : i32
        %select_n3A_1130 = arith.select %and3A_1128, %add3A_1129, %rem3A_1120 : i32
        %mul3A_1131 = arith.constant 16 : i32
        %mul3A_1132 = arith.muli %select_n3A_1130, %mul3A_1131 : i32
        %add3A_1133 = arith.addi %add3A_1114, %mul3A_1132 : i32
        %swap3A_1134 = arith.index_cast %add3A_1133 : i32 to index
        %swap3A_1135 = tpu.vector_load %arg12[%swap3A_1134] {strides = array<i32>} : memref<2048xf32, #tpu.memory_space<vmem>>, vector<16xf32>,
        tpu.vector_store %arg12[%swap3A_1134], %add3A_1110 {strides = array<i32>} : memref<2048xf32, #tpu.memory_space<vmem>>, vector<16xf32>,
        %add3A_1136 = arith.constant 4 : i32
        %add3A_1137 = arith.addi %add3A_906, %add3A_1136 : i32
        %lt3A_1138 = arith.constant 64 : i32
        %lt3A_1139 = arith.cmpi slt, %add3A_1137, %lt3A_1138 : i32
        %convert_element_type3A_1140 = arith.extui %lt3A_1139 : i1 to i32
        %cond3A_1141 = arith.constant 0 : i32
        %cond3A_1142 = arith.cmpi ne, %convert_element_type3A_1140, %cond3A_1141 : i32
        scf.if %cond3A_1142 {
          %add3A_1384 = arith.constant 4 : i32
          %add3A_1385 = arith.addi %add3A_906, %add3A_1384 : i32
          %dma_start3A_1386 = arith.constant 2 : i32
          %dma_start3A_1387 = arith.constant 2 : i32
          %dma_start3A_1388 = arith.constant 0 : i32
          %dma_start3A_1389 = arith.constant 0 : i32
          %dma_start3A_1390 = tpu.memref_slice %arg10[%dma_start3A_1386, %dma_start3A_1388, %dma_start3A_1389] : memref<4x16x1024xf32, #tpu.memory_space<vmem>> -> memref<1x16x1024xf32, #tpu.memory_space<vmem>>
          %dma_start3A_1391 = tpu.memref_squeeze %dma_start3A_1390 : memref<1x16x1024xf32, #tpu.memory_space<vmem>> -> memref<16x1024xf32, #tpu.memory_space<vmem>>
          %dma_start3A_1392 = arith.constant 0 : i32
          %dma_start3A_1393 = arith.constant 0 : i32
          %dma_start3A_1394 = tpu.memref_slice %arg8[%select_n3A_88, %dma_start3A_1392, %dma_start3A_1393] : memref<2x64x16xi32, #tpu.memory_space<vmem>> -> memref<1x64x16xi32, #tpu.memory_space<vmem>>
          %dma_start3A_1395 = tpu.memref_squeeze %dma_start3A_1394 : memref<1x64x16xi32, #tpu.memory_space<vmem>> -> memref<64x16xi32, #tpu.memory_space<vmem>>
          %dma_start3A_1396 = arith.constant 0 : i32
          %dma_start3A_1397 = tpu.memref_slice %dma_start3A_1395[%add3A_1385, %dma_start3A_1396] : memref<64x16xi32, #tpu.memory_space<vmem>> -> memref<1x16xi32, #tpu.memory_space<vmem>>
          %dma_start3A_1398 = tpu.memref_squeeze %dma_start3A_1397 : memref<1x16xi32, #tpu.memory_space<vmem>> -> memref<16xi32, #tpu.memory_space<vmem>>
          %dma_start3A_1399 = arith.constant 0 : i32
          %dma_start3A_1400 = arith.constant 0 : i32
          %dma_start3A_1401 = tpu.memref_slice %arg5[%dma_start3A_1399, %dma_start3A_1400] : memref<100000x1024xf32, #tpu.memory_space<hbm>> -> memref<100000x1024xf32, #tpu.memory_space<hbm>>
          %dma_start3A_1402 = tpu.memref_slice %arg13[%dma_start3A_1387] : memref<4x!tpu.dma_semaphore, #tpu.memory_space<semaphore_mem>> -> memref<1x!tpu.dma_semaphore, #tpu.memory_space<semaphore_mem>>
          %dma_start3A_1403 = tpu.memref_squeeze %dma_start3A_1402 : memref<1x!tpu.dma_semaphore, #tpu.memory_space<semaphore_mem>> -> memref<!tpu.dma_semaphore, #tpu.memory_space<semaphore_mem>>
          tpu.enqueue_indirect_dma source(%dma_start3A_1401 : memref<100000x1024xf32, #tpu.memory_space<hbm>>) target(%dma_start3A_1391 : memref<16x1024xf32, #tpu.memory_space<vmem>>) offsets(%dma_start3A_1398 : memref<16xi32, #tpu.memory_space<vmem>>) semaphore(%dma_start3A_1403 : memref<!tpu.dma_semaphore, #tpu.memory_space<semaphore_mem>>)
        } else {
        }
        %mul3A_1143 = arith.constant 4 : i32
        %mul3A_1144 = arith.muli %scan3A_424, %mul3A_1143 : i32
        %add3A_1145 = arith.constant 3 : i32
        %add3A_1146 = arith.addi %mul3A_1144, %add3A_1145 : i32
        %dma_wait3A_1147 = arith.constant 3 : i32
        %dma_wait3A_1148 = arith.constant 3 : i32
        %dma_wait3A_1149 = arith.constant 0 : i32
        %dma_wait3A_1150 = arith.constant 0 : i32
        %dma_wait3A_1151 = tpu.memref_slice %arg10[%dma_wait3A_1147, %dma_wait3A_1149, %dma_wait3A_1150] : memref<4x16x1024xf32, #tpu.memory_space<vmem>> -> memref<1x16x1024xf32, #tpu.memory_space<vmem>>
        %dma_wait3A_1152 = tpu.memref_squeeze %dma_wait3A_1151 : memref<1x16x1024xf32, #tpu.memory_space<vmem>> -> memref<16x1024xf32, #tpu.memory_space<vmem>>
        %dma_wait3A_1153 = arith.constant 0 : i32
        %dma_wait3A_1154 = arith.constant 0 : i32
        %dma_wait3A_1155 = tpu.memref_slice %arg8[%select_n3A_88, %dma_wait3A_1153, %dma_wait3A_1154] : memref<2x64x16xi32, #tpu.memory_space<vmem>> -> memref<1x64x16xi32, #tpu.memory_space<vmem>>
        %dma_wait3A_1156 = tpu.memref_squeeze %dma_wait3A_1155 : memref<1x64x16xi32, #tpu.memory_space<vmem>> -> memref<64x16xi32, #tpu.memory_space<vmem>>
        %dma_wait3A_1157 = arith.constant 0 : i32
        %dma_wait3A_1158 = tpu.memref_slice %dma_wait3A_1156[%add3A_1146, %dma_wait3A_1157] : memref<64x16xi32, #tpu.memory_space<vmem>> -> memref<1x16xi32, #tpu.memory_space<vmem>>
        %dma_wait3A_1159 = tpu.memref_squeeze %dma_wait3A_1158 : memref<1x16xi32, #tpu.memory_space<vmem>> -> memref<16xi32, #tpu.memory_space<vmem>>
        %dma_wait3A_1160 = arith.constant 0 : i32
        %dma_wait3A_1161 = arith.constant 0 : i32
        %dma_wait3A_1162 = tpu.memref_slice %arg5[%dma_wait3A_1160, %dma_wait3A_1161] : memref<100000x1024xf32, #tpu.memory_space<hbm>> -> memref<100000x1024xf32, #tpu.memory_space<hbm>>
        %dma_wait3A_1163 = tpu.memref_slice %arg13[%dma_wait3A_1148] : memref<4x!tpu.dma_semaphore, #tpu.memory_space<semaphore_mem>> -> memref<1x!tpu.dma_semaphore, #tpu.memory_space<semaphore_mem>>
        %dma_wait3A_1164 = tpu.memref_squeeze %dma_wait3A_1163 : memref<1x!tpu.dma_semaphore, #tpu.memory_space<semaphore_mem>> -> memref<!tpu.dma_semaphore, #tpu.memory_space<semaphore_mem>>
        tpu.wait_indirect_dma semaphore(%dma_wait3A_1164 : memref<!tpu.dma_semaphore, #tpu.memory_space<semaphore_mem>>) src(%dma_wait3A_1162 : memref<100000x1024xf32, #tpu.memory_space<hbm>>) dst(%dma_wait3A_1152 : memref<16x1024xf32, #tpu.memory_space<vmem>>)
        %jit3A_1165 = arith.constant 4 : i32
        %div3A_1166 = arith.divsi %add3A_1146, %jit3A_1165 : i32
        %sign3A_1167 = arith.constant 0 : i32
        %sign3A_1168 = arith.cmpi sgt, %add3A_1146, %sign3A_1167 : i32
        %sign3A_1169 = arith.extui %sign3A_1168 : i1 to i32
        %sign3A_1170 = arith.constant 0 : i32
        %sign3A_1171 = arith.cmpi slt, %add3A_1146, %sign3A_1170 : i32
        %sign3A_1172 = arith.extui %sign3A_1171 : i1 to i32
        %sign3A_1173 = arith.subi %sign3A_1169, %sign3A_1172 : i32
        %sign3A_1174 = arith.constant 0 : i32
        %sign3A_1175 = arith.cmpi sgt, %jit3A_1165, %sign3A_1174 : i32
        %sign3A_1176 = arith.extui %sign3A_1175 : i1 to i32
        %sign3A_1177 = arith.constant 0 : i32
        %sign3A_1178 = arith.cmpi slt, %jit3A_1165, %sign3A_1177 : i32
        %sign3A_1179 = arith.extui %sign3A_1178 : i1 to i32
        %sign3A_1180 = arith.subi %sign3A_1176, %sign3A_1179 : i32
        %ne3A_1181 = arith.cmpi ne, %sign3A_1173, %sign3A_1180 : i32
        %rem3A_1182 = arith.remsi %add3A_1146, %jit3A_1165 : i32
        %ne3A_1183 = arith.constant 0 : i32
        %ne3A_1184 = arith.cmpi ne, %rem3A_1182, %ne3A_1183 : i32
        %and3A_1185 = arith.andi %ne3A_1181, %ne3A_1184 : i1
        %sub3A_1186 = arith.constant 1 : i32
        %sub3A_1187 = arith.subi %div3A_1166, %sub3A_1186 : i32
        %select_n3A_1188 = arith.select %and3A_1185, %sub3A_1187, %div3A_1166 : i32
        %scan3A_1189 = arith.constant 0 : i32
        %scan3A_1190 = arith.constant 64 : i32
        %scan3A_1191 = arith.addi %scan3A_1189, %scan3A_1190 : i32
        %scan3A_1192 = arith.constant 1 : i32
        %scan3A_1193:16 = scf.for %scan3A_1384 = %scan3A_1189 to %scan3A_1191 step %scan3A_1192 iter_args(%scan3A_1385 = %broadcast_in_dim3A_1, %scan3A_1386 = %broadcast_in_dim3A_3, %scan3A_1387 = %broadcast_in_dim3A_5, %scan3A_1388 = %broadcast_in_dim3A_7, %scan3A_1389 = %broadcast_in_dim3A_9, %scan3A_1390 = %broadcast_in_dim3A_11, %scan3A_1391 = %broadcast_in_dim3A_13, %scan3A_1392 = %broadcast_in_dim3A_15, %scan3A_1393 = %broadcast_in_dim3A_17, %scan3A_1394 = %broadcast_in_dim3A_19, %scan3A_1395 = %broadcast_in_dim3A_21, %scan3A_1396 = %broadcast_in_dim3A_23, %scan3A_1397 = %broadcast_in_dim3A_25, %scan3A_1398 = %broadcast_in_dim3A_27, %scan3A_1399 = %broadcast_in_dim3A_29, %scan3A_1400 = %broadcast_in_dim3A_31) -> (vector<16xf32>, vector<16xf32>, vector<16xf32>, vector<16xf32>, vector<16xf32>, vector<16xf32>, vector<16xf32>, vector<16xf32>, vector<16xf32>, vector<16xf32>, vector<16xf32>, vector<16xf32>, vector<16xf32>, vector<16xf32>, vector<16xf32>, vector<16xf32>)  : i32 {
          %mul3A_1401 = arith.constant 1 : i32
          %mul3A_1402 = arith.muli %scan3A_1384, %mul3A_1401 : i32
          %mul3A_1403 = arith.constant 16 : i32
          %mul3A_1404 = arith.muli %mul3A_1402, %mul3A_1403 : i32
          %add3A_1405 = arith.constant 0 : i32
          %add3A_1406 = arith.addi %mul3A_1404, %add3A_1405 : i32
          %get3A = arith.constant 0 : i32
          %get3A_1407 = arith.constant 0 : i32
          %get3A_1408 = tpu.memref_slice %arg7[%select_n3A_88, %get3A, %get3A_1407] : memref<2x16x1024xf32, #tpu.memory_space<vmem>> -> memref<1x16x1024xf32, #tpu.memory_space<vmem>>
          %get3A_1409 = tpu.memref_squeeze %get3A_1408 : memref<1x16x1024xf32, #tpu.memory_space<vmem>> -> memref<16x1024xf32, #tpu.memory_space<vmem>>
          %get3A_1410 = arith.index_cast %select_n3A_1188 : i32 to index
          %get3A_1411 = arith.index_cast %add3A_1406 : i32 to index
          %get3A_1412 = tpu.vector_load %get3A_1409[%get3A_1410, %get3A_1411] {strides = array<i32>} : memref<16x1024xf32, #tpu.memory_space<vmem>>, vector<16xf32>,
          %get3A_1413 = arith.constant 3 : i32
          %get3A_1414 = arith.constant 0 : i32
          %get3A_1415 = arith.index_cast %get3A_1413 : i32 to index
          %get3A_1416 = arith.index_cast %get3A_1414 : i32 to index
          %get3A_1417 = arith.index_cast %add3A_1406 : i32 to index
          %get3A_1418 = tpu.vector_load %arg10[%get3A_1415, %get3A_1416, %get3A_1417] {strides = array<i32>} : memref<4x16x1024xf32, #tpu.memory_space<vmem>>, vector<16xf32>,
          %mul3A_1419 = arith.mulf %get3A_1418, %get3A_1412 : vector<16xf32>
          %add3A_1420 = arith.addf %scan3A_1385, %mul3A_1419 : vector<16xf32>
          %get3A_1421 = arith.constant 3 : i32
          %get3A_1422 = arith.constant 1 : i32
          %get3A_1423 = arith.index_cast %get3A_1421 : i32 to index
          %get3A_1424 = arith.index_cast %get3A_1422 : i32 to index
          %get3A_1425 = arith.index_cast %add3A_1406 : i32 to index
          %get3A_1426 = tpu.vector_load %arg10[%get3A_1423, %get3A_1424, %get3A_1425] {strides = array<i32>} : memref<4x16x1024xf32, #tpu.memory_space<vmem>>, vector<16xf32>,
          %mul3A_1427 = arith.mulf %get3A_1426, %get3A_1412 : vector<16xf32>
          %add3A_1428 = arith.addf %scan3A_1386, %mul3A_1427 : vector<16xf32>
          %get3A_1429 = arith.constant 3 : i32
          %get3A_1430 = arith.constant 2 : i32
          %get3A_1431 = arith.index_cast %get3A_1429 : i32 to index
          %get3A_1432 = arith.index_cast %get3A_1430 : i32 to index
          %get3A_1433 = arith.index_cast %add3A_1406 : i32 to index
          %get3A_1434 = tpu.vector_load %arg10[%get3A_1431, %get3A_1432, %get3A_1433] {strides = array<i32>} : memref<4x16x1024xf32, #tpu.memory_space<vmem>>, vector<16xf32>,
          %mul3A_1435 = arith.mulf %get3A_1434, %get3A_1412 : vector<16xf32>
          %add3A_1436 = arith.addf %scan3A_1387, %mul3A_1435 : vector<16xf32>
          %get3A_1437 = arith.constant 3 : i32
          %get3A_1438 = arith.constant 3 : i32
          %get3A_1439 = arith.index_cast %get3A_1437 : i32 to index
          %get3A_1440 = arith.index_cast %get3A_1438 : i32 to index
          %get3A_1441 = arith.index_cast %add3A_1406 : i32 to index
          %get3A_1442 = tpu.vector_load %arg10[%get3A_1439, %get3A_1440, %get3A_1441] {strides = array<i32>} : memref<4x16x1024xf32, #tpu.memory_space<vmem>>, vector<16xf32>,
          %mul3A_1443 = arith.mulf %get3A_1442, %get3A_1412 : vector<16xf32>
          %add3A_1444 = arith.addf %scan3A_1388, %mul3A_1443 : vector<16xf32>
          %get3A_1445 = arith.constant 3 : i32
          %get3A_1446 = arith.constant 4 : i32
          %get3A_1447 = arith.index_cast %get3A_1445 : i32 to index
          %get3A_1448 = arith.index_cast %get3A_1446 : i32 to index
          %get3A_1449 = arith.index_cast %add3A_1406 : i32 to index
          %get3A_1450 = tpu.vector_load %arg10[%get3A_1447, %get3A_1448, %get3A_1449] {strides = array<i32>} : memref<4x16x1024xf32, #tpu.memory_space<vmem>>, vector<16xf32>,
          %mul3A_1451 = arith.mulf %get3A_1450, %get3A_1412 : vector<16xf32>
          %add3A_1452 = arith.addf %scan3A_1389, %mul3A_1451 : vector<16xf32>
          %get3A_1453 = arith.constant 3 : i32
          %get3A_1454 = arith.constant 5 : i32
          %get3A_1455 = arith.index_cast %get3A_1453 : i32 to index
          %get3A_1456 = arith.index_cast %get3A_1454 : i32 to index
          %get3A_1457 = arith.index_cast %add3A_1406 : i32 to index
          %get3A_1458 = tpu.vector_load %arg10[%get3A_1455, %get3A_1456, %get3A_1457] {strides = array<i32>} : memref<4x16x1024xf32, #tpu.memory_space<vmem>>, vector<16xf32>,
          %mul3A_1459 = arith.mulf %get3A_1458, %get3A_1412 : vector<16xf32>
          %add3A_1460 = arith.addf %scan3A_1390, %mul3A_1459 : vector<16xf32>
          %get3A_1461 = arith.constant 3 : i32
          %get3A_1462 = arith.constant 6 : i32
          %get3A_1463 = arith.index_cast %get3A_1461 : i32 to index
          %get3A_1464 = arith.index_cast %get3A_1462 : i32 to index
          %get3A_1465 = arith.index_cast %add3A_1406 : i32 to index
          %get3A_1466 = tpu.vector_load %arg10[%get3A_1463, %get3A_1464, %get3A_1465] {strides = array<i32>} : memref<4x16x1024xf32, #tpu.memory_space<vmem>>, vector<16xf32>,
          %mul3A_1467 = arith.mulf %get3A_1466, %get3A_1412 : vector<16xf32>
          %add3A_1468 = arith.addf %scan3A_1391, %mul3A_1467 : vector<16xf32>
          %get3A_1469 = arith.constant 3 : i32
          %get3A_1470 = arith.constant 7 : i32
          %get3A_1471 = arith.index_cast %get3A_1469 : i32 to index
          %get3A_1472 = arith.index_cast %get3A_1470 : i32 to index
          %get3A_1473 = arith.index_cast %add3A_1406 : i32 to index
          %get3A_1474 = tpu.vector_load %arg10[%get3A_1471, %get3A_1472, %get3A_1473] {strides = array<i32>} : memref<4x16x1024xf32, #tpu.memory_space<vmem>>, vector<16xf32>,
          %mul3A_1475 = arith.mulf %get3A_1474, %get3A_1412 : vector<16xf32>
          %add3A_1476 = arith.addf %scan3A_1392, %mul3A_1475 : vector<16xf32>
          %get3A_1477 = arith.constant 3 : i32
          %get3A_1478 = arith.constant 8 : i32
          %get3A_1479 = arith.index_cast %get3A_1477 : i32 to index
          %get3A_1480 = arith.index_cast %get3A_1478 : i32 to index
          %get3A_1481 = arith.index_cast %add3A_1406 : i32 to index
          %get3A_1482 = tpu.vector_load %arg10[%get3A_1479, %get3A_1480, %get3A_1481] {strides = array<i32>} : memref<4x16x1024xf32, #tpu.memory_space<vmem>>, vector<16xf32>,
          %mul3A_1483 = arith.mulf %get3A_1482, %get3A_1412 : vector<16xf32>
          %add3A_1484 = arith.addf %scan3A_1393, %mul3A_1483 : vector<16xf32>
          %get3A_1485 = arith.constant 3 : i32
          %get3A_1486 = arith.constant 9 : i32
          %get3A_1487 = arith.index_cast %get3A_1485 : i32 to index
          %get3A_1488 = arith.index_cast %get3A_1486 : i32 to index
          %get3A_1489 = arith.index_cast %add3A_1406 : i32 to index
          %get3A_1490 = tpu.vector_load %arg10[%get3A_1487, %get3A_1488, %get3A_1489] {strides = array<i32>} : memref<4x16x1024xf32, #tpu.memory_space<vmem>>, vector<16xf32>,
          %mul3A_1491 = arith.mulf %get3A_1490, %get3A_1412 : vector<16xf32>
          %add3A_1492 = arith.addf %scan3A_1394, %mul3A_1491 : vector<16xf32>
          %get3A_1493 = arith.constant 3 : i32
          %get3A_1494 = arith.constant 10 : i32
          %get3A_1495 = arith.index_cast %get3A_1493 : i32 to index
          %get3A_1496 = arith.index_cast %get3A_1494 : i32 to index
          %get3A_1497 = arith.index_cast %add3A_1406 : i32 to index
          %get3A_1498 = tpu.vector_load %arg10[%get3A_1495, %get3A_1496, %get3A_1497] {strides = array<i32>} : memref<4x16x1024xf32, #tpu.memory_space<vmem>>, vector<16xf32>,
          %mul3A_1499 = arith.mulf %get3A_1498, %get3A_1412 : vector<16xf32>
          %add3A_1500 = arith.addf %scan3A_1395, %mul3A_1499 : vector<16xf32>
          %get3A_1501 = arith.constant 3 : i32
          %get3A_1502 = arith.constant 11 : i32
          %get3A_1503 = arith.index_cast %get3A_1501 : i32 to index
          %get3A_1504 = arith.index_cast %get3A_1502 : i32 to index
          %get3A_1505 = arith.index_cast %add3A_1406 : i32 to index
          %get3A_1506 = tpu.vector_load %arg10[%get3A_1503, %get3A_1504, %get3A_1505] {strides = array<i32>} : memref<4x16x1024xf32, #tpu.memory_space<vmem>>, vector<16xf32>,
          %mul3A_1507 = arith.mulf %get3A_1506, %get3A_1412 : vector<16xf32>
          %add3A_1508 = arith.addf %scan3A_1396, %mul3A_1507 : vector<16xf32>
          %get3A_1509 = arith.constant 3 : i32
          %get3A_1510 = arith.constant 12 : i32
          %get3A_1511 = arith.index_cast %get3A_1509 : i32 to index
          %get3A_1512 = arith.index_cast %get3A_1510 : i32 to index
          %get3A_1513 = arith.index_cast %add3A_1406 : i32 to index
          %get3A_1514 = tpu.vector_load %arg10[%get3A_1511, %get3A_1512, %get3A_1513] {strides = array<i32>} : memref<4x16x1024xf32, #tpu.memory_space<vmem>>, vector<16xf32>,
          %mul3A_1515 = arith.mulf %get3A_1514, %get3A_1412 : vector<16xf32>
          %add3A_1516 = arith.addf %scan3A_1397, %mul3A_1515 : vector<16xf32>
          %get3A_1517 = arith.constant 3 : i32
          %get3A_1518 = arith.constant 13 : i32
          %get3A_1519 = arith.index_cast %get3A_1517 : i32 to index
          %get3A_1520 = arith.index_cast %get3A_1518 : i32 to index
          %get3A_1521 = arith.index_cast %add3A_1406 : i32 to index
          %get3A_1522 = tpu.vector_load %arg10[%get3A_1519, %get3A_1520, %get3A_1521] {strides = array<i32>} : memref<4x16x1024xf32, #tpu.memory_space<vmem>>, vector<16xf32>,
          %mul3A_1523 = arith.mulf %get3A_1522, %get3A_1412 : vector<16xf32>
          %add3A_1524 = arith.addf %scan3A_1398, %mul3A_1523 : vector<16xf32>
          %get3A_1525 = arith.constant 3 : i32
          %get3A_1526 = arith.constant 14 : i32
          %get3A_1527 = arith.index_cast %get3A_1525 : i32 to index
          %get3A_1528 = arith.index_cast %get3A_1526 : i32 to index
          %get3A_1529 = arith.index_cast %add3A_1406 : i32 to index
          %get3A_1530 = tpu.vector_load %arg10[%get3A_1527, %get3A_1528, %get3A_1529] {strides = array<i32>} : memref<4x16x1024xf32, #tpu.memory_space<vmem>>, vector<16xf32>,
          %mul3A_1531 = arith.mulf %get3A_1530, %get3A_1412 : vector<16xf32>
          %add3A_1532 = arith.addf %scan3A_1399, %mul3A_1531 : vector<16xf32>
          %get3A_1533 = arith.constant 3 : i32
          %get3A_1534 = arith.constant 15 : i32
          %get3A_1535 = arith.index_cast %get3A_1533 : i32 to index
          %get3A_1536 = arith.index_cast %get3A_1534 : i32 to index
          %get3A_1537 = arith.index_cast %add3A_1406 : i32 to index
          %get3A_1538 = tpu.vector_load %arg10[%get3A_1535, %get3A_1536, %get3A_1537] {strides = array<i32>} : memref<4x16x1024xf32, #tpu.memory_space<vmem>>, vector<16xf32>,
          %mul3A_1539 = arith.mulf %get3A_1538, %get3A_1412 : vector<16xf32>
          %add3A_1540 = arith.addf %scan3A_1400, %mul3A_1539 : vector<16xf32>
          scf.yield %add3A_1420, %add3A_1428, %add3A_1436, %add3A_1444, %add3A_1452, %add3A_1460, %add3A_1468, %add3A_1476, %add3A_1484, %add3A_1492, %add3A_1500, %add3A_1508, %add3A_1516, %add3A_1524, %add3A_1532, %add3A_1540 : vector<16xf32>, vector<16xf32>, vector<16xf32>, vector<16xf32>, vector<16xf32>, vector<16xf32>, vector<16xf32>, vector<16xf32>, vector<16xf32>, vector<16xf32>, vector<16xf32>, vector<16xf32>, vector<16xf32>, vector<16xf32>, vector<16xf32>, vector<16xf32>
        }
        %scan3A_1194 = arith.constant 64 : i32
        %swap3A_1195 = arith.constant 0 : index
        %swap3A_1196 = tpu.vector_load %arg11[%swap3A_1195] {strides = array<i32>} : memref<256xf32, #tpu.memory_space<vmem>>, vector<16xf32>,
        tpu.vector_store %arg11[%swap3A_1195], %scan3A_1193#0 {strides = array<i32>} : memref<256xf32, #tpu.memory_space<vmem>>, vector<16xf32>,
        %swap3A_1197 = arith.constant 16 : index
        %swap3A_1198 = tpu.vector_load %arg11[%swap3A_1197] {strides = array<i32>} : memref<256xf32, #tpu.memory_space<vmem>>, vector<16xf32>,
        tpu.vector_store %arg11[%swap3A_1197], %scan3A_1193#1 {strides = array<i32>} : memref<256xf32, #tpu.memory_space<vmem>>, vector<16xf32>,
        %swap3A_1199 = arith.constant 32 : index
        %swap3A_1200 = tpu.vector_load %arg11[%swap3A_1199] {strides = array<i32>} : memref<256xf32, #tpu.memory_space<vmem>>, vector<16xf32>,
        tpu.vector_store %arg11[%swap3A_1199], %scan3A_1193#2 {strides = array<i32>} : memref<256xf32, #tpu.memory_space<vmem>>, vector<16xf32>,
        %swap3A_1201 = arith.constant 48 : index
        %swap3A_1202 = tpu.vector_load %arg11[%swap3A_1201] {strides = array<i32>} : memref<256xf32, #tpu.memory_space<vmem>>, vector<16xf32>,
        tpu.vector_store %arg11[%swap3A_1201], %scan3A_1193#3 {strides = array<i32>} : memref<256xf32, #tpu.memory_space<vmem>>, vector<16xf32>,
        %swap3A_1203 = arith.constant 64 : index
        %swap3A_1204 = tpu.vector_load %arg11[%swap3A_1203] {strides = array<i32>} : memref<256xf32, #tpu.memory_space<vmem>>, vector<16xf32>,
        tpu.vector_store %arg11[%swap3A_1203], %scan3A_1193#4 {strides = array<i32>} : memref<256xf32, #tpu.memory_space<vmem>>, vector<16xf32>,
        %swap3A_1205 = arith.constant 80 : index
        %swap3A_1206 = tpu.vector_load %arg11[%swap3A_1205] {strides = array<i32>} : memref<256xf32, #tpu.memory_space<vmem>>, vector<16xf32>,
        tpu.vector_store %arg11[%swap3A_1205], %scan3A_1193#5 {strides = array<i32>} : memref<256xf32, #tpu.memory_space<vmem>>, vector<16xf32>,
        %swap3A_1207 = arith.constant 96 : index
        %swap3A_1208 = tpu.vector_load %arg11[%swap3A_1207] {strides = array<i32>} : memref<256xf32, #tpu.memory_space<vmem>>, vector<16xf32>,
        tpu.vector_store %arg11[%swap3A_1207], %scan3A_1193#6 {strides = array<i32>} : memref<256xf32, #tpu.memory_space<vmem>>, vector<16xf32>,
        %swap3A_1209 = arith.constant 112 : index
        %swap3A_1210 = tpu.vector_load %arg11[%swap3A_1209] {strides = array<i32>} : memref<256xf32, #tpu.memory_space<vmem>>, vector<16xf32>,
        tpu.vector_store %arg11[%swap3A_1209], %scan3A_1193#7 {strides = array<i32>} : memref<256xf32, #tpu.memory_space<vmem>>, vector<16xf32>,
        %swap3A_1211 = arith.constant 128 : index
        %swap3A_1212 = tpu.vector_load %arg11[%swap3A_1211] {strides = array<i32>} : memref<256xf32, #tpu.memory_space<vmem>>, vector<16xf32>,
        tpu.vector_store %arg11[%swap3A_1211], %scan3A_1193#8 {strides = array<i32>} : memref<256xf32, #tpu.memory_space<vmem>>, vector<16xf32>,
        %swap3A_1213 = arith.constant 144 : index
        %swap3A_1214 = tpu.vector_load %arg11[%swap3A_1213] {strides = array<i32>} : memref<256xf32, #tpu.memory_space<vmem>>, vector<16xf32>,
        tpu.vector_store %arg11[%swap3A_1213], %scan3A_1193#9 {strides = array<i32>} : memref<256xf32, #tpu.memory_space<vmem>>, vector<16xf32>,
        %swap3A_1215 = arith.constant 160 : index
        %swap3A_1216 = tpu.vector_load %arg11[%swap3A_1215] {strides = array<i32>} : memref<256xf32, #tpu.memory_space<vmem>>, vector<16xf32>,
        tpu.vector_store %arg11[%swap3A_1215], %scan3A_1193#10 {strides = array<i32>} : memref<256xf32, #tpu.memory_space<vmem>>, vector<16xf32>,
        %swap3A_1217 = arith.constant 176 : index
        %swap3A_1218 = tpu.vector_load %arg11[%swap3A_1217] {strides = array<i32>} : memref<256xf32, #tpu.memory_space<vmem>>, vector<16xf32>,
        tpu.vector_store %arg11[%swap3A_1217], %scan3A_1193#11 {strides = array<i32>} : memref<256xf32, #tpu.memory_space<vmem>>, vector<16xf32>,
        %swap3A_1219 = arith.constant 192 : index
        %swap3A_1220 = tpu.vector_load %arg11[%swap3A_1219] {strides = array<i32>} : memref<256xf32, #tpu.memory_space<vmem>>, vector<16xf32>,
        tpu.vector_store %arg11[%swap3A_1219], %scan3A_1193#12 {strides = array<i32>} : memref<256xf32, #tpu.memory_space<vmem>>, vector<16xf32>,
        %swap3A_1221 = arith.constant 208 : index
        %swap3A_1222 = tpu.vector_load %arg11[%swap3A_1221] {strides = array<i32>} : memref<256xf32, #tpu.memory_space<vmem>>, vector<16xf32>,
        tpu.vector_store %arg11[%swap3A_1221], %scan3A_1193#13 {strides = array<i32>} : memref<256xf32, #tpu.memory_space<vmem>>, vector<16xf32>,
        %swap3A_1223 = arith.constant 224 : index
        %swap3A_1224 = tpu.vector_load %arg11[%swap3A_1223] {strides = array<i32>} : memref<256xf32, #tpu.memory_space<vmem>>, vector<16xf32>,
        tpu.vector_store %arg11[%swap3A_1223], %scan3A_1193#14 {strides = array<i32>} : memref<256xf32, #tpu.memory_space<vmem>>, vector<16xf32>,
        %swap3A_1225 = arith.constant 240 : index
        %swap3A_1226 = tpu.vector_load %arg11[%swap3A_1225] {strides = array<i32>} : memref<256xf32, #tpu.memory_space<vmem>>, vector<16xf32>,
        tpu.vector_store %arg11[%swap3A_1225], %scan3A_1193#15 {strides = array<i32>} : memref<256xf32, #tpu.memory_space<vmem>>, vector<16xf32>,
        %mul3A_1227 = arith.constant 16 : i32
        %mul3A_1228 = vector.broadcast %mul3A_1227 : i32 to vector<16xi32>
        %mul3A_1229 = arith.muli %iota3A, %mul3A_1228 : vector<16xi32>
        %gather3A_1230 = tpu.vector_load_idx %arg11[%mul3A_1229] : memref<256xf32, #tpu.memory_space<vmem>>[vector<16xi32>], vector<16xf32>,
        %mul3A_1231 = arith.constant 16 : i32
        %mul3A_1232 = vector.broadcast %mul3A_1231 : i32 to vector<16xi32>
        %mul3A_1233 = arith.muli %iota3A, %mul3A_1232 : vector<16xi32>
        %add3A_1234 = arith.constant 1 : i32
        %add3A_1235 = vector.broadcast %add3A_1234 : i32 to vector<16xi32>
        %add3A_1236 = arith.addi %mul3A_1233, %add3A_1235 : vector<16xi32>
        %gather3A_1237 = tpu.vector_load_idx %arg11[%add3A_1236] : memref<256xf32, #tpu.memory_space<vmem>>[vector<16xi32>], vector<16xf32>,
        %add3A_1238 = arith.addf %gather3A_1230, %gather3A_1237 : vector<16xf32>
        %mul3A_1239 = arith.constant 16 : i32
        %mul3A_1240 = vector.broadcast %mul3A_1239 : i32 to vector<16xi32>
        %mul3A_1241 = arith.muli %iota3A, %mul3A_1240 : vector<16xi32>
        %add3A_1242 = arith.constant 2 : i32
        %add3A_1243 = vector.broadcast %add3A_1242 : i32 to vector<16xi32>
        %add3A_1244 = arith.addi %mul3A_1241, %add3A_1243 : vector<16xi32>
        %gather3A_1245 = tpu.vector_load_idx %arg11[%add3A_1244] : memref<256xf32, #tpu.memory_space<vmem>>[vector<16xi32>], vector<16xf32>,
        %add3A_1246 = arith.addf %add3A_1238, %gather3A_1245 : vector<16xf32>
        %mul3A_1247 = arith.constant 16 : i32
        %mul3A_1248 = vector.broadcast %mul3A_1247 : i32 to vector<16xi32>
        %mul3A_1249 = arith.muli %iota3A, %mul3A_1248 : vector<16xi32>
        %add3A_1250 = arith.constant 3 : i32
        %add3A_1251 = vector.broadcast %add3A_1250 : i32 to vector<16xi32>
        %add3A_1252 = arith.addi %mul3A_1249, %add3A_1251 : vector<16xi32>
        %gather3A_1253 = tpu.vector_load_idx %arg11[%add3A_1252] : memref<256xf32, #tpu.memory_space<vmem>>[vector<16xi32>], vector<16xf32>,
        %add3A_1254 = arith.addf %add3A_1246, %gather3A_1253 : vector<16xf32>
        %mul3A_1255 = arith.constant 16 : i32
        %mul3A_1256 = vector.broadcast %mul3A_1255 : i32 to vector<16xi32>
        %mul3A_1257 = arith.muli %iota3A, %mul3A_1256 : vector<16xi32>
        %add3A_1258 = arith.constant 4 : i32
        %add3A_1259 = vector.broadcast %add3A_1258 : i32 to vector<16xi32>
        %add3A_1260 = arith.addi %mul3A_1257, %add3A_1259 : vector<16xi32>
        %gather3A_1261 = tpu.vector_load_idx %arg11[%add3A_1260] : memref<256xf32, #tpu.memory_space<vmem>>[vector<16xi32>], vector<16xf32>,
        %add3A_1262 = arith.addf %add3A_1254, %gather3A_1261 : vector<16xf32>
        %mul3A_1263 = arith.constant 16 : i32
        %mul3A_1264 = vector.broadcast %mul3A_1263 : i32 to vector<16xi32>
        %mul3A_1265 = arith.muli %iota3A, %mul3A_1264 : vector<16xi32>
        %add3A_1266 = arith.constant 5 : i32
        %add3A_1267 = vector.broadcast %add3A_1266 : i32 to vector<16xi32>
        %add3A_1268 = arith.addi %mul3A_1265, %add3A_1267 : vector<16xi32>
        %gather3A_1269 = tpu.vector_load_idx %arg11[%add3A_1268] : memref<256xf32, #tpu.memory_space<vmem>>[vector<16xi32>], vector<16xf32>,
        %add3A_1270 = arith.addf %add3A_1262, %gather3A_1269 : vector<16xf32>
        %mul3A_1271 = arith.constant 16 : i32
        %mul3A_1272 = vector.broadcast %mul3A_1271 : i32 to vector<16xi32>
        %mul3A_1273 = arith.muli %iota3A, %mul3A_1272 : vector<16xi32>
        %add3A_1274 = arith.constant 6 : i32
        %add3A_1275 = vector.broadcast %add3A_1274 : i32 to vector<16xi32>
        %add3A_1276 = arith.addi %mul3A_1273, %add3A_1275 : vector<16xi32>
        %gather3A_1277 = tpu.vector_load_idx %arg11[%add3A_1276] : memref<256xf32, #tpu.memory_space<vmem>>[vector<16xi32>], vector<16xf32>,
        %add3A_1278 = arith.addf %add3A_1270, %gather3A_1277 : vector<16xf32>
        %mul3A_1279 = arith.constant 16 : i32
        %mul3A_1280 = vector.broadcast %mul3A_1279 : i32 to vector<16xi32>
        %mul3A_1281 = arith.muli %iota3A, %mul3A_1280 : vector<16xi32>
        %add3A_1282 = arith.constant 7 : i32
        %add3A_1283 = vector.broadcast %add3A_1282 : i32 to vector<16xi32>
        %add3A_1284 = arith.addi %mul3A_1281, %add3A_1283 : vector<16xi32>
        %gather3A_1285 = tpu.vector_load_idx %arg11[%add3A_1284] : memref<256xf32, #tpu.memory_space<vmem>>[vector<16xi32>], vector<16xf32>,
        %add3A_1286 = arith.addf %add3A_1278, %gather3A_1285 : vector<16xf32>
        %mul3A_1287 = arith.constant 16 : i32
        %mul3A_1288 = vector.broadcast %mul3A_1287 : i32 to vector<16xi32>
        %mul3A_1289 = arith.muli %iota3A, %mul3A_1288 : vector<16xi32>
        %add3A_1290 = arith.constant 8 : i32
        %add3A_1291 = vector.broadcast %add3A_1290 : i32 to vector<16xi32>
        %add3A_1292 = arith.addi %mul3A_1289, %add3A_1291 : vector<16xi32>
        %gather3A_1293 = tpu.vector_load_idx %arg11[%add3A_1292] : memref<256xf32, #tpu.memory_space<vmem>>[vector<16xi32>], vector<16xf32>,
        %add3A_1294 = arith.addf %add3A_1286, %gather3A_1293 : vector<16xf32>
        %mul3A_1295 = arith.constant 16 : i32
        %mul3A_1296 = vector.broadcast %mul3A_1295 : i32 to vector<16xi32>
        %mul3A_1297 = arith.muli %iota3A, %mul3A_1296 : vector<16xi32>
        %add3A_1298 = arith.constant 9 : i32
        %add3A_1299 = vector.broadcast %add3A_1298 : i32 to vector<16xi32>
        %add3A_1300 = arith.addi %mul3A_1297, %add3A_1299 : vector<16xi32>
        %gather3A_1301 = tpu.vector_load_idx %arg11[%add3A_1300] : memref<256xf32, #tpu.memory_space<vmem>>[vector<16xi32>], vector<16xf32>,
        %add3A_1302 = arith.addf %add3A_1294, %gather3A_1301 : vector<16xf32>
        %mul3A_1303 = arith.constant 16 : i32
        %mul3A_1304 = vector.broadcast %mul3A_1303 : i32 to vector<16xi32>
        %mul3A_1305 = arith.muli %iota3A, %mul3A_1304 : vector<16xi32>
        %add3A_1306 = arith.constant 10 : i32
        %add3A_1307 = vector.broadcast %add3A_1306 : i32 to vector<16xi32>
        %add3A_1308 = arith.addi %mul3A_1305, %add3A_1307 : vector<16xi32>
        %gather3A_1309 = tpu.vector_load_idx %arg11[%add3A_1308] : memref<256xf32, #tpu.memory_space<vmem>>[vector<16xi32>], vector<16xf32>,
        %add3A_1310 = arith.addf %add3A_1302, %gather3A_1309 : vector<16xf32>
        %mul3A_1311 = arith.constant 16 : i32
        %mul3A_1312 = vector.broadcast %mul3A_1311 : i32 to vector<16xi32>
        %mul3A_1313 = arith.muli %iota3A, %mul3A_1312 : vector<16xi32>
        %add3A_1314 = arith.constant 11 : i32
        %add3A_1315 = vector.broadcast %add3A_1314 : i32 to vector<16xi32>
        %add3A_1316 = arith.addi %mul3A_1313, %add3A_1315 : vector<16xi32>
        %gather3A_1317 = tpu.vector_load_idx %arg11[%add3A_1316] : memref<256xf32, #tpu.memory_space<vmem>>[vector<16xi32>], vector<16xf32>,
        %add3A_1318 = arith.addf %add3A_1310, %gather3A_1317 : vector<16xf32>
        %mul3A_1319 = arith.constant 16 : i32
        %mul3A_1320 = vector.broadcast %mul3A_1319 : i32 to vector<16xi32>
        %mul3A_1321 = arith.muli %iota3A, %mul3A_1320 : vector<16xi32>
        %add3A_1322 = arith.constant 12 : i32
        %add3A_1323 = vector.broadcast %add3A_1322 : i32 to vector<16xi32>
        %add3A_1324 = arith.addi %mul3A_1321, %add3A_1323 : vector<16xi32>
        %gather3A_1325 = tpu.vector_load_idx %arg11[%add3A_1324] : memref<256xf32, #tpu.memory_space<vmem>>[vector<16xi32>], vector<16xf32>,
        %add3A_1326 = arith.addf %add3A_1318, %gather3A_1325 : vector<16xf32>
        %mul3A_1327 = arith.constant 16 : i32
        %mul3A_1328 = vector.broadcast %mul3A_1327 : i32 to vector<16xi32>
        %mul3A_1329 = arith.muli %iota3A, %mul3A_1328 : vector<16xi32>
        %add3A_1330 = arith.constant 13 : i32
        %add3A_1331 = vector.broadcast %add3A_1330 : i32 to vector<16xi32>
        %add3A_1332 = arith.addi %mul3A_1329, %add3A_1331 : vector<16xi32>
        %gather3A_1333 = tpu.vector_load_idx %arg11[%add3A_1332] : memref<256xf32, #tpu.memory_space<vmem>>[vector<16xi32>], vector<16xf32>,
        %add3A_1334 = arith.addf %add3A_1326, %gather3A_1333 : vector<16xf32>
        %mul3A_1335 = arith.constant 16 : i32
        %mul3A_1336 = vector.broadcast %mul3A_1335 : i32 to vector<16xi32>
        %mul3A_1337 = arith.muli %iota3A, %mul3A_1336 : vector<16xi32>
        %add3A_1338 = arith.constant 14 : i32
        %add3A_1339 = vector.broadcast %add3A_1338 : i32 to vector<16xi32>
        %add3A_1340 = arith.addi %mul3A_1337, %add3A_1339 : vector<16xi32>
        %gather3A_1341 = tpu.vector_load_idx %arg11[%add3A_1340] : memref<256xf32, #tpu.memory_space<vmem>>[vector<16xi32>], vector<16xf32>,
        %add3A_1342 = arith.addf %add3A_1334, %gather3A_1341 : vector<16xf32>
        %mul3A_1343 = arith.constant 16 : i32
        %mul3A_1344 = vector.broadcast %mul3A_1343 : i32 to vector<16xi32>
        %mul3A_1345 = arith.muli %iota3A, %mul3A_1344 : vector<16xi32>
        %add3A_1346 = arith.constant 15 : i32
        %add3A_1347 = vector.broadcast %add3A_1346 : i32 to vector<16xi32>
        %add3A_1348 = arith.addi %mul3A_1345, %add3A_1347 : vector<16xi32>
        %gather3A_1349 = tpu.vector_load_idx %arg11[%add3A_1348] : memref<256xf32, #tpu.memory_space<vmem>>[vector<16xi32>], vector<16xf32>,
        %add3A_1350 = arith.addf %add3A_1342, %gather3A_1349 : vector<16xf32>
        %mul3A_1351 = arith.constant 128 : i32
        %mul3A_1352 = arith.muli %select_n3A_1188, %mul3A_1351 : i32
        %add3A_1353 = arith.constant 1 : i32
        %add3A_1354 = arith.addi %mul3A_1352, %add3A_1353 : i32
        %jit3A_1355 = arith.constant 4 : i32
        %eq3A_1356 = arith.constant 0 : i32
        %eq3A_1357 = arith.cmpi eq, %jit3A_1355, %eq3A_1356 : i32
        %jit3A_1358 = arith.constant 1 : i32
        %select_n3A_1359 = arith.select %eq3A_1357, %jit3A_1358, %jit3A_1355 : i32
        %rem3A_1360 = arith.remsi %add3A_1146, %select_n3A_1359 : i32
        %ne3A_1361 = arith.constant 0 : i32
        %ne3A_1362 = arith.cmpi ne, %rem3A_1360, %ne3A_1361 : i32
        %lt3A_1363 = arith.constant 0 : i32
        %lt3A_1364 = arith.cmpi slt, %rem3A_1360, %lt3A_1363 : i32
        %lt3A_1365 = arith.constant 0 : i32
        %lt3A_1366 = arith.cmpi slt, %select_n3A_1359, %lt3A_1365 : i32
        %ne3A_1367 = arith.xori %lt3A_1364, %lt3A_1366 : i1
        %and3A_1368 = arith.andi %ne3A_1367, %ne3A_1362 : i1
        %add3A_1369 = arith.addi %rem3A_1360, %select_n3A_1359 : i32
        %select_n3A_1370 = arith.select %and3A_1368, %add3A_1369, %rem3A_1360 : i32
        %mul3A_1371 = arith.constant 16 : i32
        %mul3A_1372 = arith.muli %select_n3A_1370, %mul3A_1371 : i32
        %add3A_1373 = arith.addi %add3A_1354, %mul3A_1372 : i32
        %swap3A_1374 = arith.index_cast %add3A_1373 : i32 to index
        %swap3A_1375 = tpu.vector_load %arg12[%swap3A_1374] {strides = array<i32>} : memref<2048xf32, #tpu.memory_space<vmem>>, vector<16xf32>,
        tpu.vector_store %arg12[%swap3A_1374], %add3A_1350 {strides = array<i32>} : memref<2048xf32, #tpu.memory_space<vmem>>, vector<16xf32>,
        %add3A_1376 = arith.constant 4 : i32
        %add3A_1377 = arith.addi %add3A_1146, %add3A_1376 : i32
        %lt3A_1378 = arith.constant 64 : i32
        %lt3A_1379 = arith.cmpi slt, %add3A_1377, %lt3A_1378 : i32
        %convert_element_type3A_1380 = arith.extui %lt3A_1379 : i1 to i32
        %cond3A_1381 = arith.constant 0 : i32
        %cond3A_1382 = arith.cmpi ne, %convert_element_type3A_1380, %cond3A_1381 : i32
        scf.if %cond3A_1382 {
          %add3A_1384 = arith.constant 4 : i32
          %add3A_1385 = arith.addi %add3A_1146, %add3A_1384 : i32
          %dma_start3A_1386 = arith.constant 3 : i32
          %dma_start3A_1387 = arith.constant 3 : i32
          %dma_start3A_1388 = arith.constant 0 : i32
          %dma_start3A_1389 = arith.constant 0 : i32
          %dma_start3A_1390 = tpu.memref_slice %arg10[%dma_start3A_1386, %dma_start3A_1388, %dma_start3A_1389] : memref<4x16x1024xf32, #tpu.memory_space<vmem>> -> memref<1x16x1024xf32, #tpu.memory_space<vmem>>
          %dma_start3A_1391 = tpu.memref_squeeze %dma_start3A_1390 : memref<1x16x1024xf32, #tpu.memory_space<vmem>> -> memref<16x1024xf32, #tpu.memory_space<vmem>>
          %dma_start3A_1392 = arith.constant 0 : i32
          %dma_start3A_1393 = arith.constant 0 : i32
          %dma_start3A_1394 = tpu.memref_slice %arg8[%select_n3A_88, %dma_start3A_1392, %dma_start3A_1393] : memref<2x64x16xi32, #tpu.memory_space<vmem>> -> memref<1x64x16xi32, #tpu.memory_space<vmem>>
          %dma_start3A_1395 = tpu.memref_squeeze %dma_start3A_1394 : memref<1x64x16xi32, #tpu.memory_space<vmem>> -> memref<64x16xi32, #tpu.memory_space<vmem>>
          %dma_start3A_1396 = arith.constant 0 : i32
          %dma_start3A_1397 = tpu.memref_slice %dma_start3A_1395[%add3A_1385, %dma_start3A_1396] : memref<64x16xi32, #tpu.memory_space<vmem>> -> memref<1x16xi32, #tpu.memory_space<vmem>>
          %dma_start3A_1398 = tpu.memref_squeeze %dma_start3A_1397 : memref<1x16xi32, #tpu.memory_space<vmem>> -> memref<16xi32, #tpu.memory_space<vmem>>
          %dma_start3A_1399 = arith.constant 0 : i32
          %dma_start3A_1400 = arith.constant 0 : i32
          %dma_start3A_1401 = tpu.memref_slice %arg5[%dma_start3A_1399, %dma_start3A_1400] : memref<100000x1024xf32, #tpu.memory_space<hbm>> -> memref<100000x1024xf32, #tpu.memory_space<hbm>>
          %dma_start3A_1402 = tpu.memref_slice %arg13[%dma_start3A_1387] : memref<4x!tpu.dma_semaphore, #tpu.memory_space<semaphore_mem>> -> memref<1x!tpu.dma_semaphore, #tpu.memory_space<semaphore_mem>>
          %dma_start3A_1403 = tpu.memref_squeeze %dma_start3A_1402 : memref<1x!tpu.dma_semaphore, #tpu.memory_space<semaphore_mem>> -> memref<!tpu.dma_semaphore, #tpu.memory_space<semaphore_mem>>
          tpu.enqueue_indirect_dma source(%dma_start3A_1401 : memref<100000x1024xf32, #tpu.memory_space<hbm>>) target(%dma_start3A_1391 : memref<16x1024xf32, #tpu.memory_space<vmem>>) offsets(%dma_start3A_1398 : memref<16xi32, #tpu.memory_space<vmem>>) semaphore(%dma_start3A_1403 : memref<!tpu.dma_semaphore, #tpu.memory_space<semaphore_mem>>)
        } else {
        }
        %scan3A_1383 = arith.constant 0 : i32
        scf.yield %scan3A_1383 : i32
      }
      %scan3A_420 = arith.constant 16 : i32
      %mul3A_421 = arith.constant 128 : i32
      %mul3A_422 = arith.muli %add3A_93, %mul3A_421 : i32
      "tpu.region"() ({
        %run_scoped3A = tpu.sem_alloc : memref<!tpu.dma_semaphore, #tpu.memory_space<semaphore_mem>>
        %dma_start3A_424 = tpu.memref_slice %arg6[%mul3A_422] : memref<524288xf32, #tpu.memory_space<hbm>> -> memref<2048xf32, #tpu.memory_space<hbm>>
        %dma_start3A_425 = tpu.memref_slice %arg6[%mul3A_422] : memref<524288xf32, #tpu.memory_space<hbm>> -> memref<2048xf32, #tpu.memory_space<hbm>>
        tpu.enqueue_dma source(%arg12 : memref<2048xf32, #tpu.memory_space<vmem>>) target(%dma_start3A_425 : memref<2048xf32, #tpu.memory_space<hbm>>) target_semaphore(%run_scoped3A : memref<!tpu.dma_semaphore, #tpu.memory_space<semaphore_mem>>)
        %dma_wait3A_426 = tpu.memref_slice %arg6[%mul3A_422] : memref<524288xf32, #tpu.memory_space<hbm>> -> memref<2048xf32, #tpu.memory_space<hbm>>
        %dma_wait3A_427 = tpu.memref_slice %arg6[%mul3A_422] : memref<524288xf32, #tpu.memory_space<hbm>> -> memref<2048xf32, #tpu.memory_space<hbm>>
        tpu.wait_dma2 semaphore(%run_scoped3A : memref<!tpu.dma_semaphore, #tpu.memory_space<semaphore_mem>>) src(%arg12 : memref<2048xf32, #tpu.memory_space<vmem>>) dst(%dma_wait3A_427 : memref<2048xf32, #tpu.memory_space<hbm>>)
        tpu.yield
      }) : () -> ()
      %scan3A_423 = arith.constant 0 : i32
      scf.yield %scan3A_423 : i32
    }
    %scan3A_77 = arith.constant 8 : i32
    return
  }
}

module attributes {stable_mosaic.version = 14 : i64} {
  func.func @_loss_body(%arg0: memref<4096x128xf32, #tpu.memory_space<vmem>>, %arg1: memref<1x1xf32, #tpu.memory_space<vmem>>) attributes {dimension_semantics = [], scalar_prefetch = 0 : i64, scratch_operands = 0 : i64, tpu.core_type = #tpu.core_type<tc>} {
    %get3A = arith.constant 0 : index
    %get3A_0 = arith.constant 0 : index
    %get3A_1 = vector.load %arg0[%get3A, %get3A_0] : memref<4096x128xf32, #tpu.memory_space<vmem>>, vector<4096x128xf32>
    %iota3A = tpu.iota {dimensions = array<i32: 1>} : vector<4096x128xi32>
    %lt3A = arith.constant 65 : i32
    %lt3A_2 = vector.broadcast %lt3A : i32 to vector<4096x128xi32>
    %lt3A_3 = arith.cmpi slt, %iota3A, %lt3A_2 : vector<4096x128xi32>
    %jit3A = arith.constant -1.000000e+30 : f32
    %broadcast_in_dim3A = vector.broadcast %jit3A : f32 to vector<4096x128xf32>
    %select_n3A = arith.select %lt3A_3, %get3A_1, %broadcast_in_dim3A : vector<4096x128xi1>, vector<4096x128xf32>
    %reduce_max3A = arith.constant dense<0xFF800000> : vector<4096xf32>
    %reduce_max3A_4 = vector.multi_reduction <maximumf>, %select_n3A, %reduce_max3A [1] : vector<4096x128xf32> to vector<4096xf32>
    %broadcast_in_dim3A_5 = vector.shape_cast %reduce_max3A_4 : vector<4096xf32> to vector<4096x1xf32>
    %sub3A = vector.broadcast %broadcast_in_dim3A_5 : vector<4096x1xf32> to vector<4096x128xf32>
    %sub3A_6 = arith.subf %select_n3A, %sub3A : vector<4096x128xf32>
    %exp3A = math.exp %sub3A_6 : vector<4096x128xf32>
    %jit3A_7 = arith.constant 0.000000e+00 : f32
    %broadcast_in_dim3A_8 = vector.broadcast %jit3A_7 : f32 to vector<4096x128xf32>
    %select_n3A_9 = arith.select %lt3A_3, %exp3A, %broadcast_in_dim3A_8 : vector<4096x128xi1>, vector<4096x128xf32>
    %reduce_sum3A = arith.constant dense<0.000000e+00> : vector<4096xf32>
    %reduce_sum3A_10 = vector.multi_reduction <add>, %select_n3A_9, %reduce_sum3A [1] : vector<4096x128xf32> to vector<4096xf32>
    %broadcast_in_dim3A_11 = vector.shape_cast %reduce_sum3A_10 : vector<4096xf32> to vector<4096x1xf32>
    %div3A = vector.broadcast %broadcast_in_dim3A_11 : vector<4096x1xf32> to vector<4096x128xf32>
    %div3A_12 = arith.divf %select_n3A_9, %div3A : vector<4096x128xf32>
    %exp3A_13 = math.exp %div3A_12 : vector<4096x128xf32>
    %jit3A_14 = arith.constant 0.000000e+00 : f32
    %broadcast_in_dim3A_15 = vector.broadcast %jit3A_14 : f32 to vector<4096x128xf32>
    %select_n3A_16 = arith.select %lt3A_3, %exp3A_13, %broadcast_in_dim3A_15 : vector<4096x128xi1>, vector<4096x128xf32>
    %reduce_sum3A_17 = arith.constant dense<0.000000e+00> : vector<4096xf32>
    %reduce_sum3A_18 = vector.multi_reduction <add>, %select_n3A_16, %reduce_sum3A_17 [1] : vector<4096x128xf32> to vector<4096xf32>
    %broadcast_in_dim3A_19 = vector.shape_cast %reduce_sum3A_18 : vector<4096xf32> to vector<4096x1xf32>
    %log3A = math.log %broadcast_in_dim3A_19 : vector<4096x1xf32>
    %eq3A = arith.constant 0 : i32
    %eq3A_20 = vector.broadcast %eq3A : i32 to vector<4096x128xi32>
    %eq3A_21 = arith.cmpi eq, %iota3A, %eq3A_20 : vector<4096x128xi32>
    %jit3A_22 = arith.constant 0.000000e+00 : f32
    %broadcast_in_dim3A_23 = vector.broadcast %jit3A_22 : f32 to vector<4096x128xf32>
    %select_n3A_24 = arith.select %eq3A_21, %div3A_12, %broadcast_in_dim3A_23 : vector<4096x128xi1>, vector<4096x128xf32>
    %reduce_sum3A_25 = arith.constant dense<0.000000e+00> : vector<4096xf32>
    %reduce_sum3A_26 = vector.multi_reduction <add>, %select_n3A_24, %reduce_sum3A_25 [1] : vector<4096x128xf32> to vector<4096xf32>
    %broadcast_in_dim3A_27 = vector.shape_cast %reduce_sum3A_26 : vector<4096xf32> to vector<4096x1xf32>
    %sub3A_28 = arith.subf %log3A, %broadcast_in_dim3A_27 : vector<4096x1xf32>
    %reduce_sum3A_29 = vector.shape_cast %sub3A_28 : vector<4096x1xf32> to vector<1x4096x1xf32>
    %reduce_sum3A_30 = arith.constant dense<0.000000e+00> : vector<1xf32>
    %reduce_sum3A_31 = vector.multi_reduction <add>, %reduce_sum3A_29, %reduce_sum3A_30 [1, 2] : vector<1x4096x1xf32> to vector<1xf32>
    %reduce_sum3A_32 = vector.shape_cast %reduce_sum3A_31 : vector<1xf32> to vector<1x1x1xf32>
    %reduce_sum3A_33 = vector.extract %reduce_sum3A_32[0, 0, 0] : f32 from vector<1x1x1xf32>
    %div3A_34 = arith.constant 4.096000e+03 : f32
    %div3A_35 = arith.divf %reduce_sum3A_33, %div3A_34 : f32
    %reshape3A = vector.broadcast %div3A_35 : f32 to vector<1x1xf32>
    %swap3A = arith.constant 0 : index
    %swap3A_36 = arith.constant 0 : index
    %swap3A_37 = vector.load %arg1[%swap3A, %swap3A_36] : memref<1x1xf32, #tpu.memory_space<vmem>>, vector<1x1xf32>
    tpu.vector_store %arg1[%swap3A, %swap3A_36], %reshape3A {strides = array<i32>} : memref<1x1xf32, #tpu.memory_space<vmem>>, vector<1x1xf32>,
    return
  }
}

</mosaic_0001>

<sc_bundles>
// kernel: kernel.4.cloned.1.call-start
scs
__scs_entry_jumppad:
0x0: {  	(pc) =	sbr.rel $0x88, $3  }
0x1: {  	(tag) =	ssettag $0x0;
	lr =	simm.s32 $0x1  }
0x2: {  	[smem:$0x3F9D] =	sst lr;
	_ =	strace $0xD0000000  }
0x3: {  	_ = 	snop  }
0x4: {  	_ = 	snop  }
0x5: {  	_ = 	snop  }
0x6: {  	_ = 	snop  }
0x7: {  	_ = 	snop  }
__scs_overlays_trampoline_lowered:
0x8: {  	[smem:$0x3FAC] =	sst s0  }
0x9: {  	[smem:$0x3FAD] =	sst s1  }
0xa: {  	[smem:$0x3FAE] =	sst s2  }
0xb: {  	[smem:$0x3FAF] =	sst s3  }
0xc: {  	[smem:$0x3FB0] =	sst s4  }
0xd: {  	[smem:$0x3FB1] =	sst s5  }
0xe: {  	[smem:$0x3FB2] =	sst s6  }
0xf: {  	[smem:$0x3FB3] =	sst s7  }
0x10: {  	[smem:$0x3FB4] =	sst s8  }
0x11: {  	[smem:$0x3FB5] =	sst s9;
	s0 =	simm.s32 @!p0 $0x0  }
0x12: {  	s1 =	sld [smem:$0x3F9B];
	s0 =	simm.s32 @p0 $0x1  }
0x13: {  	[smem:$0x3FB6] =	sst s0;
	s0 =	simm.s32 @!p1 $0x0  }
0x14: {  	s2 =	sld [smem:$0x3F9A];
	s0 =	simm.s32 @p1 $0x1  }
0x15: {  	[smem:$0x3FB7] =	sst s0;
	s0 =	simm.s32 @!p2 $0x0  }
0x16: {  	s3 =	sld [smem:$0x3FDB];
	s0 =	simm.s32 @p2 $0x1  }
0x17: {  	s4 =	simm.s32 $0x1BF5;
	[smem:$0x3FB9] =	sst s0  }
0x18: {  	s0 =	sld [smem:$0x3F9C];
	_ =	swait.ge [sflag:s4], $0x0  }
0x19: {  	s7 =	sld [smem:$0x3F9D]  }
0x1a: {  	s8 =	sadd.s32 $0xFFFFE003, lr  }
0x1b: {  	s9 =	sadd.s32 $0xFFFFFEF7, lr;
	s5 =	simm.s32 $0xFFFFFFFF;
	p2 =	slt.u32 s8, $0xFFFFF086  }
0x1c: {  	p1 =	slt.u32 s9, $0xF7A;
	s5 =	simm.s32 @!p2 $0x0  }
0x1d: {  	s5 =	simm.s32 @p1 $0x1;
	p0 =	seq.s32 s7, s2  }
0x1e: {  	s7 =	smul.u32 @!p0 $0xF7A, s2;
	p2 =	seq.s32 @!p0 s5, $0x0  }
0x1f: {  	s9 =	smul.u32 $0xF7A, s1;
	s8 =	simm.s32 @!p0 $0x1BF5;
	p2 =	por !p2, p0  }
0x20: {  	[sflag:s8] =	ssyncset.s32 @!p0 $0xFFFFF086;
	s6 =	sadd.s32 @!p0 s3, s7;
	s7 =	simm.s32 @!p0 $0x108  }
0x21: {  	s3 =	sadd.s32 s3, s9;
	s6 =	sadd.s32 @!p0 $0x88, s6;
	s7 =	simm.s32 @p2 $0x1082  }
0x22: {  	[simem:s7], [sflag:s8] =	dma.local @!p0 [hbm:s6], $0xF7A  }
0x23: {  	s9 =	sor.u32 $0xD0000000, s2;
	s6 =	simm.s32 $0x108;
	_ =	swait.ge @!p0 [sflag:s8], $0x0  }
0x24: {  	s3 =	sadd.s32 $0x88, s3;
	s6 =	simm.s32 @!p1 $0x1082;
	[sflag:s4] =	ssyncset.s32 $0xFFFFF086  }
0x25: {  	[simem:s6], [sflag:s4] =	dma.local [hbm:s3], $0xF7A  }
0x26: {  	[smem:$0x3F9D] =	sst s1;
	(tag) =	ssettag s2;
	_ =	strace s9  }
0x27: {  	s1 =	sld [smem:$0x3FAD]  }
0x28: {  	s2 =	sld [smem:$0x3FAE]  }
0x29: {  	s4 =	sld [smem:$0x3FB0]  }
0x2a: {  	p0 =	seq.s32 s5, $0x0;
	s5 =	sld [smem:$0x3FB1]  }
0x2b: {  	s6 =	sld [smem:$0x3FB2]  }
0x2c: {  	s7 =	sld [smem:$0x3FB3]  }
0x2d: {  	s3 =	simm.s32 $0x108;
	s8 =	sld [smem:$0x3FB4]  }
0x2e: {  	s3 =	simm.s32 @!p0 $0x1082;
	s9 =	sld [smem:$0x3FB5]  }
0x2f: {  	lr =	sadd.s32 s0, s3;
	s0 =	sld [smem:$0x3FAC]  }
0x30: {  	s3 =	sld [smem:$0x3FAF]  }
0x31: {  	[smem:$0x3FB8] =	sst s10  }
0x32: {  	s10 =	sld [smem:$0x3FB6];
	_ =	sdelay $0x3  }
0x33: {  	p0 =	seq.s32 s10, $0x1;
	s10 =	sld [smem:$0x3FB8];
	_ =	sdelay $0x3  }
0x34: {  	[smem:$0x3FB8] =	sst s10  }
0x35: {  	s10 =	sld [smem:$0x3FB7];
	_ =	sdelay $0x3  }
0x36: {  	p1 =	seq.s32 s10, $0x1;
	s10 =	sld [smem:$0x3FB8];
	_ =	sdelay $0x3  }
0x37: {  	[smem:$0x3FB8] =	sst s10  }
0x38: {  	s10 =	sld [smem:$0x3FB9]  }
0x39: {  	_ = 	snop;
	(pc) =	sbr.ind lr, $3  }
0x3a: {  	_ = 	snop  }
0x3b: {  	_ = 	snop  }
0x3c: {  	p2 =	seq.s32 s10, $0x1;
	s10 =	sld [smem:$0x3FB8]  }
0x3d: {  	_ =	shalt  }
0x3e: {  	_ =	shalt  }
0x3f: {  	_ =	shalt  }
0x40: {  	_ =	shalt  }
0x41: {  	_ =	shalt  }
0x42: {  	_ =	shalt  }
0x43: {  	_ =	shalt  }
0x44: {  	_ =	shalt  }
0x45: {  	_ =	shalt  }
0x46: {  	_ =	shalt  }
0x47: {  	_ =	shalt  }
0x48: {  	_ =	shalt  }
0x49: {  	_ =	shalt  }
0x4a: {  	_ =	shalt  }
0x4b: {  	_ =	shalt  }
0x4c: {  	_ =	shalt  }
0x4d: {  	_ =	shalt  }
0x4e: {  	_ =	shalt  }
0x4f: {  	_ =	shalt  }
0x50: {  	_ =	shalt  }
0x51: {  	_ =	shalt  }
0x52: {  	_ =	shalt  }
0x53: {  	_ =	shalt  }
0x54: {  	_ =	shalt  }
0x55: {  	_ =	shalt  }
0x56: {  	_ =	shalt  }
0x57: {  	_ =	shalt  }
0x58: {  	_ =	shalt  }
0x59: {  	_ =	shalt  }
0x5a: {  	_ =	shalt  }
0x5b: {  	_ =	shalt  }
0x5c: {  	_ =	shalt  }
0x5d: {  	_ =	shalt  }
0x5e: {  	_ =	shalt  }
0x5f: {  	_ =	shalt  }
0x60: {  	_ =	shalt  }
0x61: {  	_ =	shalt  }
0x62: {  	_ =	shalt  }
0x63: {  	_ =	shalt  }
0x64: {  	_ =	shalt  }
0x65: {  	_ =	shalt  }
0x66: {  	_ =	shalt  }
0x67: {  	_ =	shalt  }
0x68: {  	_ =	shalt  }
0x69: {  	_ =	shalt  }
0x6a: {  	_ =	shalt  }
0x6b: {  	_ =	shalt  }
0x6c: {  	_ =	shalt  }
0x6d: {  	_ =	shalt  }
0x6e: {  	_ =	shalt  }
0x6f: {  	_ =	shalt  }
0x70: {  	_ =	shalt  }
0x71: {  	_ =	shalt  }
0x72: {  	_ =	shalt  }
0x73: {  	_ =	shalt  }
0x74: {  	_ =	shalt  }
0x75: {  	_ =	shalt  }
0x76: {  	_ =	shalt  }
0x77: {  	_ =	shalt  }
0x78: {  	_ =	shalt  }
0x79: {  	_ =	shalt  }
0x7a: {  	_ =	shalt  }
0x7b: {  	_ =	shalt  }
0x7c: {  	_ =	shalt  }
0x7d: {  	_ =	shalt  }
0x7e: {  	_ =	shalt  }
0x7f: {  	_ =	shalt  }
0x80: {  	_ =	shalt  }
0x81: {  	_ =	shalt  }
0x82: {  	_ =	shalt  }
0x83: {  	_ =	shalt  }
0x84: {  	_ =	shalt  }
0x85: {  	_ =	shalt  }
0x86: {  	_ =	shalt  }
0x87: {  	_ =	shalt  }
.Lfunc_end0:
.L_simem_size_0:
called_computation_lowered:
.L_overlay_start_0:
0x88: {  	s2 =	sld [smem:$0x3FD9]  }
0x89: {  	s3 =	sld [smem:$0x3FFE];
	_ =	sdelay $0x1  }
0x8a: {  	s1 =	srdreg.scid  }
0x8b: {  	s0 =	sand.u32 $0x1, s1  }
0x8c: {  	s17 =	sshll.u32 s0, $0xA;
	s2 =	sadd.s32 s3, s2  }
0x8d: {  	s2 =	sadd.s32 s2, s17  }
0x8e: {  	[smem:$0x3FC4] =	sst s2  }
0x8f: {  	_ = 	snop  }
0x90: {  	s2 =	sld [smem:$0x3FC9]  }
0x91: {  	s18 =	sld [smem:$0x3FC8]  }
0x92: {  	s4 =	sld [smem:$0x3FC6];
	(tm) =	ssettm $0x1  }
0x93: {  	s5 =	sld [smem:$0x3FFB];
	_ =	sdelay $0x3  }
0x94: {  	_ =	strace s5  }
0x95: {  	s5 =	sld [smem:$0x3FFC];
	_ =	sdelay $0x3  }
0x96: {  	_ =	strace s5  }
0x97: {  	s5 =	sld [smem:$0x3FFD];
	_ =	sdelay $0x3  }
0x98: {  	_ =	strace s5  }
0x99: {  	_ =	strace $0x8FFFFFFF  }
0x9a: {  	s19 =	sld [smem:$0x3FDB];
	_ =	sdelay $0x1  }
0x9b: {  	s6 =	simm.s32 $_scs_section_size  }
0x9c: {  	s7 =	simm.s32 $_size__tile_overlayer_lowered;
	s8 =	simm.s32 $_tile_overlayer_lowered  }
0x9d: {  	s22 =	simm.s32 $0x1BFF;
	s21 =	sshll.u32 s8, $0x1;
	s5 =	sadd.s32 s6, s19  }
0x9e: {  	s9 =	simm.s32 $0x0;
	s20 =	sshll.u32 s7, $0x1;
	s7 =	sadd.s32 s21, s5  }
0x9f: {  	[timem:s9], [sflag:s22] =	dma.local [hbm:s7], s20  }
0xa0: {  	_ =	swait.ge [sflag:s22], s20  }
0xa1: {  	s6 =	ssub.s32 $0x0, s20;
	[sflag:s22] =	ssyncset.done $0x0  }
0xa2: {  	[sflag:s22] =	ssyncadd.s32 s6;
	_ =	sdelay $0x1  }
0xa3: {  	s23 =	simm.s32 $0x1B8B  }
0xa4: {  	_ =	swait.ge [sflag:s23], $0x1  }
0xa5: {  	[sflag:s23] =	ssyncset.done $0x0  }
0xa6: {  	s25 =	simm.s32 $0x1B8E;
	s24 =	sld [smem:$0x3FFE];
	[sflag:s23] =	ssyncadd.s32 $0xFFFFFFFF  }
0xa7: {  	s26 =	simm.s32 $execute0_lowered;
	[smem:$0x3FD2] =	sst s25  }
0xa8: {  	s7 =	sshll.u32 s26, $0x1;
	_ =	strace $0x80000046;
	[dreg:$0x1] =	wrdreg $0xFFFFFFFF  }
0xa9: {  	s28 =	simm.s32 $_size_execute0_lowered;
	s5 =	sadd.s32 s5, s7;
	[dreg:$0x0] =	wrdreg $0x0  }
0xaa: {  	s7 =	sshll.u32 s28, $0x1;
	[dreg:$0x2] =	wrdreg s5  }
0xab: {  	[dreg:$0x3] =	wrdreg s7  }
0xac: {  	[dreg:$0x4] =	wrdreg $0xC0  }
0xad: {  	_ =	task [dreg:s9], $0x5FFFF  }
0xae: {  	[dreg:$0x1] =	wrdreg $0xFFFFFFFF  }
0xaf: {  	[dreg:$0x0] =	wrdreg $0x60  }
0xb0: {  	[dreg:$0x2] =	wrdreg s2  }
0xb1: {  	[dreg:$0x3] =	wrdreg s18  }
0xb2: {  	[dreg:$0x4] =	wrdreg s24  }
0xb3: {  	[dreg:$0x5] =	wrdreg s4  }
0xb4: {  	[dreg:$0x6] =	wrdreg $0x9  }
0xb5: {  	_ =	task.clear_ibuf [dreg:s9], $0x7FFFF;
	_ =	strace $0x90000046  }
0xb6: {  	s29 =	simm.s32 $0x9;
	_ =	strace $0x80000048  }
0xb7: {  	_ =	swait.ge [sflag:s29], $0x1  }
0xb8: {  	[sflag:s29] =	ssyncadd.s32 $0xFFFFFFFF  }
0xb9: {  	_ =	strace $0x90000048  }
0xba: {  	_ =	sfence  }
0xbb: {  	s30 =	sld [smem:$0x0];
	_ =	sdelay $0x2  }
0xbc: {  	s31 =	sshll.u32 s1, $0xD;
	s1 =	sshrl.u32 s1, $0x2  }
0xbd: {  	s3 =	sand.u32 $0x4000, s31;
	s1 =	sadd.s32 s1, s30  }
0xbe: {  	s0 =	sor.u32 s3, s0;
	s1 =	sshll.u32 s1, $0x11  }
0xbf: {  	s0 =	sor.u32 s1, s0  }
0xc0: {  	s0 =	sadd.s32 $0x8F2B, s0  }
0xc1: {  	[sflag:s0] =	ssyncadd.remote.s32 $0x1  }
0xc2: {  	_ =	sfence.sel $0xFFFF  }
0xc3: {  	[dreg:$0x0] =	wrdreg $0xFFFFFFFF;
	(pc) =	sbr.abs _section_cstart, $3  }
0xc4: {  	[dreg:$0x1] =	wrdreg $0xFFFFFFFF  }
0xc5: {  	_ =	task.clear_ibuf [dreg:s9], $0x2FFFF;
	_ =	strace $0x9FFFFFFF  }
0xc6: {  	(tm) =	ssettm $0x7FFFFFFF  }
0xc7: {  	_ =	shalt  }
tec
execute0_lowered:
.L_overlay_start_1:
0x0: {  	(tag) =	ssettag $0x1  }
0x1: {  	s6 =	rddreg [dreg:$0x0]  }
0x2: {  	s7 =	rddreg [dreg:$0x1]  }
0x3: {  	s0 =	rddreg [dreg:$0x2]  }
0x4: {  	s4 =	rddreg [dreg:$0x3];
	s1 =	srdreg.scid  }
0x5: {  	s2 =	stileid.u32;
	s5 =	simm.s32 $0x0;
	s16 =	simm.s32 $0x19100  }
0x6: {  	s17 =	simm.s32 $0x19900;
	s9 =	simm.s32 $0x1A900;
	s10 =	simm.s32 $0x1B100  }
0x7: {  	s15 =	simm.s32 $0x1B900;
	s29 =	simm.s32 $0x1;
	s30 =	simm.s32 $0x2  }
0x8: {  	s31 =	simm.s32 $0x3;
	s1 =	sand.u32 $0x1, s1;
	s2 =	sshll.u32 s2, $0x1  }
0x9: {  	[smem:$0x7FF] =	sst s5;
	s8 =	sadd.s32 $0x600, s0;
	s11 =	sadd.s32 $0x100, s4  }
0xa: {  	s12 =	sadd.s32 $0x200, s4;
	s13 =	sadd.s32 $0x300, s4;
	s2 =	sor.u32 s1, s2  }
0xb: {  	_ =	strace $0x80000047;
	s1 =	ssub.s32 $0x2, s1;
	[dreg:$0x5] =	wrdreg s8  }
0xc: {  	s3 =	sshll.u32 s2, $0xB;
	s23 =	sshrl.u32 s1, $0x1;
	s24 =	sshll.u32 s2, $0x7  }
0xd: {  	v1 =	vlaneseq.u32;
	vm0 =	vmmov $0xffff;
	s25 =	sshll.u32 s2, $0xE;
	s26 =	sshll.u32 s2, $0xD;
	s2 =	sshll.u32 s2, $0x4  }
0xe: {  	v2 =	vshrl.u32 v1, $0x3;
	v0 =	vmul.u32 $0x10, v1;
	v56 =	vand.u32 $0x7, v1;
	s0 =	sadd.s32 s3, s0;
	s1 =	ssub.s32 s1, s23;
	[dreg:$0x6] =	wrdreg s24  }
0xf: {  	v57 =	vor.u32 $0x8, v1;
	v1 =	vmul.u32 $0x80, v1;
	v63 =	vmul.u32 $0x8, v2;
	s3 =	sadd.s32 s6, s25;
	s2 =	sadd.s32 s7, s2;
	s25 =	simm.s32 $0xC100  }
.Ltmp0:
0x10: {  	v4 =	vor.u32 $0x1, v0;
	v5 =	vor.u32 $0x2, v0;
	v6 =	vor.u32 $0x3, v0;
	s6 =	simm.s32 $0x4;
	[dreg:$0x7] =	wrdreg s3;
	(pc) =	sbr.rel .LBB2_1-.Ltmp0, $4  }
0x11: {  	v7 =	vor.u32 $0x4, v0;
	v8 =	vor.u32 $0x5, v0;
	v9 =	vor.u32 $0x6, v0;
	s3 =	sadd.s32 s8, s26;
	[dreg:$0x9] =	wrdreg s2;
	s0 =	sadd.s32 $0x40600, s0  }
0x12: {  	[tilespmem:$0x1FFE0] =	vst v56;
	v10 =	vor.u32 $0x7, v0;
	v11 =	vor.u32 $0x8, v0;
	v12 =	vor.u32 $0x9, v0;
	s28 =	smax.u32 s1, $0x1;
	s26 =	simm.s32 $0xC900;
	[dreg:$0x8] =	wrdreg s3  }
0x13: {  	[tilespmem:$0x1FFF0] =	vst v57;
	v13 =	vor.u32 $0xA, v0;
	v14 =	vor.u32 $0xB, v0;
	v15 =	vor.u32 $0xC, v0;
	s8 =	simm.s32 $0x1A100;
	s1 =	simm.s32 $0x1C100;
	[dreg:$0xa] =	wrdreg s0  }
0x14: {  	v16 =	vor.u32 $0xD, v0;
	v17 =	vor.u32 $0xE, v0;
	v18 =	vor.u32 $0xF, v0;
	[tilespmem:$0x1FFD0] =	vst v1;
	s2 =	simm.s32 $0x0;
	[dreg:$0xb] =	wrdreg s28;
	s3 =	simm.s32 $0x18900  }
.LBB2_16:
0x15: {  	s2 =	rddreg [dreg:$0xc]  }
0x16: {  	s0 =	rddreg [dreg:$0xb];
	s2 =	sadd.s32 $0x1, s2  }
0x17: {  	p0 =	sne.s32 s2, s0  }
.Ltmp1:
0x18: {  	_ = 	snop;
	(pc) =	sbr.rel @!p0 .LBB2_17-.Ltmp1, $1  }
0x19: {  	_ =	sdelay $0x3  }
.LBB2_1:
0x1a: {  	s0 =	rddreg [dreg:$0x7]  }
0x1b: {  	[tilespmem:s5], [sflag:$0x6] =	stream.linear.gather [hbm4b:s0+s5], $0x4000, $0x38;
	[tilespmem:$0x1CA00] =	vst v63  }
.Ltmp2:
0x1c: {  	[dreg:$0xc] =	wrdreg s2;
	(pc) =	sbr.rel .LBB2_2-.Ltmp2, $4  }
0x1d: {  	s22 =	rddreg [dreg:$0x8];
	s23 =	simm.s32 $0x8000  }
0x1e: {  	[tilespmem:s23], [sflag:$0x6] =	stream.linear.gather [hbm4b:s22+s5], $0x2000, $0x38;
	[tilespmem:$0x1CA00] =	vst v63  }
0x1f: {  	s24 =	rddreg [dreg:$0x9];
	s28 =	simm.s32 $0xC000;
	s7 =	simm.s32 $0x0  }
0x20: {  	[tilespmem:s28], [sflag:$0x6] =	stream.linear.gather [hbm4b:s24+s5], $0x10, $0x38;
	[tilespmem:$0x1CA00] =	vst v63  }
.LBB2_15:
0x21: {  	s0 =	rddreg [dreg:$0xd]  }
0x22: {  	s2 =	rddreg [dreg:$0xa];
	s0 =	sshll.u32 s0, $0x8  }
0x23: {  	s26 =	simm.s32 $0x1C200;
	s28 =	simm.s32 $0x7;
	s0 =	sadd.s32 s0, s2  }
0x24: {  	[hbm4b:s0+s5] =	stream.linear.scatter [tilespmem:s26], [sflag:$0x7], $0x800, $0x38;
	[tilespmem:$0x1CA00] =	vst v63  }
0x25: {  	_ =	swait.ge [sflag:s28], $0x800  }
0x26: {  	s7 =	rddreg [dreg:$0xe]  }
0x27: {  	p0 =	sne.s32 s7, $0x8  }
.Ltmp3:
0x28: {  	_ = 	snop;
	(pc) =	sbr.rel @!p0 .LBB2_16-.Ltmp3, $3  }
0x29: {  	_ =	sdelay $0x1  }
0x2a: {  	[sflag:s28] =	ssyncset.done $0x0  }
0x2b: {  	s25 =	simm.s32 $0xC100;
	s26 =	simm.s32 $0xC900;
	[sflag:s28] =	ssyncadd.s32 $0xFFFFF800  }
.LBB2_2:
0x2c: {  	s0 =	simm.s32 $0x6  }
0x2d: {  	_ =	swait.ge [sflag:s0], $0x4000  }
0x2e: {  	[sflag:s0] =	ssyncset.done $0x0  }
0x2f: {  	[sflag:s0] =	ssyncadd.s32 $0xFFFFC000  }
0x30: {  	_ =	swait.ge [sflag:s0], $0x2000  }
0x31: {  	[sflag:s0] =	ssyncset.done $0x0  }
0x32: {  	[sflag:s0] =	ssyncadd.s32 $0xFFFFE000  }
0x33: {  	_ =	swait.ge [sflag:s0], $0x10  }
0x34: {  	s20 =	sand.u32 $0x1, s7;
	[sflag:s0] =	ssyncset.done $0x0  }
0x35: {  	s2 =	sshll.u32 s20, $0x7;
	[sflag:s0] =	ssyncadd.s32 $0xFFFFFFF0  }
0x36: {  	v20 =	vld [tilespmem:s2+$0xC000];
	_ =	sdelay $0x4  }
0x37: {  	v21 =	vshll.u32 v20, $0x3  }
0x38: {  	v20 =	vand.u32 $0x7, v20;
	v21 =	vand.u32 $0xFFFFFFC0, v21  }
0x39: {  	v20 =	vor.u32 v20, v21  }
0x3a: {  	v21 =	vperm.xlane v20, v56;
	_ =	sdelay $0x1  }
0x3b: {  	v21 =	vadd.s32 v63, v21;
	_ =	sdelay $0x4  }
0x3c: {  	[tilespmem:s25], [sflag:$0x5] =	stream.indirect_vreg.gather [hbm4b:s4+s5], $0x80, v21, vm0, $0xb8;
	[tilespmem:$0x1CA00] =	vst v63  }
0x3d: {  	v20 =	vperm.xlane v20, v57  }
0x3e: {  	[tilespmem:s26], [sflag:$0x5] =	stream.indirect_vreg.gather [hbm4b:s11+s5], $0x80, v21, vm0, $0xb8;
	[tilespmem:$0x1CA00] =	vst v63  }
0x3f: {  	s2 =	simm.s32 $0xD100;
	v20 =	vadd.s32 v63, v20  }
0x40: {  	[tilespmem:s2], [sflag:$0x5] =	stream.indirect_vreg.gather [hbm4b:s12+s5], $0x80, v21, vm0, $0xb8;
	[tilespmem:$0x1CA00] =	vst v63  }
0x41: {  	s14 =	simm.s32 $0xD900  }
0x42: {  	[tilespmem:s14], [sflag:$0x5] =	stream.indirect_vreg.gather [hbm4b:s13+s5], $0x80, v21, vm0, $0xb8;
	[tilespmem:$0x1CA00] =	vst v63  }
0x43: {  	s18 =	simm.s32 $0xE100  }
0x44: {  	[tilespmem:s18], [sflag:$0x5] =	stream.indirect_vreg.gather [hbm4b:s4+s5], $0x80, v20, vm0, $0xb8;
	[tilespmem:$0x1CA00] =	vst v63  }
0x45: {  	s19 =	simm.s32 $0xE900  }
0x46: {  	[tilespmem:s19], [sflag:$0x5] =	stream.indirect_vreg.gather [hbm4b:s11+s5], $0x80, v20, vm0, $0xb8;
	[tilespmem:$0x1CA00] =	vst v63  }
0x47: {  	s21 =	simm.s32 $0xF100  }
0x48: {  	[tilespmem:s21], [sflag:$0x5] =	stream.indirect_vreg.gather [hbm4b:s12+s5], $0x80, v20, vm0, $0xb8;
	[tilespmem:$0x1CA00] =	vst v63  }
0x49: {  	s22 =	simm.s32 $0xF900;
	s23 =	simm.s32 $0x5  }
0x4a: {  	[tilespmem:s22], [sflag:$0x5] =	stream.indirect_vreg.gather [hbm4b:s13+s5], $0x80, v20, vm0, $0xb8;
	[tilespmem:$0x1CA00] =	vst v63  }
0x4b: {  	_ =	swait.ge [sflag:s23], $0x4000  }
0x4c: {  	[sflag:s23] =	ssyncset.done $0x0  }
0x4d: {  	s2 =	sshll.u32 s20, $0xD;
	[sflag:s23] =	ssyncadd.s32 $0xFFFFC000  }
0x4e: {  	v20 =	vld [tilespmem:s2+$0x8080];
	_ =	sdelay $0x4  }
0x4f: {  	v21 =	vshll.u32 v20, $0x3  }
0x50: {  	v20 =	vand.u32 $0x7, v20;
	v21 =	vand.u32 $0xFFFFFFC0, v21  }
0x51: {  	v20 =	vor.u32 v20, v21  }
0x52: {  	v21 =	vperm.xlane v20, v56;
	_ =	sdelay $0x1  }
0x53: {  	v21 =	vadd.s32 v63, v21;
	_ =	sdelay $0x3  }
0x54: {  	s24 =	simm.s32 $0x10100  }
0x55: {  	[tilespmem:s24], [sflag:$0x2] =	stream.indirect_vreg.gather [hbm4b:s4+s5], $0x80, v21, vm0, $0xb8;
	[tilespmem:$0x1CA00] =	vst v63  }
0x56: {  	s28 =	simm.s32 $0x10900;
	v20 =	vperm.xlane v20, v57  }
0x57: {  	[tilespmem:s28], [sflag:$0x2] =	stream.indirect_vreg.gather [hbm4b:s11+s5], $0x80, v21, vm0, $0xb8;
	[tilespmem:$0x1CA00] =	vst v63  }
0x58: {  	s14 =	simm.s32 $0x11100;
	v20 =	vadd.s32 v63, v20  }
0x59: {  	[tilespmem:s14], [sflag:$0x2] =	stream.indirect_vreg.gather [hbm4b:s12+s5], $0x80, v21, vm0, $0xb8;
	[tilespmem:$0x1CA00] =	vst v63  }
0x5a: {  	s18 =	simm.s32 $0x11900  }
0x5b: {  	[tilespmem:s18], [sflag:$0x2] =	stream.indirect_vreg.gather [hbm4b:s13+s5], $0x80, v21, vm0, $0xb8;
	[tilespmem:$0x1CA00] =	vst v63  }
0x5c: {  	s19 =	simm.s32 $0x12100  }
0x5d: {  	[tilespmem:s19], [sflag:$0x2] =	stream.indirect_vreg.gather [hbm4b:s4+s5], $0x80, v20, vm0, $0xb8;
	[tilespmem:$0x1CA00] =	vst v63  }
0x5e: {  	s21 =	simm.s32 $0x12900  }
0x5f: {  	[tilespmem:s21], [sflag:$0x2] =	stream.indirect_vreg.gather [hbm4b:s11+s5], $0x80, v20, vm0, $0xb8;
	[tilespmem:$0x1CA00] =	vst v63  }
0x60: {  	s22 =	simm.s32 $0x13100  }
0x61: {  	[tilespmem:s22], [sflag:$0x2] =	stream.indirect_vreg.gather [hbm4b:s12+s5], $0x80, v20, vm0, $0xb8;
	[tilespmem:$0x1CA00] =	vst v63  }
0x62: {  	s23 =	simm.s32 $0x13900  }
0x63: {  	[tilespmem:s23], [sflag:$0x2] =	stream.indirect_vreg.gather [hbm4b:s13+s5], $0x80, v20, vm0, $0xb8;
	[tilespmem:$0x1CA00] =	vst v63  }
0x64: {  	v20 =	vld [tilespmem:s2+$0x8100];
	_ =	sdelay $0x4  }
0x65: {  	v21 =	vshll.u32 v20, $0x3  }
0x66: {  	v20 =	vand.u32 $0x7, v20;
	v21 =	vand.u32 $0xFFFFFFC0, v21  }
0x67: {  	v20 =	vor.u32 v20, v21  }
0x68: {  	v21 =	vperm.xlane v20, v56;
	_ =	sdelay $0x1  }
0x69: {  	v21 =	vadd.s32 v63, v21;
	_ =	sdelay $0x3  }
0x6a: {  	s24 =	simm.s32 $0x14100  }
0x6b: {  	[tilespmem:s24], [sflag:$0x3] =	stream.indirect_vreg.gather [hbm4b:s4+s5], $0x80, v21, vm0, $0xb8;
	[tilespmem:$0x1CA00] =	vst v63  }
0x6c: {  	s28 =	simm.s32 $0x14900;
	v20 =	vperm.xlane v20, v57  }
0x6d: {  	[tilespmem:s28], [sflag:$0x3] =	stream.indirect_vreg.gather [hbm4b:s11+s5], $0x80, v21, vm0, $0xb8;
	[tilespmem:$0x1CA00] =	vst v63  }
0x6e: {  	s14 =	simm.s32 $0x15100;
	v20 =	vadd.s32 v63, v20  }
0x6f: {  	[tilespmem:s14], [sflag:$0x3] =	stream.indirect_vreg.gather [hbm4b:s12+s5], $0x80, v21, vm0, $0xb8;
	[tilespmem:$0x1CA00] =	vst v63  }
0x70: {  	s18 =	simm.s32 $0x15900  }
0x71: {  	[tilespmem:s18], [sflag:$0x3] =	stream.indirect_vreg.gather [hbm4b:s13+s5], $0x80, v21, vm0, $0xb8;
	[tilespmem:$0x1CA00] =	vst v63  }
0x72: {  	s19 =	simm.s32 $0x16100  }
0x73: {  	[tilespmem:s19], [sflag:$0x3] =	stream.indirect_vreg.gather [hbm4b:s4+s5], $0x80, v20, vm0, $0xb8;
	[tilespmem:$0x1CA00] =	vst v63  }
0x74: {  	s21 =	simm.s32 $0x16900  }
0x75: {  	[tilespmem:s21], [sflag:$0x3] =	stream.indirect_vreg.gather [hbm4b:s11+s5], $0x80, v20, vm0, $0xb8;
	[tilespmem:$0x1CA00] =	vst v63  }
0x76: {  	s22 =	simm.s32 $0x17100  }
0x77: {  	[tilespmem:s22], [sflag:$0x3] =	stream.indirect_vreg.gather [hbm4b:s12+s5], $0x80, v20, vm0, $0xb8;
	[tilespmem:$0x1CA00] =	vst v63  }
0x78: {  	s23 =	simm.s32 $0x17900  }
0x79: {  	[tilespmem:s23], [sflag:$0x3] =	stream.indirect_vreg.gather [hbm4b:s13+s5], $0x80, v20, vm0, $0xb8;
	[tilespmem:$0x1CA00] =	vst v63  }
0x7a: {  	v20 =	vld [tilespmem:s2+$0x8180];
	_ =	sdelay $0x4  }
0x7b: {  	v21 =	vshll.u32 v20, $0x3  }
0x7c: {  	v20 =	vand.u32 $0x7, v20;
	v21 =	vand.u32 $0xFFFFFFC0, v21  }
0x7d: {  	v20 =	vor.u32 v20, v21  }
0x7e: {  	v21 =	vperm.xlane v20, v56;
	_ =	sdelay $0x1  }
0x7f: {  	v21 =	vadd.s32 v63, v21;
	_ =	sdelay $0x3  }
0x80: {  	s24 =	simm.s32 $0x18100  }
0x81: {  	[tilespmem:s24], [sflag:$0x4] =	stream.indirect_vreg.gather [hbm4b:s4+s5], $0x80, v21, vm0, $0xb8;
	[tilespmem:$0x1CA00] =	vst v63  }
0x82: {  	v20 =	vperm.xlane v20, v57  }
0x83: {  	[tilespmem:s3], [sflag:$0x4] =	stream.indirect_vreg.gather [hbm4b:s11+s5], $0x80, v21, vm0, $0xb8;
	[tilespmem:$0x1CA00] =	vst v63  }
0x84: {  	v20 =	vadd.s32 v63, v20  }
0x85: {  	[tilespmem:s16], [sflag:$0x4] =	stream.indirect_vreg.gather [hbm4b:s12+s5], $0x80, v21, vm0, $0xb8;
	[tilespmem:$0x1CA00] =	vst v63  }
0x86: {  	_ = 	snop  }
0x87: {  	[tilespmem:s17], [sflag:$0x4] =	stream.indirect_vreg.gather [hbm4b:s13+s5], $0x80, v21, vm0, $0xb8;
	[tilespmem:$0x1CA00] =	vst v63  }
0x88: {  	p0 =	seq.s32 s7, $0x7;
	[dreg:$0xd] =	wrdreg s7;
	s14 =	sadd.s32 $0x1, s7  }
0x89: {  	[tilespmem:s8], [sflag:$0x4] =	stream.indirect_vreg.gather [hbm4b:s4+s5], $0x80, v20, vm0, $0xb8;
	[tilespmem:$0x1CA00] =	vst v63  }
0x8a: {  	s20 =	sshll.u32 s20, $0xE;
	s0 =	rddreg [dreg:$0x6];
	s7 =	sshll.u32 @!p0 s14, $0x4  }
0x8b: {  	[tilespmem:s9], [sflag:$0x4] =	stream.indirect_vreg.gather [hbm4b:s11+s5], $0x80, v20, vm0, $0xb8;
	[tilespmem:$0x1CA00] =	vst v63  }
0x8c: {  	s28 =	simm.s32 $0x0;
	[dreg:$0xe] =	wrdreg s14;
	s7 =	sadd.s32 @!p0 s0, s7  }
0x8d: {  	[tilespmem:s10], [sflag:$0x4] =	stream.indirect_vreg.gather [hbm4b:s12+s5], $0x80, v20, vm0, $0xb8;
	[tilespmem:$0x1CA00] =	vst v63  }
0x8e: {  	s14 =	sand.u32 @!p0 $0x1, s14;
	s0 =	rddreg [dreg:$0x0];
	s18 =	sshll.u32 @!p0 s7, $0x7  }
0x8f: {  	[tilespmem:s15], [sflag:$0x4] =	stream.indirect_vreg.gather [hbm4b:s13+s5], $0x80, v20, vm0, $0xb8;
	[tilespmem:$0x1CA00] =	vst v63  }
0x90: {  	s19 =	sshll.u32 @!p0 s14, $0xE;
	s18 =	sadd.s32 @!p0 s0, s18;
	s21 =	simm.s32 @!p0 $0x0  }
0x91: {  	[tilespmem:s19], [sflag:$0x6] =	stream.linear.gather @!p0 [hbm4b:s18+s21], $0x4000, $0x38;
	[tilespmem:$0x1CA00] =	vst v63  }
0x92: {  	s0 =	rddreg [dreg:$0x5];
	s18 =	sshll.u32 @!p0 s7, $0x6;
	s19 =	sshll.u32 @!p0 s14, $0xD  }
0x93: {  	s14 =	sshll.u32 @!p0 s14, $0x7;
	s7 =	sshrl.u32 @!p0 s7, $0x3;
	s18 =	sand.u32 @!p0 $0x1FFFFC00, s18  }
0x94: {  	v21 =	vmov s20;
	s19 =	sor.u32 @!p0 $0x8000, s19;
	s18 =	sadd.s32 @!p0 s0, s18;
	s0 =	rddreg [dreg:$0x1]  }
0x95: {  	[tilespmem:s19], [sflag:$0x6] =	stream.linear.gather @!p0 [hbm4b:s18+s21], $0x2000, $0x38;
	[tilespmem:$0x1CA00] =	vst v63  }
0x96: {  	s14 =	sor.u32 @!p0 $0xC000, s14;
	s7 =	sadd.s32 @!p0 s0, s7;
	s0 =	sor.u32 s28, s28  }
0x97: {  	[tilespmem:s14], [sflag:$0x6] =	stream.linear.gather @!p0 [hbm4b:s7+s21], $0x10, $0x38;
	[tilespmem:$0x1CA00] =	vst v63  }
0x98: {  	s21 =	sor.u32 $0x2380, s0  }
0x99: {  	v20 =	vld.idx.msk [tilespmem:v21+s21+$0x0 ss:$0x1], $0xffff  }
0x9a: {  	s24 =	sor.u32 $0x380, s0;
	v22 =	vld [tilespmem:s21+$0xC100]  }
0x9b: {  	s23 =	sand.u32 $0x70, s28;
	s7 =	sand.u32 $0x1C00, s28;
	v38 =	vld.idx.msk [tilespmem:v21+s24+$0x0 ss:$0x1], $0xffff  }
0x9c: {  	s22 =	sor.u32 s23, s7;
	v44 =	vld [tilespmem:s24+$0xC100]  }
0x9d: {  	v23 =	vld.idx.msk [tilespmem:v21+s22+$0x0 ss:$0x1], $0xffff  }
0x9e: {  	v24 =	vld.idx.msk [tilespmem:v21+s22+$0x80 ss:$0x1], $0xffff  }
0x9f: {  	v26 =	vld.idx.msk [tilespmem:v21+s22+$0x100 ss:$0x1], $0xffff  }
0xa0: {  	v27 =	vld.idx.msk [tilespmem:v21+s22+$0x180 ss:$0x1], $0xffff  }
0xa1: {  	v28 =	vld.idx.msk [tilespmem:v21+s22+$0x200 ss:$0x1], $0xffff  }
0xa2: {  	v29 =	vld.idx.msk [tilespmem:v21+s22+$0x280 ss:$0x1], $0xffff  }
0xa3: {  	v33 =	vld.idx.msk [tilespmem:v21+s22+$0x300 ss:$0x1], $0xffff  }
0xa4: {  	v40 =	vld.idx.msk [tilespmem:v21+s22+$0x2000 ss:$0x1], $0xffff  }
0xa5: {  	v42 =	vld.idx.msk [tilespmem:v21+s22+$0x2080 ss:$0x1], $0xffff  }
0xa6: {  	v39 =	vld.idx.msk [tilespmem:v21+s22+$0x2100 ss:$0x1], $0xffff  }
0xa7: {  	v37 =	vld.idx.msk [tilespmem:v21+s22+$0x2180 ss:$0x1], $0xffff  }
0xa8: {  	v25 =	vld.idx.msk [tilespmem:v21+s22+$0x2200 ss:$0x1], $0xffff  }
0xa9: {  	v31 =	vld [tilespmem:s22+$0xC100]  }
0xaa: {  	v32 =	vld [tilespmem:s22+$0xC180]  }
0xab: {  	v34 =	vld [tilespmem:s22+$0xC200]  }
0xac: {  	v46 =	vld [tilespmem:s22+$0xE100]  }
0xad: {  	v36 =	vld [tilespmem:s22+$0xC280]  }
0xae: {  	v41 =	vld [tilespmem:s22+$0xC300]  }
0xaf: {  	v30 =	vimm.f32 $0.0e+00;
	v43 =	vld [tilespmem:s22+$0xC380];
	v20 =	vmul.f32 v20, v22  }
0xb0: {  	v22 =	vld [tilespmem:s22+$0xC400];
	v49 =	vmul.f32 v38, v44;
	v38 =	vimm.f32 $0.0e+00;
	v23 =	vmul.f32 v23, v31  }
0xb1: {  	v47 =	vld [tilespmem:s22+$0xE180];
	v31 =	vmul.f32 v24, v32;
	v48 =	vmul.f32 v40, v46;
	v40 =	vimm.f32 $0.0e+00  }
0xb2: {  	v45 =	vld [tilespmem:s22+$0xE200];
	v20 =	vadd.f32 v20, v30;
	v35 =	vadd.f32 v23, v30;
	v23 =	vmul.f32 v26, v34  }
0xb3: {  	v44 =	vld [tilespmem:s22+$0xE280];
	v26 =	vmul.f32 v27, v36;
	v36 =	vadd.f32 v31, v30;
	v27 =	vmul.f32 v28, v41  }
0xb4: {  	v32 =	vld.idx.msk [tilespmem:v21+s22+$0x2280 ss:$0x1], $0xffff;
	v28 =	vmul.f32 v29, v43;
	v41 =	vimm.f32 $0.0e+00;
	v34 =	vadd.f32 v23, v30  }
0xb5: {  	s28 =	simm.s32 $0x10;
	v24 =	vld.idx.msk [tilespmem:v21+s22+$0x2300 ss:$0x1], $0xffff;
	v31 =	vadd.f32 v26, v30;
	v22 =	vmul.f32 v33, v22;
	v29 =	vadd.f32 v27, v30  }
0xb6: {  	s21 =	sor.u32 $0x8000, s2;
	s7 =	sand.u32 $0x70, s28;
	s23 =	simm.s32 $0x80;
	v43 =	vld [tilespmem:s22+$0xE300];
	v26 =	vadd.f32 v28, v30;
	v33 =	vimm.f32 $0.0e+00;
	v28 =	vimm.f32 $0.0e+00  }
0xb7: {  	s24 =	simm.s32 $0x20;
	s19 =	sand.u32 $0x1C00, s23;
	s18 =	sor.u32 s28, s23;
	v46 =	vld [tilespmem:s22+$0xE380];
	v23 =	vimm.f32 $0.0e+00;
	v27 =	vadd.f32 v22, v30;
	v22 =	vimm.f32 $0.0e+00  }
.LBB2_3:
0xb8: {  	p0 =	sne.s32 s24, $0x3F0;
	s14 =	sor.u32 $0x2380, s18;
	v30 =	vadd.f32 v49, v30;
	v42 =	vmul.f32 v42, v47;
	v47 =	vld [tilespmem:s22+$0xE400];
	s22 =	sor.u32 s7, s19  }
0xb9: {  	s7 =	sor.u32 $0x380, s18;
	v49 =	vld.idx.msk [tilespmem:v21+s14+$0x0 ss:$0x1], $0xffff;
	v41 =	vadd.f32 v48, v41;
	v39 =	vmul.f32 v39, v45  }
0xba: {  	v45 =	vld [tilespmem:s14+$0xC100];
	v40 =	vadd.f32 v42, v40;
	v37 =	vmul.f32 v37, v44  }
0xbb: {  	v44 =	vld.idx.msk [tilespmem:v21+s22+$0x0 ss:$0x1], $0xffff;
	v38 =	vadd.f32 v39, v38;
	v25 =	vmul.f32 v25, v43  }
0xbc: {  	v43 =	vld.idx.msk [tilespmem:v21+s22+$0x80 ss:$0x1], $0xffff;
	v33 =	vadd.f32 v37, v33;
	v32 =	vmul.f32 v32, v46  }
0xbd: {  	v46 =	vld.idx.msk [tilespmem:v21+s22+$0x100 ss:$0x1], $0xffff;
	v28 =	vadd.f32 v25, v28;
	v24 =	vmul.f32 v24, v47  }
0xbe: {  	v47 =	vld.idx.msk [tilespmem:v21+s22+$0x180 ss:$0x1], $0xffff;
	v23 =	vadd.f32 v32, v23  }
0xbf: {  	v48 =	vld.idx.msk [tilespmem:v21+s22+$0x200 ss:$0x1], $0xffff;
	v25 =	vmul.f32 v49, v45;
	v22 =	vadd.f32 v24, v22  }
0xc0: {  	v45 =	vld.idx.msk [tilespmem:v21+s22+$0x280 ss:$0x1], $0xffff  }
0xc1: {  	v49 =	vld.idx.msk [tilespmem:v21+s22+$0x300 ss:$0x1], $0xffff;
	v20 =	vadd.f32 v25, v20  }
0xc2: {  	v50 =	vld.idx.msk [tilespmem:v21+s7+$0x0 ss:$0x1], $0xffff  }
0xc3: {  	v51 =	vld.idx.msk [tilespmem:v21+s22+$0x2000 ss:$0x1], $0xffff  }
0xc4: {  	v42 =	vld.idx.msk [tilespmem:v21+s22+$0x2080 ss:$0x1], $0xffff  }
0xc5: {  	v39 =	vld.idx.msk [tilespmem:v21+s22+$0x2100 ss:$0x1], $0xffff  }
0xc6: {  	v37 =	vld.idx.msk [tilespmem:v21+s22+$0x2180 ss:$0x1], $0xffff  }
0xc7: {  	v25 =	vld.idx.msk [tilespmem:v21+s22+$0x2200 ss:$0x1], $0xffff  }
0xc8: {  	v32 =	vld.idx.msk [tilespmem:v21+s22+$0x2280 ss:$0x1], $0xffff  }
0xc9: {  	v24 =	vld.idx.msk [tilespmem:v21+s22+$0x2300 ss:$0x1], $0xffff  }
0xca: {  	v52 =	vld [tilespmem:s22+$0xC100]  }
0xcb: {  	v53 =	vld [tilespmem:s22+$0xC180]  }
0xcc: {  	v54 =	vld [tilespmem:s22+$0xC200]  }
0xcd: {  	v55 =	vld [tilespmem:s22+$0xC280]  }
0xce: {  	v56 =	vld [tilespmem:s22+$0xC300]  }
0xcf: {  	v44 =	vmul.f32 v44, v52;
	v52 =	vld [tilespmem:s22+$0xC380]  }
0xd0: {  	v43 =	vmul.f32 v43, v53;
	v53 =	vld [tilespmem:s22+$0xC400]  }
0xd1: {  	v35 =	vadd.f32 v44, v35;
	v44 =	vmul.f32 v46, v54;
	v46 =	vld [tilespmem:s7+$0xC100]  }
0xd2: {  	v36 =	vadd.f32 v43, v36;
	v43 =	vmul.f32 v47, v55;
	v54 =	vld [tilespmem:s22+$0xE100]  }
.Ltmp4:
0xd3: {  	v34 =	vadd.f32 v44, v34;
	v44 =	vmul.f32 v48, v56;
	v47 =	vld [tilespmem:s22+$0xE180];
	(pc) =	sbr.rel @p0 .LBB2_3-.Ltmp4, $4  }
0xd4: {  	v31 =	vadd.f32 v43, v31;
	v43 =	vmul.f32 v45, v52;
	v45 =	vld [tilespmem:s22+$0xE200]  }
0xd5: {  	v29 =	vadd.f32 v44, v29;
	v48 =	vmul.f32 v49, v53;
	v44 =	vld [tilespmem:s22+$0xE280]  }
0xd6: {  	s23 =	sadd.s32 $0x80, s23;
	s7 =	sand.u32 $0x70, s24;
	v26 =	vadd.f32 v43, v26;
	v49 =	vmul.f32 v50, v46;
	v43 =	vld [tilespmem:s22+$0xE300]  }
0xd7: {  	s19 =	sand.u32 $0x1C00, s23;
	s18 =	sor.u32 s24, s23;
	s24 =	sadd.s32 $0x10, s24;
	v27 =	vadd.f32 v48, v27;
	v48 =	vmul.f32 v51, v54;
	v46 =	vld [tilespmem:s22+$0xE380]  }
0xd8: {  	v1 =	vld [tilespmem:s22+$0xE400];
	_ =	sdelay $0x3  }
0xd9: {  	s14 =	sor.u32 $0x2380, s18  }
0xda: {  	[tilespmem:$0x1FF70] =	vst v1;
	v1 =	vld.idx.msk [tilespmem:v21+s14+$0x0 ss:$0x1], $0xffff;
	_ =	sdelay $0x4  }
0xdb: {  	[tilespmem:$0x1FFB0] =	vst v1;
	v1 =	vld [tilespmem:s14+$0xC100];
	_ =	sdelay $0x3  }
0xdc: {  	s18 =	sor.u32 $0x380, s18  }
0xdd: {  	[tilespmem:$0x1FFC0] =	vst v1;
	v1 =	vld.idx.msk [tilespmem:v21+s18+$0x0 ss:$0x1], $0xffff;
	_ =	sdelay $0x3  }
0xde: {  	s7 =	sor.u32 s7, s19  }
0xdf: {  	[tilespmem:$0x1FF20] =	vst v1;
	v1 =	vld.idx.msk [tilespmem:v21+s7+$0x2000 ss:$0x1], $0xffff;
	_ =	sdelay $0x4  }
0xe0: {  	[tilespmem:$0x1FF30] =	vst v1;
	v1 =	vld.idx.msk [tilespmem:v21+s7+$0x2080 ss:$0x1], $0xffff;
	_ =	sdelay $0x4  }
0xe1: {  	[tilespmem:$0x1FF40] =	vst v1;
	v1 =	vld.idx.msk [tilespmem:v21+s7+$0x2100 ss:$0x1], $0xffff;
	_ =	sdelay $0x3  }
0xe2: {  	v53 =	vld.idx.msk [tilespmem:v21+s7+$0x0 ss:$0x1], $0xffff  }
0xe3: {  	[tilespmem:$0x1FF50] =	vst v1;
	v1 =	vld.idx.msk [tilespmem:v21+s7+$0x2180 ss:$0x1], $0xffff  }
0xe4: {  	v54 =	vld.idx.msk [tilespmem:v21+s7+$0x80 ss:$0x1], $0xffff  }
0xe5: {  	v55 =	vld.idx.msk [tilespmem:v21+s7+$0x100 ss:$0x1], $0xffff  }
0xe6: {  	v57 =	vld.idx.msk [tilespmem:v21+s7+$0x180 ss:$0x1], $0xffff  }
0xe7: {  	v59 =	vld.idx.msk [tilespmem:v21+s7+$0x200 ss:$0x1], $0xffff  }
0xe8: {  	[tilespmem:$0x1FF60] =	vst v1;
	v1 =	vld.idx.msk [tilespmem:v21+s7+$0x2200 ss:$0x1], $0xffff  }
0xe9: {  	v61 =	vld.idx.msk [tilespmem:v21+s7+$0x280 ss:$0x1], $0xffff  }
0xea: {  	v62 =	vld.idx.msk [tilespmem:v21+s7+$0x300 ss:$0x1], $0xffff  }
0xeb: {  	v2 =	vld [tilespmem:s7+$0xC180]  }
0xec: {  	v3 =	vld [tilespmem:s7+$0xC200]  }
0xed: {  	[tilespmem:$0x1FF80] =	vst v1;
	v1 =	vld.idx.msk [tilespmem:v21+s7+$0x2280 ss:$0x1], $0xffff  }
0xee: {  	v19 =	vld [tilespmem:s7+$0xC280]  }
0xef: {  	v50 =	vld [tilespmem:s7+$0xC380]  }
0xf0: {  	v51 =	vld [tilespmem:s7+$0xC400]  }
0xf1: {  	v52 =	vld [tilespmem:s18+$0xC100]  }
0xf2: {  	[tilespmem:$0x1FF90] =	vst v1;
	v1 =	vld.idx.msk [tilespmem:v21+s7+$0x2300 ss:$0x1], $0xffff  }
0xf3: {  	v56 =	vld [tilespmem:s7+$0xE100]  }
0xf4: {  	v58 =	vld [tilespmem:s7+$0xE180]  }
0xf5: {  	v21 =	vld [tilespmem:s7+$0xC300]  }
0xf6: {  	v41 =	vadd.f32 v48, v41;
	v48 =	vmul.f32 v61, v50;
	v50 =	vmul.f32 v62, v51;
	v51 =	vld [tilespmem:$0x1FF20]  }
0xf7: {  	[tilespmem:$0x1FFA0] =	vst v1;
	v1 =	vld [tilespmem:s7+$0xC100]  }
0xf8: {  	v60 =	vld [tilespmem:s7+$0xE200]  }
0xf9: {  	v30 =	vadd.f32 v49, v30;
	v49 =	vld [tilespmem:s7+$0xE300];
	v19 =	vmul.f32 v57, v19  }
0xfa: {  	v42 =	vmul.f32 v42, v47;
	v47 =	vld [tilespmem:s7+$0xE400];
	v21 =	vmul.f32 v59, v21  }
0xfb: {  	v19 =	vadd.f32 v19, v31;
	v57 =	vld [tilespmem:$0x1FF40]  }
0xfc: {  	v31 =	vmul.f32 v51, v52;
	v59 =	vld [tilespmem:$0x1FF50];
	v21 =	vadd.f32 v21, v29;
	v1 =	vmul.f32 v53, v1  }
0xfd: {  	v53 =	vld [tilespmem:s7+$0xE280]  }
0xfe: {  	v3 =	vmul.f32 v55, v3;
	v1 =	vadd.f32 v1, v35;
	v35 =	vld [tilespmem:s7+$0xE380];
	[tilespmem:$0x1C140] =	vst v21;
	v21 =	vadd.f32 v31, v30;
	_ =	sdelay $0x1  }
0xff: {  	v39 =	vmul.f32 v39, v45;
	v3 =	vadd.f32 v3, v34;
	[tilespmem:$0x1C170] =	vst v21;
	v21 =	vld [tilespmem:$0x1FF70]  }
0x100: {  	v2 =	vmul.f32 v54, v2  }
0x101: {  	v55 =	vld [tilespmem:$0x1FF30];
	[tilespmem:$0x1C120] =	vst v3;
	v3 =	vadd.f32 v39, v38;
	v30 =	vmul.f32 v59, v60  }
0x102: {  	v2 =	vadd.f32 v2, v36;
	v61 =	vld [tilespmem:$0x1FF80];
	v29 =	vmul.f32 v57, v58;
	[tilespmem:$0x1C100] =	vst v1;
	v1 =	vadd.f32 v42, v40  }
0x103: {  	v60 =	vld [tilespmem:$0x1FF60];
	v3 =	vadd.f32 v30, v3  }
0x104: {  	v62 =	vld [tilespmem:$0x1FF90];
	[tilespmem:$0x1C110] =	vst v2;
	v1 =	vadd.f32 v29, v1;
	v21 =	vmul.f32 v24, v21  }
0x105: {  	[tilespmem:$0x1C1A0] =	vst v3;
	v3 =	vld [tilespmem:$0x1FFB0]  }
0x106: {  	v26 =	vadd.f32 v48, v26;
	v2 =	vmul.f32 v37, v44;
	[tilespmem:$0x1C190] =	vst v1;
	v1 =	vadd.f32 v21, v22;
	v21 =	vld [tilespmem:$0x1FFA0]  }
0x107: {  	v54 =	vadd.f32 v50, v27;
	v27 =	vmul.f32 v55, v56;
	[tilespmem:$0x1C130] =	vst v19;
	v19 =	vmul.f32 v25, v43;
	v22 =	vld [tilespmem:$0x1FFC0]  }
0x108: {  	v58 =	vmul.f32 v32, v46;
	v2 =	vadd.f32 v2, v33;
	v25 =	vmul.f32 v60, v53  }
0x109: {  	v27 =	vadd.f32 v27, v41;
	[tilespmem:$0x1C150] =	vst v26;
	v19 =	vadd.f32 v19, v28;
	v24 =	vmul.f32 v61, v49  }
0x10a: {  	v23 =	vadd.f32 v58, v23;
	[tilespmem:$0x1C160] =	vst v54;
	v2 =	vadd.f32 v25, v2;
	v25 =	vmul.f32 v62, v35  }
0x10b: {  	[tilespmem:$0x1C180] =	vst v27;
	v19 =	vadd.f32 v24, v19;
	v21 =	vmul.f32 v21, v47  }
0x10c: {  	[tilespmem:$0x1C1B0] =	vst v2;
	v3 =	vmul.f32 v3, v22;
	v22 =	vadd.f32 v25, v23  }
0x10d: {  	[tilespmem:$0x1C1C0] =	vst v19;
	v1 =	vadd.f32 v21, v1  }
0x10e: {  	v2 =	vadd.f32 v3, v20;
	[tilespmem:$0x1C1D0] =	vst v22  }
0x10f: {  	[tilespmem:$0x1C1E0] =	vst v1  }
0x110: {  	[tilespmem:$0x1C1F0] =	vst v2  }
0x111: {  	v1 =	vld.idx.msk [tilespmem:v0+s1+$0x0], $0xffff  }
0x112: {  	v2 =	vld.idx.msk [tilespmem:v4+s1+$0x0], $0xffff;
	_ =	sdelay $0x1  }
0x113: {  	v3 =	vld.idx.msk [tilespmem:v5+s1+$0x0], $0xffff;
	_ =	sdelay $0x1  }
0x114: {  	v19 =	vld.idx.msk [tilespmem:v6+s1+$0x0], $0xffff  }
0x115: {  	v1 =	vadd.f32 v2, v1  }
0x116: {  	v2 =	vld.idx.msk [tilespmem:v7+s1+$0x0], $0xffff  }
0x117: {  	v1 =	vadd.f32 v3, v1  }
0x118: {  	v3 =	vld.idx.msk [tilespmem:v8+s1+$0x0], $0xffff  }
0x119: {  	v1 =	vadd.f32 v19, v1  }
0x11a: {  	v19 =	vld.idx.msk [tilespmem:v9+s1+$0x0], $0xffff  }
0x11b: {  	v1 =	vadd.f32 v2, v1  }
0x11c: {  	v2 =	vld.idx.msk [tilespmem:v10+s1+$0x0], $0xffff  }
0x11d: {  	v1 =	vadd.f32 v3, v1  }
0x11e: {  	v3 =	vld.idx.msk [tilespmem:v11+s1+$0x0], $0xffff  }
0x11f: {  	v1 =	vadd.f32 v19, v1  }
0x120: {  	v19 =	vld.idx.msk [tilespmem:v12+s1+$0x0], $0xffff  }
0x121: {  	v1 =	vadd.f32 v2, v1  }
0x122: {  	v2 =	vld.idx.msk [tilespmem:v13+s1+$0x0], $0xffff  }
0x123: {  	v1 =	vadd.f32 v3, v1  }
0x124: {  	v3 =	vld.idx.msk [tilespmem:v14+s1+$0x0], $0xffff  }
0x125: {  	v1 =	vadd.f32 v19, v1  }
0x126: {  	v19 =	vld.idx.msk [tilespmem:v15+s1+$0x0], $0xffff  }
0x127: {  	v1 =	vadd.f32 v2, v1  }
0x128: {  	v2 =	vld.idx.msk [tilespmem:v16+s1+$0x0], $0xffff  }
0x129: {  	v1 =	vadd.f32 v3, v1;
	_ =	sdelay $0x1  }
0x12a: {  	v1 =	vadd.f32 v19, v1  }
0x12b: {  	v3 =	vld.idx.msk [tilespmem:v17+s1+$0x0], $0xffff  }
0x12c: {  	v1 =	vadd.f32 v2, v1;
	v2 =	vld [tilespmem:$0x1FFD0]  }
0x12d: {  	v19 =	vld.idx.msk [tilespmem:v18+s1+$0x0], $0xffff;
	_ =	sdelay $0x2  }
0x12e: {  	v1 =	vadd.f32 v3, v1;
	_ =	sdelay $0x1  }
0x12f: {  	v1 =	vadd.f32 v19, v1  }
0x130: {  	s0 =	simm.s32 $0x1C200  }
0x131: {  	[tilespmem:v2+s0+$0x0] =	vst.idx.msk $0xffff, v1  }
0x132: {  	v1 =	vld [tilespmem:s2+$0x8000];
	_ =	sdelay $0x2  }
0x133: {  	v56 =	vld [tilespmem:$0x1FFE0];
	_ =	sdelay $0x1  }
0x134: {  	v2 =	vshll.u32 v1, $0x3  }
0x135: {  	v1 =	vand.u32 $0x7, v1;
	v2 =	vand.u32 $0xFFFFFFC0, v2  }
0x136: {  	v1 =	vor.u32 v1, v2  }
0x137: {  	v2 =	vperm.xlane v1, v56;
	_ =	sdelay $0x1  }
0x138: {  	v2 =	vadd.s32 v63, v2  }
0x139: {  	v57 =	vld [tilespmem:$0x1FFF0];
	_ =	sdelay $0x2  }
0x13a: {  	s22 =	simm.s32 $0x0  }
0x13b: {  	[tilespmem:s25], [sflag:$0x1] =	stream.indirect_vreg.gather [hbm4b:s4+s22], $0x80, v2, vm0, $0xb8;
	[tilespmem:$0x1CA00] =	vst v63  }
0x13c: {  	v1 =	vperm.xlane v1, v57  }
0x13d: {  	[tilespmem:s26], [sflag:$0x1] =	stream.indirect_vreg.gather [hbm4b:s11+s22], $0x80, v2, vm0, $0xb8;
	[tilespmem:$0x1CA00] =	vst v63  }
0x13e: {  	s19 =	simm.s32 $0xD100;
	v1 =	vadd.s32 v63, v1  }
0x13f: {  	[tilespmem:s19], [sflag:$0x1] =	stream.indirect_vreg.gather [hbm4b:s12+s22], $0x80, v2, vm0, $0xb8;
	[tilespmem:$0x1CA00] =	vst v63  }
0x140: {  	s23 =	simm.s32 $0xD900  }
0x141: {  	[tilespmem:s23], [sflag:$0x1] =	stream.indirect_vreg.gather [hbm4b:s13+s22], $0x80, v2, vm0, $0xb8;
	[tilespmem:$0x1CA00] =	vst v63  }
0x142: {  	s24 =	simm.s32 $0xE100  }
0x143: {  	[tilespmem:s24], [sflag:$0x1] =	stream.indirect_vreg.gather [hbm4b:s4+s22], $0x80, v1, vm0, $0xb8;
	[tilespmem:$0x1CA00] =	vst v63  }
0x144: {  	s25 =	simm.s32 $0xE900  }
0x145: {  	[tilespmem:s25], [sflag:$0x1] =	stream.indirect_vreg.gather [hbm4b:s11+s22], $0x80, v1, vm0, $0xb8;
	[tilespmem:$0x1CA00] =	vst v63  }
0x146: {  	s26 =	simm.s32 $0xF100  }
0x147: {  	[tilespmem:s26], [sflag:$0x1] =	stream.indirect_vreg.gather [hbm4b:s12+s22], $0x80, v1, vm0, $0xb8;
	[tilespmem:$0x1CA00] =	vst v63  }
0x148: {  	s28 =	simm.s32 $0xF900;
	s23 =	simm.s32 $0x0  }
0x149: {  	v20 =	vmov s21;
	[tilespmem:s28], [sflag:$0x1] =	stream.indirect_vreg.gather [hbm4b:s13+s22], $0x80, v1, vm0, $0xb8;
	[tilespmem:$0x1CA00] =	vst v63  }
.LBB2_5:
0x14a: {  	s2 =	sshll.u32 s23, $0xA  }
0x14b: {  	_ =	swait.ge [sflag:s29], $0x4000;
	s7 =	sand.u32 $0x2000, s2;
	s2 =	sshll.u32 s23, $0x7  }
0x14c: {  	s19 =	sand.u32 $0x70, s22;
	s14 =	sand.u32 $0x380, s2;
	s7 =	sadd.s32 s7, s20  }
0x14d: {  	s25 =	sand.u32 $0x1C00, s22;
	[sflag:s29] =	ssyncset.done $0x0;
	s24 =	sadd.s32 s14, s7  }
0x14e: {  	[sflag:s29] =	ssyncadd.s32 $0xFFFFC000;
	s18 =	sadd.s32 s25, s24;
	s25 =	sor.u32 s19, s25  }
0x14f: {  	v1 =	vld [tilespmem:s25+$0xE480]  }
0x150: {  	v2 =	vld [tilespmem:s25+$0xC100]  }
0x151: {  	v3 =	vld [tilespmem:s25+$0xC180]  }
0x152: {  	s7 =	sadd.s32 s19, s18;
	v19 =	vld [tilespmem:s25+$0xC200]  }
0x153: {  	s26 =	sor.u32 s22, s22;
	v22 =	vld [tilespmem:s7+$0x0]  }
0x154: {  	v23 =	vld [tilespmem:s25+$0xC280];
	s7 =	sor.u32 $0x380, s26  }
0x155: {  	v27 =	vld [tilespmem:s7+$0xC100]  }
0x156: {  	v24 =	vld [tilespmem:s25+$0xC300]  }
0x157: {  	v30 =	vimm.f32 $0.0e+00;
	v36 =	vimm.f32 $0.0e+00;
	v25 =	vld [tilespmem:s25+$0xC380]  }
0x158: {  	v37 =	vimm.f32 $0.0e+00;
	v35 =	vimm.f32 $0.0e+00;
	v26 =	vld [tilespmem:s25+$0xC400];
	v1 =	vmul.f32 v1, v22  }
0x159: {  	v33 =	vimm.f32 $0.0e+00;
	v2 =	vmul.f32 v2, v22;
	v3 =	vmul.f32 v3, v22  }
0x15a: {  	v44 =	vmul.f32 v27, v22;
	v27 =	vimm.f32 $0.0e+00;
	v21 =	vadd.f32 v1, v30;
	v1 =	vld [tilespmem:s25+$0xE100]  }
0x15b: {  	v42 =	vld [tilespmem:s25+$0xE180];
	v34 =	vadd.f32 v2, v30;
	v2 =	vmul.f32 v19, v22;
	v19 =	vmul.f32 v23, v22  }
0x15c: {  	v40 =	vld [tilespmem:s25+$0xE200];
	v32 =	vadd.f32 v3, v30;
	v3 =	vmul.f32 v24, v22;
	v23 =	vmul.f32 v25, v22  }
0x15d: {  	v39 =	vld [tilespmem:s25+$0xE280];
	v31 =	vadd.f32 v2, v30;
	v29 =	vadd.f32 v19, v30;
	v2 =	vmul.f32 v26, v22  }
0x15e: {  	s28 =	simm.s32 $0x10;
	v38 =	vld [tilespmem:s25+$0xE300];
	s26 =	simm.s32 $0x80;
	v24 =	vimm.f32 $0.0e+00;
	v28 =	vadd.f32 v3, v30;
	v26 =	vadd.f32 v23, v30  }
0x15f: {  	s18 =	sand.u32 $0x70, s28;
	v41 =	vld [tilespmem:s25+$0xE380];
	s19 =	sand.u32 $0x1C00, s26;
	s7 =	simm.s32 $0x20;
	v23 =	vimm.f32 $0.0e+00;
	v25 =	vadd.f32 v2, v30;
	v43 =	vmul.f32 v1, v22  }
.LBB2_6:
0x160: {  	p0 =	sne.s32 s7, $0x3F0;
	s14 =	sadd.s32 s19, s24;
	v30 =	vadd.f32 v44, v30;
	v1 =	vmul.f32 v42, v22;
	v2 =	vld [tilespmem:s25+$0xE400];
	s25 =	sor.u32 s18, s19  }
0x161: {  	s14 =	sadd.s32 s18, s14;
	s18 =	sor.u32 s26, s28;
	v3 =	vld [tilespmem:s25+$0xE480];
	v36 =	vadd.f32 v43, v36;
	v19 =	vmul.f32 v40, v22;
	s28 =	smov.u32 s7  }
0x162: {  	v40 =	vld [tilespmem:s14+$0x0];
	s14 =	sor.u32 $0x380, s18;
	v37 =	vadd.f32 v1, v37;
	v1 =	vmul.f32 v39, v22  }
0x163: {  	v39 =	vld [tilespmem:s25+$0xC100];
	v35 =	vadd.f32 v19, v35;
	v19 =	vmul.f32 v38, v22  }
0x164: {  	v38 =	vld [tilespmem:s25+$0xC180];
	v33 =	vadd.f32 v1, v33;
	v1 =	vmul.f32 v41, v22  }
0x165: {  	v41 =	vld [tilespmem:s25+$0xC200];
	v27 =	vadd.f32 v19, v27;
	v2 =	vmul.f32 v2, v22  }
0x166: {  	v19 =	vld [tilespmem:s25+$0xC280];
	v24 =	vadd.f32 v1, v24  }
0x167: {  	v1 =	vld [tilespmem:s25+$0xC300];
	v3 =	vmul.f32 v3, v40;
	v23 =	vadd.f32 v2, v23;
	v22 =	vmov v40  }
0x168: {  	v2 =	vmul.f32 v39, v22;
	v39 =	vld [tilespmem:s25+$0xC380]  }
0x169: {  	v38 =	vmul.f32 v38, v22;
	v43 =	vld [tilespmem:s25+$0xC400];
	v21 =	vadd.f32 v3, v21  }
0x16a: {  	v34 =	vadd.f32 v2, v34;
	v2 =	vmul.f32 v41, v22;
	v3 =	vld [tilespmem:s14+$0xC100]  }
0x16b: {  	v32 =	vadd.f32 v38, v32;
	v19 =	vmul.f32 v19, v22;
	v41 =	vld [tilespmem:s25+$0xE100]  }
.Ltmp5:
0x16c: {  	v31 =	vadd.f32 v2, v31;
	v1 =	vmul.f32 v1, v22;
	v42 =	vld [tilespmem:s25+$0xE180];
	(pc) =	sbr.rel @p0 .LBB2_6-.Ltmp5, $4  }
0x16d: {  	v29 =	vadd.f32 v19, v29;
	v2 =	vmul.f32 v39, v22;
	v40 =	vld [tilespmem:s25+$0xE200]  }
0x16e: {  	v28 =	vadd.f32 v1, v28;
	v1 =	vmul.f32 v43, v22;
	v39 =	vld [tilespmem:s25+$0xE280]  }
0x16f: {  	s26 =	sadd.s32 $0x80, s26;
	v26 =	vadd.f32 v2, v26;
	v44 =	vmul.f32 v3, v22;
	v38 =	vld [tilespmem:s25+$0xE300]  }
0x170: {  	s7 =	sadd.s32 $0x10, s7;
	s18 =	sand.u32 $0x70, s28;
	s19 =	sand.u32 $0x1C00, s26;
	v25 =	vadd.f32 v1, v25;
	v43 =	vmul.f32 v41, v22;
	v41 =	vld [tilespmem:s25+$0xE380]  }
0x171: {  	s14 =	sor.u32 s18, s19;
	v1 =	vld [tilespmem:s25+$0xE400]  }
0x172: {  	v2 =	vld [tilespmem:s14+$0xE480]  }
0x173: {  	v19 =	vld [tilespmem:s14+$0xC100]  }
0x174: {  	v45 =	vld [tilespmem:s14+$0xC180]  }
0x175: {  	v46 =	vld [tilespmem:s14+$0xC200]  }
0x176: {  	v47 =	vld [tilespmem:s14+$0xC280]  }
0x177: {  	s7 =	sadd.s32 s19, s24;
	v48 =	vld [tilespmem:s14+$0xC300]  }
0x178: {  	s7 =	sadd.s32 s18, s7;
	v49 =	vld [tilespmem:s14+$0xC380]  }
0x179: {  	v3 =	vld [tilespmem:s7+$0x0]  }
0x17a: {  	v50 =	vld [tilespmem:s14+$0xC400]  }
0x17b: {  	v52 =	vld [tilespmem:s14+$0xE100]  }
0x17c: {  	v53 =	vld [tilespmem:s14+$0xE180]  }
0x17d: {  	v54 =	vld [tilespmem:s14+$0xE200]  }
0x17e: {  	s0 =	sor.u32 s26, s28;
	v55 =	vld [tilespmem:s14+$0xE280];
	v19 =	vmul.f32 v19, v3  }
0x17f: {  	v59 =	vld [tilespmem:s14+$0xE400];
	s7 =	sor.u32 $0x380, s0;
	v61 =	vmul.f32 v45, v3  }
0x180: {  	v30 =	vadd.f32 v44, v30;
	v51 =	vld [tilespmem:s7+$0xC100];
	v62 =	vmul.f32 v46, v3;
	v19 =	vadd.f32 v19, v34  }
0x181: {  	v42 =	vmul.f32 v42, v22;
	v45 =	vld [tilespmem:s14+$0xE300];
	v58 =	vmul.f32 v47, v3;
	v32 =	vadd.f32 v61, v32  }
0x182: {  	v36 =	vadd.f32 v43, v36;
	v46 =	vld [tilespmem:s14+$0xE380];
	v2 =	vmul.f32 v2, v3;
	v31 =	vadd.f32 v62, v31;
	[tilespmem:$0x1C100] =	vst v19  }
0x183: {  	v60 =	vmul.f32 v40, v22;
	v29 =	vadd.f32 v58, v29;
	v61 =	vmul.f32 v49, v3;
	[tilespmem:$0x1C110] =	vst v32  }
0x184: {  	v37 =	vadd.f32 v42, v37;
	v2 =	vadd.f32 v2, v21;
	v19 =	vmul.f32 v48, v3;
	[tilespmem:$0x1C120] =	vst v31  }
0x185: {  	v1 =	vmul.f32 v1, v22;
	v31 =	vmul.f32 v50, v3;
	v26 =	vadd.f32 v61, v26;
	[tilespmem:$0x1C130] =	vst v29  }
0x186: {  	v62 =	vmul.f32 v54, v3;
	v29 =	vmul.f32 v51, v3;
	[tilespmem:$0x1C1F0] =	vst v2;
	v19 =	vadd.f32 v19, v28  }
0x187: {  	v32 =	vadd.f32 v60, v35;
	v28 =	vmul.f32 v39, v22;
	v25 =	vadd.f32 v31, v25;
	[tilespmem:$0x1C150] =	vst v26  }
0x188: {  	v31 =	vmul.f32 v38, v22;
	v29 =	vadd.f32 v29, v30;
	v30 =	vmul.f32 v53, v3;
	[tilespmem:$0x1C140] =	vst v19  }
0x189: {  	v26 =	vmul.f32 v41, v22;
	v22 =	vadd.f32 v62, v32;
	v19 =	vmul.f32 v52, v3;
	[tilespmem:$0x1C160] =	vst v25  }
0x18a: {  	v25 =	vadd.f32 v31, v27;
	v27 =	vadd.f32 v30, v37;
	[tilespmem:$0x1C170] =	vst v29;
	v29 =	vmul.f32 v45, v3  }
0x18b: {  	v28 =	vadd.f32 v28, v33;
	v30 =	vmul.f32 v55, v3;
	[tilespmem:$0x1C1A0] =	vst v22;
	v19 =	vadd.f32 v19, v36  }
0x18c: {  	v1 =	vadd.f32 v1, v23;
	[tilespmem:$0x1C190] =	vst v27;
	v23 =	vadd.f32 v29, v25;
	v25 =	vmul.f32 v59, v3  }
0x18d: {  	[tilespmem:$0x1C180] =	vst v19;
	v19 =	vadd.f32 v26, v24;
	v24 =	vadd.f32 v30, v28;
	v26 =	vmul.f32 v46, v3  }
0x18e: {  	v1 =	vadd.f32 v25, v1;
	[tilespmem:$0x1C1C0] =	vst v23  }
0x18f: {  	v3 =	vadd.f32 v26, v19;
	[tilespmem:$0x1C1B0] =	vst v24  }
0x190: {  	[tilespmem:$0x1C1E0] =	vst v1  }
0x191: {  	[tilespmem:$0x1C1D0] =	vst v3  }
0x192: {  	v1 =	vld.idx.msk [tilespmem:v0+s1+$0x0], $0xffff  }
0x193: {  	v2 =	vld.idx.msk [tilespmem:v4+s1+$0x0], $0xffff;
	_ =	sdelay $0x1  }
0x194: {  	v3 =	vld.idx.msk [tilespmem:v5+s1+$0x0], $0xffff;
	_ =	sdelay $0x1  }
0x195: {  	v19 =	vld.idx.msk [tilespmem:v6+s1+$0x0], $0xffff  }
0x196: {  	v1 =	vadd.f32 v2, v1  }
0x197: {  	v2 =	vld.idx.msk [tilespmem:v7+s1+$0x0], $0xffff  }
0x198: {  	v1 =	vadd.f32 v3, v1  }
0x199: {  	v3 =	vld.idx.msk [tilespmem:v8+s1+$0x0], $0xffff  }
0x19a: {  	v1 =	vadd.f32 v19, v1  }
0x19b: {  	v19 =	vld.idx.msk [tilespmem:v9+s1+$0x0], $0xffff  }
0x19c: {  	v1 =	vadd.f32 v2, v1  }
0x19d: {  	v2 =	vld.idx.msk [tilespmem:v10+s1+$0x0], $0xffff  }
0x19e: {  	v1 =	vadd.f32 v3, v1  }
0x19f: {  	v3 =	vld.idx.msk [tilespmem:v11+s1+$0x0], $0xffff  }
0x1a0: {  	v1 =	vadd.f32 v19, v1  }
0x1a1: {  	v19 =	vld.idx.msk [tilespmem:v12+s1+$0x0], $0xffff  }
0x1a2: {  	v1 =	vadd.f32 v2, v1  }
0x1a3: {  	v2 =	vld.idx.msk [tilespmem:v13+s1+$0x0], $0xffff  }
0x1a4: {  	v1 =	vadd.f32 v3, v1  }
0x1a5: {  	v3 =	vld.idx.msk [tilespmem:v14+s1+$0x0], $0xffff  }
0x1a6: {  	v1 =	vadd.f32 v19, v1  }
0x1a7: {  	v19 =	vld.idx.msk [tilespmem:v15+s1+$0x0], $0xffff  }
0x1a8: {  	v1 =	vadd.f32 v2, v1  }
0x1a9: {  	v2 =	vld.idx.msk [tilespmem:v16+s1+$0x0], $0xffff  }
0x1aa: {  	v1 =	vadd.f32 v3, v1  }
0x1ab: {  	v3 =	vld.idx.msk [tilespmem:v17+s1+$0x0], $0xffff  }
0x1ac: {  	v1 =	vadd.f32 v19, v1  }
0x1ad: {  	v19 =	vld.idx.msk [tilespmem:v18+s1+$0x0], $0xffff  }
0x1ae: {  	v1 =	vadd.f32 v2, v1;
	_ =	sdelay $0x1  }
0x1af: {  	v1 =	vadd.f32 v3, v1;
	_ =	sdelay $0x1  }
0x1b0: {  	v1 =	vadd.f32 v19, v1  }
0x1b1: {  	s25 =	sshll.u32 s23, $0xB;
	s26 =	sand.u32 $0x3FFFFF80, s2;
	p0 =	seq.s32 s23, $0xF  }
0x1b2: {  	s2 =	sshrl.u32 @!p0 s25, $0x2;
	[tilespmem:s26+$0x1C201] =	vst v1  }
0x1b3: {  	v1 =	vld.idx.msk @!p0 [tilespmem:v20+s2+$0x200 ss:$0x1], $0xffff;
	_ =	sdelay $0x4  }
0x1b4: {  	v2 =	vshll.u32 @!p0 v1, $0x3  }
0x1b5: {  	v3 =	vlaneseq.u32 @!p0;
	v1 =	vand.u32 @!p0 $0x7, v1;
	v2 =	vand.u32 @!p0 $0xFFFFFFC0, v2  }
0x1b6: {  	v19 =	vshrl.u32 @!p0 v3, $0x3;
	v1 =	vor.u32 @!p0 v1, v2;
	v2 =	vand.u32 @!p0 $0x7, v3  }
0x1b7: {  	v19 =	vmul.u32 @!p0 $0x8, v19;
	v2 =	vperm.xlane @!p0 v1, v2;
	_ =	sdelay $0x1  }
0x1b8: {  	v2 =	vadd.s32 @!p0 v19, v2;
	_ =	sdelay $0x3  }
0x1b9: {  	vm1 =	vmmov @!p0 $0xffff;
	s7 =	simm.s32 @!p0 $0x0;
	s14 =	simm.s32 @!p0 $0xC100  }
0x1ba: {  	v3 =	vor.u32 @!p0 $0x8, v3;
	[tilespmem:s14], [sflag:$0x1] =	stream.indirect_vreg.gather @!p0 [hbm4b:s4+s7], $0x80, v2, vm1, $0xb8;
	[tilespmem:$0x1CA00] =	vst v63  }
0x1bb: {  	v1 =	vperm.xlane @!p0 v1, v3;
	s14 =	simm.s32 @!p0 $0xC900  }
0x1bc: {  	[tilespmem:s14], [sflag:$0x1] =	stream.indirect_vreg.gather @!p0 [hbm4b:s11+s7], $0x80, v2, vm1, $0xb8;
	[tilespmem:$0x1CA00] =	vst v63  }
0x1bd: {  	v1 =	vadd.s32 @!p0 v19, v1;
	s14 =	simm.s32 @!p0 $0xD100  }
0x1be: {  	[tilespmem:s14], [sflag:$0x1] =	stream.indirect_vreg.gather @!p0 [hbm4b:s12+s7], $0x80, v2, vm1, $0xb8;
	[tilespmem:$0x1CA00] =	vst v63  }
0x1bf: {  	s14 =	simm.s32 @!p0 $0xD900  }
0x1c0: {  	[tilespmem:s14], [sflag:$0x1] =	stream.indirect_vreg.gather @!p0 [hbm4b:s13+s7], $0x80, v2, vm1, $0xb8;
	[tilespmem:$0x1CA00] =	vst v63  }
0x1c1: {  	s14 =	simm.s32 @!p0 $0xE100  }
0x1c2: {  	[tilespmem:s14], [sflag:$0x1] =	stream.indirect_vreg.gather @!p0 [hbm4b:s4+s7], $0x80, v1, vm1, $0xb8;
	[tilespmem:$0x1CA00] =	vst v63  }
0x1c3: {  	s14 =	simm.s32 @!p0 $0xE900  }
0x1c4: {  	[tilespmem:s14], [sflag:$0x1] =	stream.indirect_vreg.gather @!p0 [hbm4b:s11+s7], $0x80, v1, vm1, $0xb8;
	[tilespmem:$0x1CA00] =	vst v63  }
0x1c5: {  	s14 =	simm.s32 @!p0 $0xF100  }
0x1c6: {  	[tilespmem:s14], [sflag:$0x1] =	stream.indirect_vreg.gather @!p0 [hbm4b:s12+s7], $0x80, v1, vm1, $0xb8;
	[tilespmem:$0x1CA00] =	vst v63  }
0x1c7: {  	s14 =	simm.s32 @!p0 $0xF900  }
0x1c8: {  	[tilespmem:s14], [sflag:$0x1] =	stream.indirect_vreg.gather @!p0 [hbm4b:s13+s7], $0x80, v1, vm1, $0xb8;
	[tilespmem:$0x1CA00] =	vst v63  }
0x1c9: {  	s18 =	simm.s32 $0x0;
	_ =	swait.ge [sflag:s30], $0x4000  }
0x1ca: {  	s19 =	sand.u32 $0x70, s18;
	s7 =	sand.u32 $0x1C00, s18;
	[sflag:s30] =	ssyncset.done $0x0  }
0x1cb: {  	s0 =	sadd.s32 s7, s24;
	s28 =	sor.u32 s19, s7;
	[sflag:s30] =	ssyncadd.s32 $0xFFFFC000  }
0x1cc: {  	s18 =	sadd.s32 s19, s0;
	v1 =	vld [tilespmem:s28+$0x12480]  }
0x1cd: {  	v22 =	vld [tilespmem:s18+$0x0]  }
0x1ce: {  	v2 =	vld [tilespmem:s28+$0x10100]  }
0x1cf: {  	v3 =	vld [tilespmem:s28+$0x10180]  }
0x1d0: {  	v19 =	vld [tilespmem:s28+$0x10200]  }
0x1d1: {  	v23 =	vld [tilespmem:s28+$0x10280]  }
0x1d2: {  	v27 =	vld [tilespmem:s28+$0x10480]  }
0x1d3: {  	v24 =	vld [tilespmem:s28+$0x10300]  }
0x1d4: {  	v34 =	vimm.f32 $0.0e+00;
	v35 =	vimm.f32 $0.0e+00;
	v25 =	vld [tilespmem:s28+$0x10380]  }
0x1d5: {  	v37 =	vimm.f32 $0.0e+00;
	v36 =	vimm.f32 $0.0e+00;
	v26 =	vld [tilespmem:s28+$0x10400];
	v1 =	vmul.f32 v1, v22  }
0x1d6: {  	v30 =	vimm.f32 $0.0e+00;
	v2 =	vmul.f32 v2, v22;
	v3 =	vmul.f32 v3, v22  }
0x1d7: {  	v44 =	vmul.f32 v27, v22;
	v27 =	vimm.f32 $0.0e+00;
	v21 =	vadd.f32 v1, v30;
	v1 =	vld [tilespmem:s28+$0x12100]  }
0x1d8: {  	v42 =	vld [tilespmem:s28+$0x12180];
	v33 =	vadd.f32 v2, v30;
	v2 =	vmul.f32 v19, v22;
	v19 =	vmul.f32 v23, v22  }
0x1d9: {  	v39 =	vld [tilespmem:s28+$0x12200];
	v32 =	vadd.f32 v3, v30;
	v3 =	vmul.f32 v24, v22;
	v23 =	vmul.f32 v25, v22  }
0x1da: {  	v40 =	vld [tilespmem:s28+$0x12280];
	v31 =	vadd.f32 v2, v30;
	v29 =	vadd.f32 v19, v30;
	v2 =	vmul.f32 v26, v22  }
0x1db: {  	s2 =	sadd.s32 @!p0 s2, s21;
	s7 =	simm.s32 $0x80;
	s19 =	simm.s32 $0x10;
	v38 =	vld [tilespmem:s28+$0x12300];
	v24 =	vimm.f32 $0.0e+00;
	v28 =	vadd.f32 v3, v30;
	v26 =	vadd.f32 v23, v30  }
0x1dc: {  	s14 =	sand.u32 $0x1C00, s7;
	s19 =	sand.u32 $0x70, s19;
	s18 =	simm.s32 $0x20;
	v41 =	vld [tilespmem:s28+$0x12380];
	v23 =	vimm.f32 $0.0e+00;
	v25 =	vadd.f32 v2, v30;
	v43 =	vmul.f32 v1, v22  }
.LBB2_8:
0x1dd: {  	p1 =	sne.s32 s18, $0x3F0;
	s0 =	sadd.s32 s14, s24;
	v30 =	vadd.f32 v44, v30;
	v1 =	vmul.f32 v42, v22;
	v2 =	vld [tilespmem:s28+$0x12400];
	s28 =	sor.u32 s19, s14  }
0x1de: {  	s0 =	sadd.s32 s19, s0;
	v3 =	vld [tilespmem:s28+$0x12480];
	v36 =	vadd.f32 v43, v36;
	v19 =	vmul.f32 v39, v22  }
0x1df: {  	v39 =	vld [tilespmem:s0+$0x0];
	v37 =	vadd.f32 v1, v37;
	v1 =	vmul.f32 v40, v22  }
0x1e0: {  	v40 =	vld [tilespmem:s28+$0x10100];
	v35 =	vadd.f32 v19, v35;
	v19 =	vmul.f32 v38, v22  }
0x1e1: {  	v38 =	vld [tilespmem:s28+$0x10180];
	v34 =	vadd.f32 v1, v34;
	v1 =	vmul.f32 v41, v22  }
0x1e2: {  	v41 =	vld [tilespmem:s28+$0x10200];
	v27 =	vadd.f32 v19, v27;
	v2 =	vmul.f32 v2, v22  }
0x1e3: {  	v19 =	vld [tilespmem:s28+$0x10280];
	v24 =	vadd.f32 v1, v24  }
0x1e4: {  	v1 =	vld [tilespmem:s28+$0x10300];
	v3 =	vmul.f32 v3, v39;
	v23 =	vadd.f32 v2, v23;
	v22 =	vmov v39  }
0x1e5: {  	v2 =	vmul.f32 v40, v22;
	v39 =	vld [tilespmem:s28+$0x10380]  }
0x1e6: {  	v38 =	vmul.f32 v38, v22;
	v40 =	vld [tilespmem:s28+$0x10400];
	v21 =	vadd.f32 v3, v21  }
0x1e7: {  	v33 =	vadd.f32 v2, v33;
	v2 =	vmul.f32 v41, v22;
	v3 =	vld [tilespmem:s28+$0x10480]  }
0x1e8: {  	v32 =	vadd.f32 v38, v32;
	v19 =	vmul.f32 v19, v22;
	v41 =	vld [tilespmem:s28+$0x12100]  }
.Ltmp6:
0x1e9: {  	v31 =	vadd.f32 v2, v31;
	v1 =	vmul.f32 v1, v22;
	v42 =	vld [tilespmem:s28+$0x12180];
	(pc) =	sbr.rel @p1 .LBB2_8-.Ltmp6, $4  }
0x1ea: {  	v29 =	vadd.f32 v19, v29;
	v2 =	vmul.f32 v39, v22;
	v39 =	vld [tilespmem:s28+$0x12200]  }
0x1eb: {  	v28 =	vadd.f32 v1, v28;
	v1 =	vmul.f32 v40, v22;
	v40 =	vld [tilespmem:s28+$0x12280]  }
0x1ec: {  	s7 =	sadd.s32 $0x80, s7;
	v26 =	vadd.f32 v2, v26;
	v44 =	vmul.f32 v3, v22;
	v38 =	vld [tilespmem:s28+$0x12300]  }
0x1ed: {  	s19 =	sand.u32 $0x70, s18;
	s14 =	sand.u32 $0x1C00, s7;
	s18 =	sadd.s32 $0x10, s18;
	v25 =	vadd.f32 v1, v25;
	v43 =	vmul.f32 v41, v22;
	v41 =	vld [tilespmem:s28+$0x12380]  }
0x1ee: {  	s7 =	sor.u32 s19, s14;
	v1 =	vld [tilespmem:s28+$0x12400]  }
0x1ef: {  	v2 =	vld [tilespmem:s7+$0x12480]  }
0x1f0: {  	v19 =	vld [tilespmem:s7+$0x10100]  }
0x1f1: {  	v45 =	vld [tilespmem:s7+$0x10180]  }
0x1f2: {  	v46 =	vld [tilespmem:s7+$0x10200]  }
0x1f3: {  	v47 =	vld [tilespmem:s7+$0x10280]  }
0x1f4: {  	s0 =	sadd.s32 s14, s24;
	v48 =	vld [tilespmem:s7+$0x10300]  }
0x1f5: {  	s0 =	sadd.s32 s19, s0;
	v49 =	vld [tilespmem:s7+$0x10380]  }
0x1f6: {  	v3 =	vld [tilespmem:s0+$0x0]  }
0x1f7: {  	v50 =	vld [tilespmem:s7+$0x10400]  }
0x1f8: {  	v51 =	vld [tilespmem:s7+$0x10480]  }
0x1f9: {  	v52 =	vld [tilespmem:s7+$0x12100]  }
0x1fa: {  	v53 =	vld [tilespmem:s7+$0x12180]  }
0x1fb: {  	v54 =	vld [tilespmem:s7+$0x12200];
	v19 =	vmul.f32 v19, v3  }
0x1fc: {  	v55 =	vld [tilespmem:s7+$0x12280];
	v61 =	vmul.f32 v45, v3  }
0x1fd: {  	v30 =	vadd.f32 v44, v30;
	v59 =	vld [tilespmem:s7+$0x12400];
	v62 =	vmul.f32 v46, v3;
	v19 =	vadd.f32 v19, v33  }
0x1fe: {  	v42 =	vmul.f32 v42, v22;
	v45 =	vld [tilespmem:s7+$0x12300];
	v58 =	vmul.f32 v47, v3;
	v32 =	vadd.f32 v61, v32  }
0x1ff: {  	v36 =	vadd.f32 v43, v36;
	v46 =	vld [tilespmem:s7+$0x12380];
	v2 =	vmul.f32 v2, v3;
	v31 =	vadd.f32 v62, v31;
	[tilespmem:$0x1C100] =	vst v19  }
0x200: {  	v60 =	vmul.f32 v39, v22;
	v29 =	vadd.f32 v58, v29;
	v61 =	vmul.f32 v49, v3;
	[tilespmem:$0x1C110] =	vst v32  }
0x201: {  	v37 =	vadd.f32 v42, v37;
	v2 =	vadd.f32 v2, v21;
	v19 =	vmul.f32 v48, v3;
	[tilespmem:$0x1C120] =	vst v31  }
0x202: {  	v1 =	vmul.f32 v1, v22;
	v31 =	vmul.f32 v50, v3;
	v26 =	vadd.f32 v61, v26;
	[tilespmem:$0x1C130] =	vst v29  }
0x203: {  	v62 =	vmul.f32 v54, v3;
	v29 =	vmul.f32 v51, v3;
	[tilespmem:$0x1C1F0] =	vst v2;
	v19 =	vadd.f32 v19, v28  }
0x204: {  	v32 =	vadd.f32 v60, v35;
	v28 =	vmul.f32 v40, v22;
	v25 =	vadd.f32 v31, v25;
	[tilespmem:$0x1C150] =	vst v26  }
0x205: {  	v31 =	vmul.f32 v38, v22;
	v29 =	vadd.f32 v29, v30;
	v30 =	vmul.f32 v53, v3;
	[tilespmem:$0x1C140] =	vst v19  }
0x206: {  	v26 =	vmul.f32 v41, v22;
	v22 =	vadd.f32 v62, v32;
	v19 =	vmul.f32 v52, v3;
	[tilespmem:$0x1C160] =	vst v25  }
0x207: {  	v25 =	vadd.f32 v31, v27;
	v27 =	vadd.f32 v30, v37;
	[tilespmem:$0x1C170] =	vst v29;
	v29 =	vmul.f32 v45, v3  }
0x208: {  	v28 =	vadd.f32 v28, v34;
	v30 =	vmul.f32 v55, v3;
	[tilespmem:$0x1C1A0] =	vst v22;
	v19 =	vadd.f32 v19, v36  }
0x209: {  	v1 =	vadd.f32 v1, v23;
	[tilespmem:$0x1C190] =	vst v27;
	v23 =	vadd.f32 v29, v25;
	v25 =	vmul.f32 v59, v3  }
0x20a: {  	[tilespmem:$0x1C180] =	vst v19;
	v19 =	vadd.f32 v26, v24;
	v24 =	vadd.f32 v30, v28;
	v26 =	vmul.f32 v46, v3  }
0x20b: {  	v1 =	vadd.f32 v25, v1;
	[tilespmem:$0x1C1C0] =	vst v23  }
0x20c: {  	v3 =	vadd.f32 v26, v19;
	[tilespmem:$0x1C1B0] =	vst v24  }
0x20d: {  	[tilespmem:$0x1C1E0] =	vst v1  }
0x20e: {  	[tilespmem:$0x1C1D0] =	vst v3  }
0x20f: {  	v1 =	vld.idx.msk [tilespmem:v0+s1+$0x0], $0xffff  }
0x210: {  	v2 =	vld.idx.msk [tilespmem:v4+s1+$0x0], $0xffff;
	_ =	sdelay $0x1  }
0x211: {  	v3 =	vld.idx.msk [tilespmem:v5+s1+$0x0], $0xffff;
	_ =	sdelay $0x1  }
0x212: {  	v19 =	vld.idx.msk [tilespmem:v6+s1+$0x0], $0xffff  }
0x213: {  	v1 =	vadd.f32 v2, v1  }
0x214: {  	v2 =	vld.idx.msk [tilespmem:v7+s1+$0x0], $0xffff  }
0x215: {  	v1 =	vadd.f32 v3, v1  }
0x216: {  	v3 =	vld.idx.msk [tilespmem:v8+s1+$0x0], $0xffff  }
0x217: {  	v1 =	vadd.f32 v19, v1  }
0x218: {  	v19 =	vld.idx.msk [tilespmem:v9+s1+$0x0], $0xffff  }
0x219: {  	v1 =	vadd.f32 v2, v1  }
0x21a: {  	v2 =	vld.idx.msk [tilespmem:v10+s1+$0x0], $0xffff  }
0x21b: {  	v1 =	vadd.f32 v3, v1  }
0x21c: {  	v3 =	vld.idx.msk [tilespmem:v11+s1+$0x0], $0xffff  }
0x21d: {  	v1 =	vadd.f32 v19, v1  }
0x21e: {  	v19 =	vld.idx.msk [tilespmem:v12+s1+$0x0], $0xffff  }
0x21f: {  	v1 =	vadd.f32 v2, v1  }
0x220: {  	v2 =	vld.idx.msk [tilespmem:v13+s1+$0x0], $0xffff  }
0x221: {  	v1 =	vadd.f32 v3, v1  }
0x222: {  	v3 =	vld.idx.msk [tilespmem:v14+s1+$0x0], $0xffff  }
0x223: {  	v1 =	vadd.f32 v19, v1  }
0x224: {  	v19 =	vld.idx.msk [tilespmem:v15+s1+$0x0], $0xffff  }
0x225: {  	v1 =	vadd.f32 v2, v1  }
0x226: {  	v2 =	vld.idx.msk [tilespmem:v16+s1+$0x0], $0xffff  }
0x227: {  	v1 =	vadd.f32 v3, v1  }
0x228: {  	v3 =	vld.idx.msk [tilespmem:v17+s1+$0x0], $0xffff  }
0x229: {  	v1 =	vadd.f32 v19, v1  }
0x22a: {  	v19 =	vld.idx.msk [tilespmem:v18+s1+$0x0], $0xffff  }
0x22b: {  	v1 =	vadd.f32 v2, v1;
	_ =	sdelay $0x1  }
0x22c: {  	v1 =	vadd.f32 v3, v1;
	_ =	sdelay $0x1  }
0x22d: {  	v1 =	vadd.f32 v19, v1;
	_ =	sdelay $0x1  }
0x22e: {  	[tilespmem:s26+$0x1C211] =	vst v1  }
0x22f: {  	v1 =	vld @!p0 [tilespmem:s2+$0x280];
	_ =	sdelay $0x4  }
0x230: {  	v2 =	vshll.u32 @!p0 v1, $0x3  }
0x231: {  	v3 =	vlaneseq.u32 @!p0;
	v1 =	vand.u32 @!p0 $0x7, v1;
	v2 =	vand.u32 @!p0 $0xFFFFFFC0, v2  }
0x232: {  	v19 =	vshrl.u32 @!p0 v3, $0x3;
	v1 =	vor.u32 @!p0 v1, v2;
	v2 =	vand.u32 @!p0 $0x7, v3  }
0x233: {  	v19 =	vmul.u32 @!p0 $0x8, v19;
	v2 =	vperm.xlane @!p0 v1, v2;
	_ =	sdelay $0x1  }
0x234: {  	v2 =	vadd.s32 @!p0 v19, v2;
	_ =	sdelay $0x3  }
0x235: {  	s0 =	simm.s32 @!p0 $0x0;
	s7 =	simm.s32 @!p0 $0x10100  }
0x236: {  	v3 =	vor.u32 @!p0 $0x8, v3;
	[tilespmem:s7], [sflag:$0x2] =	stream.indirect_vreg.gather @!p0 [hbm4b:s4+s0], $0x80, v2, vm1, $0xb8;
	[tilespmem:$0x1CA00] =	vst v63  }
0x237: {  	v1 =	vperm.xlane @!p0 v1, v3;
	s7 =	simm.s32 @!p0 $0x10900  }
0x238: {  	[tilespmem:s7], [sflag:$0x2] =	stream.indirect_vreg.gather @!p0 [hbm4b:s11+s0], $0x80, v2, vm1, $0xb8;
	[tilespmem:$0x1CA00] =	vst v63  }
0x239: {  	v1 =	vadd.s32 @!p0 v19, v1;
	s7 =	simm.s32 @!p0 $0x11100  }
0x23a: {  	[tilespmem:s7], [sflag:$0x2] =	stream.indirect_vreg.gather @!p0 [hbm4b:s12+s0], $0x80, v2, vm1, $0xb8;
	[tilespmem:$0x1CA00] =	vst v63  }
0x23b: {  	s7 =	simm.s32 @!p0 $0x11900  }
0x23c: {  	[tilespmem:s7], [sflag:$0x2] =	stream.indirect_vreg.gather @!p0 [hbm4b:s13+s0], $0x80, v2, vm1, $0xb8;
	[tilespmem:$0x1CA00] =	vst v63  }
0x23d: {  	s7 =	simm.s32 @!p0 $0x12100  }
0x23e: {  	[tilespmem:s7], [sflag:$0x2] =	stream.indirect_vreg.gather @!p0 [hbm4b:s4+s0], $0x80, v1, vm1, $0xb8;
	[tilespmem:$0x1CA00] =	vst v63  }
0x23f: {  	s7 =	simm.s32 @!p0 $0x12900  }
0x240: {  	[tilespmem:s7], [sflag:$0x2] =	stream.indirect_vreg.gather @!p0 [hbm4b:s11+s0], $0x80, v1, vm1, $0xb8;
	[tilespmem:$0x1CA00] =	vst v63  }
0x241: {  	s7 =	simm.s32 @!p0 $0x13100  }
0x242: {  	[tilespmem:s7], [sflag:$0x2] =	stream.indirect_vreg.gather @!p0 [hbm4b:s12+s0], $0x80, v1, vm1, $0xb8;
	[tilespmem:$0x1CA00] =	vst v63  }
0x243: {  	s7 =	simm.s32 @!p0 $0x13900  }
0x244: {  	[tilespmem:s7], [sflag:$0x2] =	stream.indirect_vreg.gather @!p0 [hbm4b:s13+s0], $0x80, v1, vm1, $0xb8;
	[tilespmem:$0x1CA00] =	vst v63  }
0x245: {  	s14 =	simm.s32 $0x0;
	_ =	swait.ge [sflag:s31], $0x4000  }
0x246: {  	s18 =	sand.u32 $0x70, s14;
	s0 =	sand.u32 $0x1C00, s14;
	[sflag:s31] =	ssyncset.done $0x0  }
0x247: {  	s19 =	sadd.s32 s0, s24;
	s28 =	sor.u32 s18, s0;
	[sflag:s31] =	ssyncadd.s32 $0xFFFFC000  }
0x248: {  	s18 =	sadd.s32 s18, s19;
	v1 =	vld [tilespmem:s28+$0x16480]  }
0x249: {  	v22 =	vld [tilespmem:s18+$0x0]  }
0x24a: {  	v2 =	vld [tilespmem:s28+$0x14100]  }
0x24b: {  	v3 =	vld [tilespmem:s28+$0x14180]  }
0x24c: {  	v19 =	vld [tilespmem:s28+$0x14200]  }
0x24d: {  	v23 =	vld [tilespmem:s28+$0x14280]  }
0x24e: {  	v27 =	vld [tilespmem:s28+$0x14480]  }
0x24f: {  	v24 =	vld [tilespmem:s28+$0x14300]  }
0x250: {  	v33 =	vimm.f32 $0.0e+00;
	v35 =	vimm.f32 $0.0e+00;
	v25 =	vld [tilespmem:s28+$0x14380]  }
0x251: {  	v37 =	vimm.f32 $0.0e+00;
	v36 =	vimm.f32 $0.0e+00;
	v26 =	vld [tilespmem:s28+$0x14400];
	v1 =	vmul.f32 v1, v22  }
0x252: {  	v30 =	vimm.f32 $0.0e+00;
	v2 =	vmul.f32 v2, v22;
	v3 =	vmul.f32 v3, v22  }
0x253: {  	v44 =	vmul.f32 v27, v22;
	v27 =	vimm.f32 $0.0e+00;
	v21 =	vadd.f32 v1, v30;
	v1 =	vld [tilespmem:s28+$0x16100]  }
0x254: {  	v42 =	vld [tilespmem:s28+$0x16180];
	v34 =	vadd.f32 v2, v30;
	v2 =	vmul.f32 v19, v22;
	v19 =	vmul.f32 v23, v22  }
0x255: {  	v39 =	vld [tilespmem:s28+$0x16200];
	v32 =	vadd.f32 v3, v30;
	v3 =	vmul.f32 v24, v22;
	v23 =	vmul.f32 v25, v22  }
0x256: {  	v40 =	vld [tilespmem:s28+$0x16280];
	v31 =	vadd.f32 v2, v30;
	v29 =	vadd.f32 v19, v30;
	v2 =	vmul.f32 v26, v22  }
0x257: {  	s7 =	simm.s32 $0x80;
	s19 =	simm.s32 $0x10;
	v38 =	vld [tilespmem:s28+$0x16300];
	v24 =	vimm.f32 $0.0e+00;
	v28 =	vadd.f32 v3, v30;
	v26 =	vadd.f32 v23, v30  }
0x258: {  	s14 =	sand.u32 $0x1C00, s7;
	s19 =	sand.u32 $0x70, s19;
	s18 =	simm.s32 $0x20;
	v41 =	vld [tilespmem:s28+$0x16380];
	v23 =	vimm.f32 $0.0e+00;
	v25 =	vadd.f32 v2, v30;
	v43 =	vmul.f32 v1, v22  }
.LBB2_10:
0x259: {  	p1 =	sne.s32 s18, $0x3F0;
	s0 =	sadd.s32 s14, s24;
	v30 =	vadd.f32 v44, v30;
	v1 =	vmul.f32 v42, v22;
	v2 =	vld [tilespmem:s28+$0x16400];
	s28 =	sor.u32 s19, s14  }
0x25a: {  	s0 =	sadd.s32 s19, s0;
	v3 =	vld [tilespmem:s28+$0x16480];
	v36 =	vadd.f32 v43, v36;
	v19 =	vmul.f32 v39, v22  }
0x25b: {  	v39 =	vld [tilespmem:s0+$0x0];
	v37 =	vadd.f32 v1, v37;
	v1 =	vmul.f32 v40, v22  }
0x25c: {  	v40 =	vld [tilespmem:s28+$0x14100];
	v35 =	vadd.f32 v19, v35;
	v19 =	vmul.f32 v38, v22  }
0x25d: {  	v38 =	vld [tilespmem:s28+$0x14180];
	v33 =	vadd.f32 v1, v33;
	v1 =	vmul.f32 v41, v22  }
0x25e: {  	v41 =	vld [tilespmem:s28+$0x14200];
	v27 =	vadd.f32 v19, v27;
	v2 =	vmul.f32 v2, v22  }
0x25f: {  	v19 =	vld [tilespmem:s28+$0x14280];
	v24 =	vadd.f32 v1, v24  }
0x260: {  	v1 =	vld [tilespmem:s28+$0x14300];
	v3 =	vmul.f32 v3, v39;
	v23 =	vadd.f32 v2, v23;
	v22 =	vmov v39  }
0x261: {  	v2 =	vmul.f32 v40, v22;
	v39 =	vld [tilespmem:s28+$0x14380]  }
0x262: {  	v38 =	vmul.f32 v38, v22;
	v40 =	vld [tilespmem:s28+$0x14400];
	v21 =	vadd.f32 v3, v21  }
0x263: {  	v34 =	vadd.f32 v2, v34;
	v2 =	vmul.f32 v41, v22;
	v3 =	vld [tilespmem:s28+$0x14480]  }
0x264: {  	v32 =	vadd.f32 v38, v32;
	v19 =	vmul.f32 v19, v22;
	v41 =	vld [tilespmem:s28+$0x16100]  }
.Ltmp7:
0x265: {  	v31 =	vadd.f32 v2, v31;
	v1 =	vmul.f32 v1, v22;
	v42 =	vld [tilespmem:s28+$0x16180];
	(pc) =	sbr.rel @p1 .LBB2_10-.Ltmp7, $4  }
0x266: {  	v29 =	vadd.f32 v19, v29;
	v2 =	vmul.f32 v39, v22;
	v39 =	vld [tilespmem:s28+$0x16200]  }
0x267: {  	v28 =	vadd.f32 v1, v28;
	v1 =	vmul.f32 v40, v22;
	v40 =	vld [tilespmem:s28+$0x16280]  }
0x268: {  	s7 =	sadd.s32 $0x80, s7;
	v26 =	vadd.f32 v2, v26;
	v44 =	vmul.f32 v3, v22;
	v38 =	vld [tilespmem:s28+$0x16300]  }
0x269: {  	s19 =	sand.u32 $0x70, s18;
	s14 =	sand.u32 $0x1C00, s7;
	s18 =	sadd.s32 $0x10, s18;
	v25 =	vadd.f32 v1, v25;
	v43 =	vmul.f32 v41, v22;
	v41 =	vld [tilespmem:s28+$0x16380]  }
0x26a: {  	s7 =	sor.u32 s19, s14;
	v1 =	vld [tilespmem:s28+$0x16400]  }
0x26b: {  	v2 =	vld [tilespmem:s7+$0x16480]  }
0x26c: {  	v19 =	vld [tilespmem:s7+$0x14100]  }
0x26d: {  	v45 =	vld [tilespmem:s7+$0x14180]  }
0x26e: {  	v46 =	vld [tilespmem:s7+$0x14200]  }
0x26f: {  	v47 =	vld [tilespmem:s7+$0x14280]  }
0x270: {  	s0 =	sadd.s32 s14, s24;
	v48 =	vld [tilespmem:s7+$0x14300]  }
0x271: {  	s0 =	sadd.s32 s19, s0;
	v49 =	vld [tilespmem:s7+$0x14380]  }
0x272: {  	v3 =	vld [tilespmem:s0+$0x0]  }
0x273: {  	v50 =	vld [tilespmem:s7+$0x14400]  }
0x274: {  	v51 =	vld [tilespmem:s7+$0x14480]  }
0x275: {  	v52 =	vld [tilespmem:s7+$0x16100]  }
0x276: {  	v53 =	vld [tilespmem:s7+$0x16180]  }
0x277: {  	v54 =	vld [tilespmem:s7+$0x16200];
	v19 =	vmul.f32 v19, v3  }
0x278: {  	v55 =	vld [tilespmem:s7+$0x16280];
	v61 =	vmul.f32 v45, v3  }
0x279: {  	v30 =	vadd.f32 v44, v30;
	v59 =	vld [tilespmem:s7+$0x16400];
	v62 =	vmul.f32 v46, v3;
	v19 =	vadd.f32 v19, v34  }
0x27a: {  	v42 =	vmul.f32 v42, v22;
	v45 =	vld [tilespmem:s7+$0x16300];
	v58 =	vmul.f32 v47, v3;
	v32 =	vadd.f32 v61, v32  }
0x27b: {  	v36 =	vadd.f32 v43, v36;
	v46 =	vld [tilespmem:s7+$0x16380];
	v2 =	vmul.f32 v2, v3;
	v31 =	vadd.f32 v62, v31;
	[tilespmem:$0x1C100] =	vst v19  }
0x27c: {  	v60 =	vmul.f32 v39, v22;
	v29 =	vadd.f32 v58, v29;
	v61 =	vmul.f32 v49, v3;
	[tilespmem:$0x1C110] =	vst v32  }
0x27d: {  	v37 =	vadd.f32 v42, v37;
	v2 =	vadd.f32 v2, v21;
	v19 =	vmul.f32 v48, v3;
	[tilespmem:$0x1C120] =	vst v31  }
0x27e: {  	v1 =	vmul.f32 v1, v22;
	v31 =	vmul.f32 v50, v3;
	v26 =	vadd.f32 v61, v26;
	[tilespmem:$0x1C130] =	vst v29  }
0x27f: {  	v62 =	vmul.f32 v54, v3;
	v29 =	vmul.f32 v51, v3;
	[tilespmem:$0x1C1F0] =	vst v2;
	v19 =	vadd.f32 v19, v28  }
0x280: {  	v32 =	vadd.f32 v60, v35;
	v28 =	vmul.f32 v40, v22;
	v25 =	vadd.f32 v31, v25;
	[tilespmem:$0x1C150] =	vst v26  }
0x281: {  	v31 =	vmul.f32 v38, v22;
	v29 =	vadd.f32 v29, v30;
	v30 =	vmul.f32 v53, v3;
	[tilespmem:$0x1C140] =	vst v19  }
0x282: {  	v26 =	vmul.f32 v41, v22;
	v22 =	vadd.f32 v62, v32;
	v19 =	vmul.f32 v52, v3;
	[tilespmem:$0x1C160] =	vst v25  }
0x283: {  	v25 =	vadd.f32 v31, v27;
	v27 =	vadd.f32 v30, v37;
	[tilespmem:$0x1C170] =	vst v29;
	v29 =	vmul.f32 v45, v3  }
0x284: {  	v28 =	vadd.f32 v28, v33;
	v30 =	vmul.f32 v55, v3;
	[tilespmem:$0x1C1A0] =	vst v22;
	v19 =	vadd.f32 v19, v36  }
0x285: {  	v1 =	vadd.f32 v1, v23;
	[tilespmem:$0x1C190] =	vst v27;
	v23 =	vadd.f32 v29, v25;
	v25 =	vmul.f32 v59, v3  }
0x286: {  	[tilespmem:$0x1C180] =	vst v19;
	v19 =	vadd.f32 v26, v24;
	v24 =	vadd.f32 v30, v28;
	v26 =	vmul.f32 v46, v3  }
0x287: {  	v1 =	vadd.f32 v25, v1;
	[tilespmem:$0x1C1C0] =	vst v23  }
0x288: {  	v3 =	vadd.f32 v26, v19;
	[tilespmem:$0x1C1B0] =	vst v24  }
0x289: {  	[tilespmem:$0x1C1E0] =	vst v1  }
0x28a: {  	[tilespmem:$0x1C1D0] =	vst v3  }
0x28b: {  	v1 =	vld.idx.msk [tilespmem:v0+s1+$0x0], $0xffff  }
0x28c: {  	v2 =	vld.idx.msk [tilespmem:v4+s1+$0x0], $0xffff;
	_ =	sdelay $0x1  }
0x28d: {  	v3 =	vld.idx.msk [tilespmem:v5+s1+$0x0], $0xffff;
	_ =	sdelay $0x1  }
0x28e: {  	v19 =	vld.idx.msk [tilespmem:v6+s1+$0x0], $0xffff  }
0x28f: {  	v1 =	vadd.f32 v2, v1  }
0x290: {  	v2 =	vld.idx.msk [tilespmem:v7+s1+$0x0], $0xffff  }
0x291: {  	v1 =	vadd.f32 v3, v1  }
0x292: {  	v3 =	vld.idx.msk [tilespmem:v8+s1+$0x0], $0xffff  }
0x293: {  	v1 =	vadd.f32 v19, v1  }
0x294: {  	v19 =	vld.idx.msk [tilespmem:v9+s1+$0x0], $0xffff  }
0x295: {  	v1 =	vadd.f32 v2, v1  }
0x296: {  	v2 =	vld.idx.msk [tilespmem:v10+s1+$0x0], $0xffff  }
0x297: {  	v1 =	vadd.f32 v3, v1  }
0x298: {  	v3 =	vld.idx.msk [tilespmem:v11+s1+$0x0], $0xffff  }
0x299: {  	v1 =	vadd.f32 v19, v1  }
0x29a: {  	v19 =	vld.idx.msk [tilespmem:v12+s1+$0x0], $0xffff  }
0x29b: {  	v1 =	vadd.f32 v2, v1  }
0x29c: {  	v2 =	vld.idx.msk [tilespmem:v13+s1+$0x0], $0xffff  }
0x29d: {  	v1 =	vadd.f32 v3, v1  }
0x29e: {  	v3 =	vld.idx.msk [tilespmem:v14+s1+$0x0], $0xffff  }
0x29f: {  	v1 =	vadd.f32 v19, v1  }
0x2a0: {  	v19 =	vld.idx.msk [tilespmem:v15+s1+$0x0], $0xffff  }
0x2a1: {  	v1 =	vadd.f32 v2, v1  }
0x2a2: {  	v2 =	vld.idx.msk [tilespmem:v16+s1+$0x0], $0xffff  }
0x2a3: {  	v1 =	vadd.f32 v3, v1  }
0x2a4: {  	v3 =	vld.idx.msk [tilespmem:v17+s1+$0x0], $0xffff  }
0x2a5: {  	v1 =	vadd.f32 v19, v1  }
0x2a6: {  	v19 =	vld.idx.msk [tilespmem:v18+s1+$0x0], $0xffff  }
0x2a7: {  	v1 =	vadd.f32 v2, v1;
	_ =	sdelay $0x1  }
0x2a8: {  	v1 =	vadd.f32 v3, v1;
	_ =	sdelay $0x1  }
0x2a9: {  	v1 =	vadd.f32 v19, v1;
	_ =	sdelay $0x1  }
0x2aa: {  	[tilespmem:s26+$0x1C221] =	vst v1  }
0x2ab: {  	v1 =	vld @!p0 [tilespmem:s2+$0x300];
	_ =	sdelay $0x4  }
0x2ac: {  	v2 =	vshll.u32 @!p0 v1, $0x3  }
0x2ad: {  	v3 =	vlaneseq.u32 @!p0;
	v1 =	vand.u32 @!p0 $0x7, v1;
	v2 =	vand.u32 @!p0 $0xFFFFFFC0, v2  }
0x2ae: {  	v19 =	vshrl.u32 @!p0 v3, $0x3;
	v1 =	vor.u32 @!p0 v1, v2;
	v2 =	vand.u32 @!p0 $0x7, v3  }
0x2af: {  	v19 =	vmul.u32 @!p0 $0x8, v19;
	v2 =	vperm.xlane @!p0 v1, v2;
	_ =	sdelay $0x1  }
0x2b0: {  	v2 =	vadd.s32 @!p0 v19, v2;
	_ =	sdelay $0x3  }
0x2b1: {  	s0 =	simm.s32 @!p0 $0x0;
	s2 =	simm.s32 @!p0 $0x14100  }
0x2b2: {  	v3 =	vor.u32 @!p0 $0x8, v3;
	[tilespmem:s2], [sflag:$0x3] =	stream.indirect_vreg.gather @!p0 [hbm4b:s4+s0], $0x80, v2, vm1, $0xb8;
	[tilespmem:$0x1CA00] =	vst v63  }
0x2b3: {  	v1 =	vperm.xlane @!p0 v1, v3;
	s2 =	simm.s32 @!p0 $0x14900  }
0x2b4: {  	[tilespmem:s2], [sflag:$0x3] =	stream.indirect_vreg.gather @!p0 [hbm4b:s11+s0], $0x80, v2, vm1, $0xb8;
	[tilespmem:$0x1CA00] =	vst v63  }
0x2b5: {  	v1 =	vadd.s32 @!p0 v19, v1;
	s2 =	simm.s32 @!p0 $0x15100  }
0x2b6: {  	[tilespmem:s2], [sflag:$0x3] =	stream.indirect_vreg.gather @!p0 [hbm4b:s12+s0], $0x80, v2, vm1, $0xb8;
	[tilespmem:$0x1CA00] =	vst v63  }
0x2b7: {  	s2 =	simm.s32 @!p0 $0x15900  }
0x2b8: {  	[tilespmem:s2], [sflag:$0x3] =	stream.indirect_vreg.gather @!p0 [hbm4b:s13+s0], $0x80, v2, vm1, $0xb8;
	[tilespmem:$0x1CA00] =	vst v63  }
0x2b9: {  	s2 =	simm.s32 @!p0 $0x16100  }
0x2ba: {  	[tilespmem:s2], [sflag:$0x3] =	stream.indirect_vreg.gather @!p0 [hbm4b:s4+s0], $0x80, v1, vm1, $0xb8;
	[tilespmem:$0x1CA00] =	vst v63  }
0x2bb: {  	s2 =	simm.s32 @!p0 $0x16900  }
0x2bc: {  	[tilespmem:s2], [sflag:$0x3] =	stream.indirect_vreg.gather @!p0 [hbm4b:s11+s0], $0x80, v1, vm1, $0xb8;
	[tilespmem:$0x1CA00] =	vst v63  }
0x2bd: {  	s2 =	simm.s32 @!p0 $0x17100  }
0x2be: {  	[tilespmem:s2], [sflag:$0x3] =	stream.indirect_vreg.gather @!p0 [hbm4b:s12+s0], $0x80, v1, vm1, $0xb8;
	[tilespmem:$0x1CA00] =	vst v63  }
0x2bf: {  	s2 =	simm.s32 @!p0 $0x17900  }
0x2c0: {  	[tilespmem:s2], [sflag:$0x3] =	stream.indirect_vreg.gather @!p0 [hbm4b:s13+s0], $0x80, v1, vm1, $0xb8;
	[tilespmem:$0x1CA00] =	vst v63  }
0x2c1: {  	s7 =	simm.s32 $0x0;
	_ =	swait.ge [sflag:s6], $0x4000  }
0x2c2: {  	s14 =	sand.u32 $0x70, s7;
	s0 =	sand.u32 $0x1C00, s7;
	[sflag:s6] =	ssyncset.done $0x0  }
0x2c3: {  	s18 =	sadd.s32 s0, s24;
	s2 =	sor.u32 s14, s0;
	[sflag:s6] =	ssyncadd.s32 $0xFFFFC000  }
0x2c4: {  	s19 =	sadd.s32 s14, s18;
	v1 =	vld [tilespmem:s2+$0x1A480]  }
0x2c5: {  	v22 =	vld [tilespmem:s19+$0x0]  }
0x2c6: {  	v2 =	vld [tilespmem:s2+$0x18100]  }
0x2c7: {  	v3 =	vld [tilespmem:s2+$0x18180]  }
0x2c8: {  	v19 =	vld [tilespmem:s2+$0x18200]  }
0x2c9: {  	v23 =	vld [tilespmem:s2+$0x18280]  }
0x2ca: {  	v27 =	vld [tilespmem:s2+$0x18480]  }
0x2cb: {  	v24 =	vld [tilespmem:s2+$0x18300]  }
0x2cc: {  	v35 =	vimm.f32 $0.0e+00;
	v37 =	vimm.f32 $0.0e+00;
	v25 =	vld [tilespmem:s2+$0x18380]  }
0x2cd: {  	v33 =	vimm.f32 $0.0e+00;
	v36 =	vimm.f32 $0.0e+00;
	v26 =	vld [tilespmem:s2+$0x18400];
	v1 =	vmul.f32 v1, v22  }
0x2ce: {  	v30 =	vimm.f32 $0.0e+00;
	v2 =	vmul.f32 v2, v22;
	v3 =	vmul.f32 v3, v22  }
0x2cf: {  	v44 =	vmul.f32 v27, v22;
	v27 =	vimm.f32 $0.0e+00;
	v21 =	vadd.f32 v1, v30;
	v1 =	vld [tilespmem:s2+$0x1A100]  }
0x2d0: {  	v42 =	vld [tilespmem:s2+$0x1A180];
	v34 =	vadd.f32 v2, v30;
	v2 =	vmul.f32 v19, v22;
	v19 =	vmul.f32 v23, v22  }
0x2d1: {  	v39 =	vld [tilespmem:s2+$0x1A200];
	v32 =	vadd.f32 v3, v30;
	v3 =	vmul.f32 v24, v22;
	v23 =	vmul.f32 v25, v22  }
0x2d2: {  	v40 =	vld [tilespmem:s2+$0x1A280];
	v31 =	vadd.f32 v2, v30;
	v29 =	vadd.f32 v19, v30;
	v2 =	vmul.f32 v26, v22  }
0x2d3: {  	s28 =	simm.s32 $0x10;
	s7 =	simm.s32 $0x80;
	v38 =	vld [tilespmem:s2+$0x1A300];
	v24 =	vimm.f32 $0.0e+00;
	v28 =	vadd.f32 v3, v30;
	v26 =	vadd.f32 v23, v30  }
0x2d4: {  	s14 =	sand.u32 $0x1C00, s7;
	s18 =	simm.s32 $0x20;
	s19 =	sand.u32 $0x70, s28;
	v41 =	vld [tilespmem:s2+$0x1A380];
	v23 =	vimm.f32 $0.0e+00;
	v25 =	vadd.f32 v2, v30;
	v43 =	vmul.f32 v1, v22  }
.LBB2_12:
0x2d5: {  	p1 =	sne.s32 s18, $0x3F0;
	s0 =	sadd.s32 s14, s24;
	v30 =	vadd.f32 v44, v30;
	v1 =	vmul.f32 v42, v22;
	v2 =	vld [tilespmem:s2+$0x1A400];
	s2 =	sor.u32 s19, s14  }
0x2d6: {  	s0 =	sadd.s32 s19, s0;
	v3 =	vld [tilespmem:s2+$0x1A480];
	v36 =	vadd.f32 v43, v36;
	v19 =	vmul.f32 v39, v22  }
0x2d7: {  	v39 =	vld [tilespmem:s0+$0x0];
	v37 =	vadd.f32 v1, v37;
	v1 =	vmul.f32 v40, v22  }
0x2d8: {  	v40 =	vld [tilespmem:s2+$0x18100];
	v35 =	vadd.f32 v19, v35;
	v19 =	vmul.f32 v38, v22  }
0x2d9: {  	v38 =	vld [tilespmem:s2+$0x18180];
	v33 =	vadd.f32 v1, v33;
	v1 =	vmul.f32 v41, v22  }
0x2da: {  	v41 =	vld [tilespmem:s2+$0x18200];
	v27 =	vadd.f32 v19, v27;
	v2 =	vmul.f32 v2, v22  }
0x2db: {  	v19 =	vld [tilespmem:s2+$0x18280];
	v24 =	vadd.f32 v1, v24  }
0x2dc: {  	v1 =	vld [tilespmem:s2+$0x18300];
	v3 =	vmul.f32 v3, v39;
	v23 =	vadd.f32 v2, v23;
	v22 =	vmov v39  }
0x2dd: {  	v2 =	vmul.f32 v40, v22;
	v39 =	vld [tilespmem:s2+$0x18380]  }
0x2de: {  	v38 =	vmul.f32 v38, v22;
	v40 =	vld [tilespmem:s2+$0x18400];
	v21 =	vadd.f32 v3, v21  }
0x2df: {  	v34 =	vadd.f32 v2, v34;
	v2 =	vmul.f32 v41, v22;
	v3 =	vld [tilespmem:s2+$0x18480]  }
0x2e0: {  	v32 =	vadd.f32 v38, v32;
	v19 =	vmul.f32 v19, v22;
	v41 =	vld [tilespmem:s2+$0x1A100]  }
.Ltmp8:
0x2e1: {  	v31 =	vadd.f32 v2, v31;
	v1 =	vmul.f32 v1, v22;
	v42 =	vld [tilespmem:s2+$0x1A180];
	(pc) =	sbr.rel @p1 .LBB2_12-.Ltmp8, $4  }
0x2e2: {  	v29 =	vadd.f32 v19, v29;
	v2 =	vmul.f32 v39, v22;
	v39 =	vld [tilespmem:s2+$0x1A200]  }
0x2e3: {  	v28 =	vadd.f32 v1, v28;
	v1 =	vmul.f32 v40, v22;
	v40 =	vld [tilespmem:s2+$0x1A280]  }
0x2e4: {  	s7 =	sadd.s32 $0x80, s7;
	v26 =	vadd.f32 v2, v26;
	v44 =	vmul.f32 v3, v22;
	v38 =	vld [tilespmem:s2+$0x1A300]  }
0x2e5: {  	s19 =	sand.u32 $0x70, s18;
	s14 =	sand.u32 $0x1C00, s7;
	s18 =	sadd.s32 $0x10, s18;
	v25 =	vadd.f32 v1, v25;
	v43 =	vmul.f32 v41, v22;
	v41 =	vld [tilespmem:s2+$0x1A380]  }
0x2e6: {  	s7 =	sor.u32 s19, s14;
	v1 =	vld [tilespmem:s2+$0x1A400]  }
0x2e7: {  	v2 =	vld [tilespmem:s7+$0x1A480]  }
0x2e8: {  	v19 =	vld [tilespmem:s7+$0x18100]  }
0x2e9: {  	v45 =	vld [tilespmem:s7+$0x18180]  }
0x2ea: {  	v46 =	vld [tilespmem:s7+$0x18200]  }
0x2eb: {  	v47 =	vld [tilespmem:s7+$0x18280]  }
0x2ec: {  	s0 =	sadd.s32 s14, s24;
	v48 =	vld [tilespmem:s7+$0x18300]  }
0x2ed: {  	s0 =	sadd.s32 s19, s0;
	v49 =	vld [tilespmem:s7+$0x18380]  }
0x2ee: {  	v3 =	vld [tilespmem:s0+$0x0]  }
0x2ef: {  	v50 =	vld [tilespmem:s7+$0x18400]  }
0x2f0: {  	v51 =	vld [tilespmem:s7+$0x18480]  }
0x2f1: {  	v52 =	vld [tilespmem:s7+$0x1A100]  }
0x2f2: {  	v53 =	vld [tilespmem:s7+$0x1A180]  }
0x2f3: {  	v54 =	vld [tilespmem:s7+$0x1A200];
	v19 =	vmul.f32 v19, v3  }
0x2f4: {  	v42 =	vmul.f32 v42, v22;
	v62 =	vld [tilespmem:s7+$0x1A400];
	v58 =	vmul.f32 v45, v3  }
0x2f5: {  	v55 =	vld [tilespmem:s7+$0x1A280];
	v60 =	vmul.f32 v46, v3;
	v19 =	vadd.f32 v19, v34  }
0x2f6: {  	v59 =	vld [tilespmem:s7+$0x1A300];
	v37 =	vadd.f32 v42, v37;
	v61 =	vmul.f32 v47, v3;
	v32 =	vadd.f32 v58, v32  }
0x2f7: {  	v1 =	vmul.f32 v1, v22;
	v46 =	vld [tilespmem:s7+$0x1A380];
	v42 =	vmul.f32 v49, v3;
	v31 =	vadd.f32 v60, v31;
	[tilespmem:$0x1C100] =	vst v19  }
0x2f8: {  	v30 =	vadd.f32 v44, v30;
	v47 =	vmul.f32 v50, v3;
	v29 =	vadd.f32 v61, v29;
	[tilespmem:$0x1C110] =	vst v32  }
0x2f9: {  	v1 =	vadd.f32 v1, v23;
	v62 =	vmul.f32 v62, v3;
	v26 =	vadd.f32 v42, v26;
	[tilespmem:$0x1C120] =	vst v31  }
0x2fa: {  	v49 =	vmul.f32 v38, v22;
	v25 =	vadd.f32 v47, v25;
	v19 =	vmul.f32 v48, v3;
	[tilespmem:$0x1C130] =	vst v29  }
0x2fb: {  	v50 =	vmul.f32 v53, v3;
	v2 =	vmul.f32 v2, v3;
	v1 =	vadd.f32 v62, v1;
	[tilespmem:$0x1C150] =	vst v26  }
0x2fc: {  	v59 =	vmul.f32 v59, v3;
	v53 =	vadd.f32 v49, v27;
	[tilespmem:$0x1C160] =	vst v25;
	v19 =	vadd.f32 v19, v28  }
0x2fd: {  	v36 =	vadd.f32 v43, v36;
	v2 =	vadd.f32 v2, v21;
	v48 =	vmul.f32 v51, v3;
	[tilespmem:$0x1C1E0] =	vst v1  }
0x2fe: {  	v43 =	vmul.f32 v40, v22;
	v23 =	vadd.f32 v59, v53;
	[tilespmem:$0x1C140] =	vst v19;
	v19 =	vmul.f32 v52, v3  }
0x2ff: {  	v39 =	vmul.f32 v39, v22;
	v58 =	vmul.f32 v55, v3;
	[tilespmem:$0x1C1F0] =	vst v2;
	v29 =	vadd.f32 v48, v30  }
0x300: {  	v51 =	vmul.f32 v41, v22;
	v28 =	vadd.f32 v43, v33;
	[tilespmem:$0x1C1C0] =	vst v23;
	v19 =	vadd.f32 v19, v36  }
0x301: {  	v32 =	vadd.f32 v39, v35;
	v52 =	vmul.f32 v54, v3;
	v54 =	vadd.f32 v50, v37;
	[tilespmem:$0x1C170] =	vst v29  }
0x302: {  	v61 =	vmul.f32 v46, v3;
	v60 =	vadd.f32 v58, v28;
	[tilespmem:$0x1C180] =	vst v19;
	v19 =	vadd.f32 v51, v24  }
0x303: {  	v22 =	vadd.f32 v52, v32;
	[tilespmem:$0x1C190] =	vst v54  }
0x304: {  	[tilespmem:$0x1C1B0] =	vst v60;
	v3 =	vadd.f32 v61, v19  }
0x305: {  	[tilespmem:$0x1C1A0] =	vst v22  }
0x306: {  	[tilespmem:$0x1C1D0] =	vst v3  }
0x307: {  	v1 =	vld.idx.msk [tilespmem:v0+s1+$0x0], $0xffff  }
0x308: {  	v2 =	vld.idx.msk [tilespmem:v4+s1+$0x0], $0xffff;
	_ =	sdelay $0x1  }
0x309: {  	v3 =	vld.idx.msk [tilespmem:v5+s1+$0x0], $0xffff;
	_ =	sdelay $0x1  }
0x30a: {  	v19 =	vld.idx.msk [tilespmem:v6+s1+$0x0], $0xffff  }
0x30b: {  	v1 =	vadd.f32 v2, v1  }
0x30c: {  	v2 =	vld.idx.msk [tilespmem:v7+s1+$0x0], $0xffff  }
0x30d: {  	v1 =	vadd.f32 v3, v1  }
0x30e: {  	v3 =	vld.idx.msk [tilespmem:v8+s1+$0x0], $0xffff  }
0x30f: {  	v1 =	vadd.f32 v19, v1  }
0x310: {  	v19 =	vld.idx.msk [tilespmem:v9+s1+$0x0], $0xffff  }
0x311: {  	v1 =	vadd.f32 v2, v1  }
0x312: {  	v2 =	vld.idx.msk [tilespmem:v10+s1+$0x0], $0xffff  }
0x313: {  	v1 =	vadd.f32 v3, v1  }
0x314: {  	v3 =	vld.idx.msk [tilespmem:v11+s1+$0x0], $0xffff  }
0x315: {  	v1 =	vadd.f32 v19, v1  }
0x316: {  	v19 =	vld.idx.msk [tilespmem:v12+s1+$0x0], $0xffff  }
0x317: {  	v1 =	vadd.f32 v2, v1  }
0x318: {  	v2 =	vld.idx.msk [tilespmem:v13+s1+$0x0], $0xffff  }
0x319: {  	v1 =	vadd.f32 v3, v1  }
0x31a: {  	v3 =	vld.idx.msk [tilespmem:v14+s1+$0x0], $0xffff  }
0x31b: {  	v1 =	vadd.f32 v19, v1  }
0x31c: {  	v19 =	vld.idx.msk [tilespmem:v15+s1+$0x0], $0xffff  }
0x31d: {  	v1 =	vadd.f32 v2, v1  }
0x31e: {  	v2 =	vld.idx.msk [tilespmem:v16+s1+$0x0], $0xffff  }
0x31f: {  	v1 =	vadd.f32 v3, v1  }
0x320: {  	v3 =	vld.idx.msk [tilespmem:v17+s1+$0x0], $0xffff  }
0x321: {  	v1 =	vadd.f32 v19, v1  }
0x322: {  	v19 =	vld.idx.msk [tilespmem:v18+s1+$0x0], $0xffff  }
0x323: {  	v1 =	vadd.f32 v2, v1;
	_ =	sdelay $0x1  }
.Ltmp9:
0x324: {  	v1 =	vadd.f32 v3, v1;
	(pc) =	sbr.rel @p0 .LBB2_15-.Ltmp9, $3  }
0x325: {  	_ = 	snop  }
0x326: {  	v1 =	vadd.f32 v19, v1;
	_ =	sdelay $0x1  }
0x327: {  	[tilespmem:s26+$0x1C231] =	vst v1  }
0x328: {  	_ =	sdelay $0x2  }
0x329: {  	s0 =	sshrl.u32 s25, $0x2  }
0x32a: {  	v1 =	vld.idx.msk [tilespmem:v20+s0+$0x380 ss:$0x1], $0xffff;
	_ =	sdelay $0x4  }
0x32b: {  	v2 =	vshll.u32 v1, $0x3  }
0x32c: {  	v1 =	vand.u32 $0x7, v1;
	v2 =	vand.u32 $0xFFFFFFC0, v2  }
0x32d: {  	v1 =	vor.u32 v1, v2  }
0x32e: {  	v2 =	vperm.xlane v1, v56;
	_ =	sdelay $0x1  }
0x32f: {  	v2 =	vadd.s32 v63, v2;
	_ =	sdelay $0x3  }
0x330: {  	s28 =	simm.s32 $0x18100  }
0x331: {  	[tilespmem:s28], [sflag:$0x4] =	stream.indirect_vreg.gather [hbm4b:s4+s5], $0x80, v2, vm0, $0xb8;
	[tilespmem:$0x1CA00] =	vst v63  }
0x332: {  	v1 =	vperm.xlane v1, v57  }
0x333: {  	[tilespmem:s3], [sflag:$0x4] =	stream.indirect_vreg.gather [hbm4b:s11+s5], $0x80, v2, vm0, $0xb8;
	[tilespmem:$0x1CA00] =	vst v63  }
0x334: {  	v1 =	vadd.s32 v63, v1  }
0x335: {  	[tilespmem:s16], [sflag:$0x4] =	stream.indirect_vreg.gather [hbm4b:s12+s5], $0x80, v2, vm0, $0xb8;
	[tilespmem:$0x1CA00] =	vst v63  }
0x336: {  	_ = 	snop  }
0x337: {  	[tilespmem:s17], [sflag:$0x4] =	stream.indirect_vreg.gather [hbm4b:s13+s5], $0x80, v2, vm0, $0xb8;
	[tilespmem:$0x1CA00] =	vst v63  }
0x338: {  	_ = 	snop  }
0x339: {  	[tilespmem:s8], [sflag:$0x4] =	stream.indirect_vreg.gather [hbm4b:s4+s5], $0x80, v1, vm0, $0xb8;
	[tilespmem:$0x1CA00] =	vst v63  }
0x33a: {  	_ = 	snop  }
0x33b: {  	[tilespmem:s9], [sflag:$0x4] =	stream.indirect_vreg.gather [hbm4b:s11+s5], $0x80, v1, vm0, $0xb8;
	[tilespmem:$0x1CA00] =	vst v63  }
.Ltmp10:
0x33c: {  	_ = 	snop;
	(pc) =	sbr.rel .LBB2_5-.Ltmp10, $4  }
0x33d: {  	_ = 	snop  }
0x33e: {  	[tilespmem:s10], [sflag:$0x4] =	stream.indirect_vreg.gather [hbm4b:s12+s5], $0x80, v1, vm0, $0xb8;
	[tilespmem:$0x1CA00] =	vst v63  }
0x33f: {  	s23 =	sadd.s32 $0x1, s23  }
0x340: {  	[tilespmem:s15], [sflag:$0x4] =	stream.indirect_vreg.gather [hbm4b:s13+s5], $0x80, v1, vm0, $0xb8;
	[tilespmem:$0x1CA00] =	vst v63  }
.LBB2_17:
0x341: {  	_ =	sfence.sel $0x180000  }
0x342: {  	[bflag:$0x0] =	sbarrier.arrive $0xFFFF  }
0x343: {  	_ =	strace $0x90000047  }
0x344: {  	s0 =	stileid.u32;
	[bflag:$0x2] =	sbarrier.arrive $0xFFFF  }
0x345: {  	p0 =	sne.s32 s0, $0x0;
	s0 =	rddreg [dreg:$0x4]  }
0x346: {  	s0 =	sadd.s32 @!p0 $0x100000, s0  }
0x347: {  	[sflag:s0] =	ssyncadd.tile.s32 @!p0 $0x1;
	_ =	shalt  }
.Lfunc_end2:
_tile_overlayer_lowered:
.L_overlay_start_2:
0x348: {  	(tag) =	ssettag $0x2  }
0x349: {  	s0 =	rddreg [dreg:$0x0];
	s2 =	stileid.u32  }
0x34a: {  	s1 =	rddreg [dreg:$0x1];
	p0 =	sne.s32 s2, $0x0  }
0x34b: {  	s3 =	rddreg [dreg:$0x2];
	[bflag:$0x3] =	sbarrier.arrive $0xFFFF;
	s2 =	simm.s32 @!p0 $0x1C07  }
0x34c: {  	[timem:s3], [sflag:s2] =	dma.local @!p0 [hbm:s0], s1  }
0x34d: {  	s0 =	simm.s32 @!p0 $0x7  }
0x34e: {  	_ =	swait.ge @!p0 [sflag:s0], s1  }
0x34f: {  	s1 =	ssub.s32 @!p0 $0x0, s1;
	[sflag:s0] =	ssyncset.done @!p0 $0x0  }
0x350: {  	[sflag:s0] =	ssyncadd.s32 @!p0 s1  }
0x351: {  	[bflag:$0x3] =	sbarrier.arrive $0xFFFF  }
0x352: {  	_ =	shalt  }

</sc_bundles>
